<compile_context>
chip_gen: v7x
topology: tpu7x:2x2x1
jax: 0.10.2.dev20260603
libtpu: 0.0.44.dev20260713+nightly
codegen_flags: <defaults>
</compile_context>

<pallas_src>
import functools

import jax
import jax.numpy as jnp
from jax import lax
from jax.experimental import pallas as pl
from jax.experimental.pallas import tpu as pltpu
from jax.experimental.pallas import tpu_sc as plsc

N = 10000
D = 128
E = 320000
NC = 2
NS = 16
NW = NC * NS
CHUNK = 128
NCHUNK = 80
EPW = NCHUNK * CHUNK
E_PAD = EPW * NW
ACC_ROWS = N + 8
ROWS_PS = 624
ROWS_LAST = N - (NS - 1) * ROWS_PS

_MESH = plsc.VectorSubcoreMesh(core_axis_name="c", subcore_axis_name="s")


def _per_sid_rows(sid, fn):

    @pl.when(sid < NS - 1)
    def _():
        fn(pl.ds(pl.multiple_of(sid * ROWS_PS, 8), ROWS_PS))

    @pl.when(sid == NS - 1)
    def _():
        fn(pl.ds((NS - 1) * ROWS_PS, ROWS_LAST))



@functools.partial(
    pl.kernel,
    out_type=jax.ShapeDtypeStruct((NC * N,), jnp.float32),
    mesh=_MESH,
    scratch_types=[
        pltpu.VMEM((1, CHUNK), jnp.int32),
        pltpu.VMEM((1, CHUNK), jnp.int32),
        pltpu.VMEM((CHUNK,), jnp.float32),
        pltpu.VMEM((ROWS_LAST,), jnp.float32),
        pltpu.VMEM_SHARED((ACC_ROWS,), jnp.float32),
        pltpu.SemaphoreType.DMA,
    ],
)
def _deg_kernel(dst_hbm, out_hbm, didx0, didx1, ones_v, zv, acc, disem):
    cid = lax.axis_index("c")
    sid = lax.axis_index("s")
    wid = sid * NC + cid
    for i in range(ROWS_LAST // 16):
        zv[pl.ds(i * 16, 16)] = jnp.zeros((16,), jnp.float32)
    for i in range(CHUNK // 16):
        ones_v[pl.ds(i * 16, 16)] = jnp.full((16,), 1.0, jnp.float32)

    def _init(rows_off, rows_len):
        pltpu.sync_copy(zv.at[pl.ds(0, rows_len)],
                        acc.at[pl.ds(rows_off, rows_len)])

    @pl.when(sid < NS - 1)
    def _():
        _init(pl.multiple_of(sid * ROWS_PS, 8), ROWS_PS)

    @pl.when(sid == NS - 1)
    def _():
        _init((NS - 1) * ROWS_PS, ROWS_LAST)

    plsc.subcore_barrier()

    base = wid * EPW

    def adidx(t, dslot, *, start):
        d = pltpu.make_async_copy(
            dst_hbm.at[pl.ds(base + t * CHUNK, CHUNK)], dslot.at[0], disem)
        return d.start() if start else d.wait()

    adidx(0, didx0, start=True)

    def process(t, dsl_this, dsl_next, has_next):
        adidx(t, dsl_this, start=False)
        if has_next:
            adidx(t + 1, dsl_next, start=True)
        pltpu.sync_copy(ones_v, acc.at[dsl_this.at[0]], add=True)

    def body(jj, carry):
        t0 = jj * 2
        process(t0, didx0, didx1, True)
        process(t0 + 1, didx1, didx0, True)
        return carry

    lax.fori_loop(0, (NCHUNK - 2) // 2, body, 0)
    process(NCHUNK - 2, didx0, didx1, True)
    process(NCHUNK - 1, didx1, didx0, False)
    plsc.subcore_barrier()

    def _out(rows_off, rows_len):
        pltpu.sync_copy(acc.at[pl.ds(rows_off, rows_len)],
                        zv.at[pl.ds(0, rows_len)])
        pltpu.sync_copy(zv.at[pl.ds(0, rows_len)],
                        out_hbm.at[pl.ds(cid * N + rows_off, rows_len)])

    @pl.when(sid < NS - 1)
    def _():
        _out(pl.multiple_of(sid * ROWS_PS, 8), ROWS_PS)

    @pl.when(sid == NS - 1)
    def _():
        _out((NS - 1) * ROWS_PS, ROWS_LAST)


@functools.partial(
    pl.kernel,
    out_type=jax.ShapeDtypeStruct((NC, N, D), jnp.float32),
    mesh=_MESH,
    scratch_types=[
        pltpu.VMEM((1, CHUNK), jnp.int32),
        pltpu.VMEM((1, CHUNK), jnp.int32),
        pltpu.VMEM((1, CHUNK), jnp.int32),
        pltpu.VMEM((1, CHUNK), jnp.int32),
        pltpu.VMEM((CHUNK, D), jnp.float32),
        pltpu.VMEM((CHUNK, D), jnp.float32),
        pltpu.VMEM_SHARED((ACC_ROWS, D), jnp.float32),
        pltpu.SemaphoreType.DMA,
        pltpu.SemaphoreType.DMA,
        pltpu.SemaphoreType.DMA,
    ],
)
def _prop_kernel(h_hbm, src_hbm, dst_hbm, zeros_hbm, out_hbm,
                 sslot0, sslot1, dslot0, dslot1, buf0, buf1, acc,
                 gsem, sisem, disem):
    cid = lax.axis_index("c")
    sid = lax.axis_index("s")
    wid = sid * NC + cid
    base = wid * EPW

    def load_sidx(t, sslot):
        pltpu.sync_copy(src_hbm.at[pl.ds(base + t * CHUNK, CHUNK)],
                        sslot.at[0])

    def asidx(t, sslot, *, start):
        d = pltpu.make_async_copy(
            src_hbm.at[pl.ds(base + t * CHUNK, CHUNK)], sslot.at[0], sisem)
        return d.start() if start else d.wait()

    def adidx(t, dslot, *, start):
        d = pltpu.make_async_copy(
            dst_hbm.at[pl.ds(base + t * CHUNK, CHUNK)], dslot.at[0], disem)
        return d.start() if start else d.wait()

    def gather(sslot, buf, *, start):
        d = pltpu.make_async_copy(h_hbm.at[sslot.at[0]], buf, gsem)
        return d.start() if start else d.wait()

    def _init(rows):
        @pl.when(cid == 0)
        def _():
            pltpu.sync_copy(h_hbm.at[rows], acc.at[rows])

        @pl.when(cid != 0)
        def _():
            pltpu.sync_copy(zeros_hbm.at[rows], acc.at[rows])

    _per_sid_rows(sid, _init)
    plsc.subcore_barrier()

    load_sidx(0, sslot0)
    gather(sslot0, buf0, start=True)
    asidx(1, sslot1, start=True)
    adidx(0, dslot0, start=True)

    def process(t, sl_this, sl_next, dslot, dsl_next, buf_this, buf_next,
                has_next, has_next2):
        if has_next:
            asidx(t + 1, sl_next, start=False)
        gather(sl_this, buf_this, start=False)
        if has_next:
            gather(sl_next, buf_next, start=True)
        adidx(t, dslot, start=False)
        if has_next2:
            asidx(t + 2, sl_this, start=True)
        if has_next:
            adidx(t + 1, dsl_next, start=True)
        pltpu.sync_copy(buf_this, acc.at[dslot.at[0]], add=True)

    def body(jj, carry):
        t0 = jj * 2
        process(t0, sslot0, sslot1, dslot0, dslot1, buf0, buf1, True, True)
        process(t0 + 1, sslot1, sslot0, dslot1, dslot0, buf1, buf0, True,
                True)
        return carry

    lax.fori_loop(0, (NCHUNK - 2) // 2, body, 0)
    process(NCHUNK - 2, sslot0, sslot1, dslot0, dslot1, buf0, buf1, True,
            False)
    process(NCHUNK - 1, sslot1, sslot0, dslot1, dslot0, buf1, buf0, False,
            False)
    plsc.subcore_barrier()
    _per_sid_rows(sid, lambda rows: pltpu.sync_copy(acc.at[rows],
                                                    out_hbm.at[cid, rows]))



BM = 2000


def _dinv_from_partials(d0_ref, d1_ref):
    deg = d0_ref[0, 0, :] + d1_ref[0, 0, :] + 1.0
    return lax.rsqrt(deg)


def _mm_body(x_ref, w_ref, o_ref):
    o_ref[...] = jnp.dot(x_ref[...], w_ref[...],
                         preferred_element_type=jnp.float32)


def _scale_body(h_ref, d0_ref, d1_ref, o_ref):
    dinv = _dinv_from_partials(d0_ref, d1_ref)
    o_ref[...] = h_ref[...] * dinv[:, None]


def _mid_body(a_ref, d0_ref, d1_ref, b_ref, w_ref, o_ref):
    dinv = _dinv_from_partials(d0_ref, d1_ref)
    s = a_ref[0] + a_ref[1]
    out1 = jnp.maximum(dinv[:, None] * s + b_ref[...], 0.0)
    h2 = jnp.dot(out1, w_ref[...], preferred_element_type=jnp.float32)
    o_ref[...] = h2 * dinv[:, None]


def _final_body(a_ref, d0_ref, d1_ref, b_ref, o_ref):
    dinv = _dinv_from_partials(d0_ref, d1_ref)
    s = a_ref[0] + a_ref[1]
    o_ref[...] = dinv[:, None] * s + b_ref[...]


_DEGP_SPEC = pl.BlockSpec((1, 1, BM), lambda i: (i, 0, 0))
_ROW_SPEC = pl.BlockSpec((BM, D), lambda i: (i, 0))
_MAT_SPEC = pl.BlockSpec((D, D), lambda i: (0, 0))
_BIAS_SPEC = pl.BlockSpec((1, D), lambda i: (0, 0))
_PART_SPEC = pl.BlockSpec((2, BM, D), lambda i: (0, i, 0))
_OUT_STRUCT = jax.ShapeDtypeStruct((N, D), jnp.float32)


def _mm(x, w):
    return pl.pallas_call(
        _mm_body,
        grid=(N // BM,),
        in_specs=[_ROW_SPEC, _MAT_SPEC],
        out_specs=_ROW_SPEC,
        out_shape=_OUT_STRUCT,
    )(x, w)


def _scale(h, d0, d1):
    return pl.pallas_call(
        _scale_body,
        grid=(N // BM,),
        in_specs=[_ROW_SPEC, _DEGP_SPEC, _DEGP_SPEC],
        out_specs=_ROW_SPEC,
        out_shape=_OUT_STRUCT,
    )(h, d0, d1)


def _mid(a, d0, d1, b, w):
    return pl.pallas_call(
        _mid_body,
        grid=(N // BM,),
        in_specs=[_PART_SPEC, _DEGP_SPEC, _DEGP_SPEC, _BIAS_SPEC, _MAT_SPEC],
        out_specs=_ROW_SPEC,
        out_shape=_OUT_STRUCT,
    )(a, d0, d1, b, w)


def _final(a, d0, d1, b):
    return pl.pallas_call(
        _final_body,
        grid=(N // BM,),
        in_specs=[_PART_SPEC, _DEGP_SPEC, _DEGP_SPEC, _BIAS_SPEC],
        out_specs=_ROW_SPEC,
        out_shape=_OUT_STRUCT,
    )(a, d0, d1, b)



def kernel(x, edge_index, W1, b1, W2, b2):
    src = edge_index[0].astype(jnp.int32)
    dst = edge_index[1].astype(jnp.int32)
    npad = E_PAD - E
    pad_src = (jnp.arange(npad, dtype=jnp.int32) * 131) % N
    pad_dst = jnp.full((npad,), N, jnp.int32)
    src = jnp.concatenate([src, pad_src])
    dst = jnp.concatenate([dst, pad_dst])
    zeros_h = jnp.zeros((N, D), jnp.float32)

    degp = _deg_kernel(dst)
    mm1 = _mm(x, W1)
    d0 = degp[:N].reshape(N // BM, 1, BM)
    d1 = degp[N:].reshape(N // BM, 1, BM)
    h1 = _scale(mm1, d0, d1)
    a1 = _prop_kernel(h1, src, dst, zeros_h)
    h2 = _mid(a1, d0, d1, b1.reshape(1, D), W2)
    a2 = _prop_kernel(h2, src, dst, zeros_h)
    return _final(a2, d0, d1, b2.reshape(1, D))

# --- scband reference (transcript-rebuilt; emitter-appended) ---
"""Pipeline reference for scband-gnn-66288525246939 (READ-ONLY COPY).

The authoritative reference and input builder live on the scoring server;
editing this copy changes nothing except your own understanding.
"""

import jax, jax.numpy as jnp
import numpy as np

N_NODES = 10000
N_EDGES = 320000
D_IN = 128
D_HID = 128
D_OUT = 128


def setup_inputs(seed: int = 0) -> dict:
    key = jax.random.key(seed)
    k1, k2, k3, k4, k5, k6 = jax.random.split(key, 6)
    x = jax.random.normal(k1, (N_NODES, D_IN), dtype=jnp.float32)
    edge_index = jax.random.randint(k2, (2, N_EDGES), 0, N_NODES, dtype=jnp.int64)
    # Glorot init for GCNConv weights, zero bias (PyG default)
    s1 = float(np.sqrt(6.0 / (D_IN + D_HID)))
    W1 = jax.random.uniform(k3, (D_IN, D_HID), dtype=jnp.float32, minval=-s1, maxval=s1)
    b1 = jnp.zeros((D_HID,), dtype=jnp.float32)
    s2 = float(np.sqrt(6.0 / (D_HID + D_OUT)))
    W2 = jax.random.uniform(k4, (D_HID, D_OUT), dtype=jnp.float32, minval=-s2, maxval=s2)
    b2 = jnp.zeros((D_OUT,), dtype=jnp.float32)
    return {"x": x, "edge_index": edge_index, "W1": W1, "b1": b1, "W2": W2, "b2": b2}


def _gcn_conv(x, edge_index, W, b):
    # Faithful GCNConv: add self-loops, symmetric normalization D^-1/2 (A+I) D^-1/2
    N = x.shape[0]
    src = edge_index[0]
    dst = edge_index[1]
    sl = jnp.arange(N, dtype=src.dtype)
    src = jnp.concatenate([src, sl])
    dst = jnp.concatenate([dst, sl])
    deg = jnp.zeros((N,), dtype=x.dtype).at[dst].add(1.0)
    deg_inv_sqrt = jnp.where(deg > 0, jax.lax.rsqrt(deg), 0.0)
    norm = deg_inv_sqrt[src] * deg_inv_sqrt[dst]
    h = x @ W
    msg = h[src] * norm[:, None]
    out = jnp.zeros((N, W.shape[1]), dtype=h.dtype).at[dst].add(msg)
    return out + b


def reference(x, edge_index, W1, b1, W2, b2):
    h = _gcn_conv(x, edge_index, W1, b1)
    h = jax.nn.relu(h)
    out = _gcn_conv(h, edge_index, W2, b2)
    return out

if __name__ == "__main__":
    import jax
    _d = setup_inputs()
    print(jax.jit(kernel)(*tuple(_d.values())))

</pallas_src>

<mosaic_0001>
#map = affine_map<(d0, d1) -> (0, 0)>
#map1 = affine_map<(d0, d1) -> (0)>
#map2 = affine_map<(d0, d1) -> (0, 0, 0)>
module attributes {stable_mosaic.version = 14 : i64} {
  func.func @_prop_kernel(%arg0: i32, %arg1: i32, %arg2: memref<10000x128xf32, #tpu.memory_space<hbm>>, %arg3: memref<327680xi32, #tpu.memory_space<hbm>>, %arg4: memref<327680xi32, #tpu.memory_space<hbm>>, %arg5: memref<10000x128xf32, #tpu.memory_space<hbm>>, %arg6: memref<2x10000x128xf32, #tpu.memory_space<hbm>>, %arg7: memref<1x128xi32, #tpu.memory_space<vmem>>, %arg8: memref<1x128xi32, #tpu.memory_space<vmem>>, %arg9: memref<1x128xi32, #tpu.memory_space<vmem>>, %arg10: memref<1x128xi32, #tpu.memory_space<vmem>>, %arg11: memref<128x128xf32, #tpu.memory_space<vmem>>, %arg12: memref<128x128xf32, #tpu.memory_space<vmem>>, %arg13: memref<10008x128xf32, #tpu.memory_space<vmem_shared>>, %arg14: memref<!tpu.dma_semaphore, #tpu.memory_space<semaphore_mem>>, %arg15: memref<!tpu.dma_semaphore, #tpu.memory_space<semaphore_mem>>, %arg16: memref<!tpu.dma_semaphore, #tpu.memory_space<semaphore_mem>>) attributes {dimension_semantics = [#tpu.dimension_semantics<core_parallel>, #tpu.dimension_semantics<subcore_parallel>], iteration_bounds = array<i64: 2, 16>, scalar_prefetch = 0 : i64, scratch_operands = 10 : i64, tpu.core_type = #tpu.core_type<sc_vector_subcore>, window_params = [{transform_indices = #map}, {transform_indices = #map1}, {transform_indices = #map1}, {transform_indices = #map}, {transform_indices = #map2}]} {
    %mul3A = arith.constant 2 : i32
    %mul3A_0 = arith.muli %arg1, %mul3A : i32
    %add3A = arith.addi %mul3A_0, %arg0 : i32
    %mul3A_1 = arith.constant 10240 : i32
    %mul3A_2 = arith.muli %add3A, %mul3A_1 : i32
    %lt3A = arith.constant 15 : i32
    %lt3A_3 = arith.cmpi slt, %arg1, %lt3A : i32
    %convert_element_type3A = arith.extui %lt3A_3 : i1 to i32
    %cond3A = arith.constant 0 : i32
    %cond3A_4 = arith.cmpi ne, %convert_element_type3A, %cond3A : i32
    scf.if %cond3A_4 {
      %mul3A_121 = arith.constant 624 : i32
      %mul3A_122 = arith.muli %arg1, %mul3A_121 : i32
      %multiple_of3A = tpu.assume_multiple %mul3A_122, 8 : i32
      %eq3A_123 = arith.constant 0 : i32
      %eq3A_124 = arith.cmpi eq, %arg0, %eq3A_123 : i32
      %convert_element_type3A_125 = arith.extui %eq3A_124 : i1 to i32
      %cond3A_126 = arith.constant 0 : i32
      %cond3A_127 = arith.cmpi ne, %convert_element_type3A_125, %cond3A_126 : i32
      scf.if %cond3A_127 {
        "tpu.region"() ({
          %run_scoped3A_132 = tpu.sem_alloc : memref<!tpu.dma_semaphore, #tpu.memory_space<semaphore_mem>>
          %dma_start3A_133 = arith.constant 0 : i32
          %dma_start3A_134 = tpu.memref_slice %arg13[%multiple_of3A, %dma_start3A_133] : memref<10008x128xf32, #tpu.memory_space<vmem_shared>> -> memref<624x128xf32, #tpu.memory_space<vmem_shared>>
          %dma_start3A_135 = arith.constant 0 : i32
          %dma_start3A_136 = tpu.memref_slice %arg2[%multiple_of3A, %dma_start3A_135] : memref<10000x128xf32, #tpu.memory_space<hbm>> -> memref<624x128xf32, #tpu.memory_space<hbm>>
          tpu.enqueue_dma source(%dma_start3A_136 : memref<624x128xf32, #tpu.memory_space<hbm>>) target(%dma_start3A_134 : memref<624x128xf32, #tpu.memory_space<vmem_shared>>) target_semaphore(%run_scoped3A_132 : memref<!tpu.dma_semaphore, #tpu.memory_space<semaphore_mem>>)
          %dma_wait3A_137 = arith.constant 0 : i32
          %dma_wait3A_138 = tpu.memref_slice %arg13[%multiple_of3A, %dma_wait3A_137] : memref<10008x128xf32, #tpu.memory_space<vmem_shared>> -> memref<624x128xf32, #tpu.memory_space<vmem_shared>>
          %dma_wait3A_139 = arith.constant 0 : i32
          %dma_wait3A_140 = tpu.memref_slice %arg2[%multiple_of3A, %dma_wait3A_139] : memref<10000x128xf32, #tpu.memory_space<hbm>> -> memref<624x128xf32, #tpu.memory_space<hbm>>
          tpu.wait_dma2 semaphore(%run_scoped3A_132 : memref<!tpu.dma_semaphore, #tpu.memory_space<semaphore_mem>>) src(%dma_wait3A_140 : memref<624x128xf32, #tpu.memory_space<hbm>>) dst(%dma_wait3A_138 : memref<624x128xf32, #tpu.memory_space<vmem_shared>>)
          tpu.yield
        }) : () -> ()
      } else {
      }
      %ne3A = arith.constant 0 : i32
      %ne3A_128 = arith.cmpi ne, %arg0, %ne3A : i32
      %convert_element_type3A_129 = arith.extui %ne3A_128 : i1 to i32
      %cond3A_130 = arith.constant 0 : i32
      %cond3A_131 = arith.cmpi ne, %convert_element_type3A_129, %cond3A_130 : i32
      scf.if %cond3A_131 {
        "tpu.region"() ({
          %run_scoped3A_132 = tpu.sem_alloc : memref<!tpu.dma_semaphore, #tpu.memory_space<semaphore_mem>>
          %dma_start3A_133 = arith.constant 0 : i32
          %dma_start3A_134 = tpu.memref_slice %arg13[%multiple_of3A, %dma_start3A_133] : memref<10008x128xf32, #tpu.memory_space<vmem_shared>> -> memref<624x128xf32, #tpu.memory_space<vmem_shared>>
          %dma_start3A_135 = arith.constant 0 : i32
          %dma_start3A_136 = tpu.memref_slice %arg5[%multiple_of3A, %dma_start3A_135] : memref<10000x128xf32, #tpu.memory_space<hbm>> -> memref<624x128xf32, #tpu.memory_space<hbm>>
          tpu.enqueue_dma source(%dma_start3A_136 : memref<624x128xf32, #tpu.memory_space<hbm>>) target(%dma_start3A_134 : memref<624x128xf32, #tpu.memory_space<vmem_shared>>) target_semaphore(%run_scoped3A_132 : memref<!tpu.dma_semaphore, #tpu.memory_space<semaphore_mem>>)
          %dma_wait3A_137 = arith.constant 0 : i32
          %dma_wait3A_138 = tpu.memref_slice %arg13[%multiple_of3A, %dma_wait3A_137] : memref<10008x128xf32, #tpu.memory_space<vmem_shared>> -> memref<624x128xf32, #tpu.memory_space<vmem_shared>>
          %dma_wait3A_139 = arith.constant 0 : i32
          %dma_wait3A_140 = tpu.memref_slice %arg5[%multiple_of3A, %dma_wait3A_139] : memref<10000x128xf32, #tpu.memory_space<hbm>> -> memref<624x128xf32, #tpu.memory_space<hbm>>
          tpu.wait_dma2 semaphore(%run_scoped3A_132 : memref<!tpu.dma_semaphore, #tpu.memory_space<semaphore_mem>>) src(%dma_wait3A_140 : memref<624x128xf32, #tpu.memory_space<hbm>>) dst(%dma_wait3A_138 : memref<624x128xf32, #tpu.memory_space<vmem_shared>>)
          tpu.yield
        }) : () -> ()
      } else {
      }
    } else {
    }
    %eq3A = arith.constant 15 : i32
    %eq3A_5 = arith.cmpi eq, %arg1, %eq3A : i32
    %convert_element_type3A_6 = arith.extui %eq3A_5 : i1 to i32
    %cond3A_7 = arith.constant 0 : i32
    %cond3A_8 = arith.cmpi ne, %convert_element_type3A_6, %cond3A_7 : i32
    scf.if %cond3A_8 {
      %eq3A_121 = arith.constant 0 : i32
      %eq3A_122 = arith.cmpi eq, %arg0, %eq3A_121 : i32
      %convert_element_type3A_123 = arith.extui %eq3A_122 : i1 to i32
      %cond3A_124 = arith.constant 0 : i32
      %cond3A_125 = arith.cmpi ne, %convert_element_type3A_123, %cond3A_124 : i32
      scf.if %cond3A_125 {
        "tpu.region"() ({
          %run_scoped3A_130 = tpu.sem_alloc : memref<!tpu.dma_semaphore, #tpu.memory_space<semaphore_mem>>
          %dma_start3A_131 = arith.constant 9360 : i32
          %dma_start3A_132 = arith.constant 0 : i32
          %dma_start3A_133 = tpu.memref_slice %arg13[%dma_start3A_131, %dma_start3A_132] : memref<10008x128xf32, #tpu.memory_space<vmem_shared>> -> memref<640x128xf32, #tpu.memory_space<vmem_shared>>
          %dma_start3A_134 = arith.constant 9360 : i32
          %dma_start3A_135 = arith.constant 0 : i32
          %dma_start3A_136 = tpu.memref_slice %arg2[%dma_start3A_134, %dma_start3A_135] : memref<10000x128xf32, #tpu.memory_space<hbm>> -> memref<640x128xf32, #tpu.memory_space<hbm>>
          tpu.enqueue_dma source(%dma_start3A_136 : memref<640x128xf32, #tpu.memory_space<hbm>>) target(%dma_start3A_133 : memref<640x128xf32, #tpu.memory_space<vmem_shared>>) target_semaphore(%run_scoped3A_130 : memref<!tpu.dma_semaphore, #tpu.memory_space<semaphore_mem>>)
          %dma_wait3A_137 = arith.constant 9360 : i32
          %dma_wait3A_138 = arith.constant 0 : i32
          %dma_wait3A_139 = tpu.memref_slice %arg13[%dma_wait3A_137, %dma_wait3A_138] : memref<10008x128xf32, #tpu.memory_space<vmem_shared>> -> memref<640x128xf32, #tpu.memory_space<vmem_shared>>
          %dma_wait3A_140 = arith.constant 9360 : i32
          %dma_wait3A_141 = arith.constant 0 : i32
          %dma_wait3A_142 = tpu.memref_slice %arg2[%dma_wait3A_140, %dma_wait3A_141] : memref<10000x128xf32, #tpu.memory_space<hbm>> -> memref<640x128xf32, #tpu.memory_space<hbm>>
          tpu.wait_dma2 semaphore(%run_scoped3A_130 : memref<!tpu.dma_semaphore, #tpu.memory_space<semaphore_mem>>) src(%dma_wait3A_142 : memref<640x128xf32, #tpu.memory_space<hbm>>) dst(%dma_wait3A_139 : memref<640x128xf32, #tpu.memory_space<vmem_shared>>)
          tpu.yield
        }) : () -> ()
      } else {
      }
      %ne3A = arith.constant 0 : i32
      %ne3A_126 = arith.cmpi ne, %arg0, %ne3A : i32
      %convert_element_type3A_127 = arith.extui %ne3A_126 : i1 to i32
      %cond3A_128 = arith.constant 0 : i32
      %cond3A_129 = arith.cmpi ne, %convert_element_type3A_127, %cond3A_128 : i32
      scf.if %cond3A_129 {
        "tpu.region"() ({
          %run_scoped3A_130 = tpu.sem_alloc : memref<!tpu.dma_semaphore, #tpu.memory_space<semaphore_mem>>
          %dma_start3A_131 = arith.constant 9360 : i32
          %dma_start3A_132 = arith.constant 0 : i32
          %dma_start3A_133 = tpu.memref_slice %arg13[%dma_start3A_131, %dma_start3A_132] : memref<10008x128xf32, #tpu.memory_space<vmem_shared>> -> memref<640x128xf32, #tpu.memory_space<vmem_shared>>
          %dma_start3A_134 = arith.constant 9360 : i32
          %dma_start3A_135 = arith.constant 0 : i32
          %dma_start3A_136 = tpu.memref_slice %arg5[%dma_start3A_134, %dma_start3A_135] : memref<10000x128xf32, #tpu.memory_space<hbm>> -> memref<640x128xf32, #tpu.memory_space<hbm>>
          tpu.enqueue_dma source(%dma_start3A_136 : memref<640x128xf32, #tpu.memory_space<hbm>>) target(%dma_start3A_133 : memref<640x128xf32, #tpu.memory_space<vmem_shared>>) target_semaphore(%run_scoped3A_130 : memref<!tpu.dma_semaphore, #tpu.memory_space<semaphore_mem>>)
          %dma_wait3A_137 = arith.constant 9360 : i32
          %dma_wait3A_138 = arith.constant 0 : i32
          %dma_wait3A_139 = tpu.memref_slice %arg13[%dma_wait3A_137, %dma_wait3A_138] : memref<10008x128xf32, #tpu.memory_space<vmem_shared>> -> memref<640x128xf32, #tpu.memory_space<vmem_shared>>
          %dma_wait3A_140 = arith.constant 9360 : i32
          %dma_wait3A_141 = arith.constant 0 : i32
          %dma_wait3A_142 = tpu.memref_slice %arg5[%dma_wait3A_140, %dma_wait3A_141] : memref<10000x128xf32, #tpu.memory_space<hbm>> -> memref<640x128xf32, #tpu.memory_space<hbm>>
          tpu.wait_dma2 semaphore(%run_scoped3A_130 : memref<!tpu.dma_semaphore, #tpu.memory_space<semaphore_mem>>) src(%dma_wait3A_142 : memref<640x128xf32, #tpu.memory_space<hbm>>) dst(%dma_wait3A_139 : memref<640x128xf32, #tpu.memory_space<vmem_shared>>)
          tpu.yield
        }) : () -> ()
      } else {
      }
    } else {
    }
    %barrier3A = arith.constant 0 : index
    tpu.barrier barrier_id(%barrier3A)
    %add3A_9 = arith.constant 0 : i32
    %add3A_10 = arith.addi %mul3A_2, %add3A_9 : i32
    %run_scoped3A = arith.constant 0 : i32
    "tpu.region"() ({
      %run_scoped3A_121 = tpu.sem_alloc : memref<!tpu.dma_semaphore, #tpu.memory_space<semaphore_mem>>
      %dma_start3A_122 = arith.constant 0 : i32
      %dma_start3A_123 = tpu.memref_slice %arg7[%run_scoped3A, %dma_start3A_122] : memref<1x128xi32, #tpu.memory_space<vmem>> -> memref<1x128xi32, #tpu.memory_space<vmem>>
      %dma_start3A_124 = tpu.memref_squeeze %dma_start3A_123 : memref<1x128xi32, #tpu.memory_space<vmem>> -> memref<128xi32, #tpu.memory_space<vmem>>
      %dma_start3A_125 = tpu.memref_slice %arg3[%add3A_10] : memref<327680xi32, #tpu.memory_space<hbm>> -> memref<128xi32, #tpu.memory_space<hbm>>
      %dma_start3A_126 = arith.constant 0 : i32
      %dma_start3A_127 = tpu.memref_slice %arg7[%run_scoped3A, %dma_start3A_126] : memref<1x128xi32, #tpu.memory_space<vmem>> -> memref<1x128xi32, #tpu.memory_space<vmem>>
      %dma_start3A_128 = tpu.memref_squeeze %dma_start3A_127 : memref<1x128xi32, #tpu.memory_space<vmem>> -> memref<128xi32, #tpu.memory_space<vmem>>
      %dma_start3A_129 = tpu.memref_slice %arg3[%add3A_10] : memref<327680xi32, #tpu.memory_space<hbm>> -> memref<128xi32, #tpu.memory_space<hbm>>
      tpu.enqueue_dma source(%dma_start3A_129 : memref<128xi32, #tpu.memory_space<hbm>>) target(%dma_start3A_128 : memref<128xi32, #tpu.memory_space<vmem>>) target_semaphore(%run_scoped3A_121 : memref<!tpu.dma_semaphore, #tpu.memory_space<semaphore_mem>>)
      %dma_wait3A_130 = arith.constant 0 : i32
      %dma_wait3A_131 = tpu.memref_slice %arg7[%run_scoped3A, %dma_wait3A_130] : memref<1x128xi32, #tpu.memory_space<vmem>> -> memref<1x128xi32, #tpu.memory_space<vmem>>
      %dma_wait3A_132 = tpu.memref_squeeze %dma_wait3A_131 : memref<1x128xi32, #tpu.memory_space<vmem>> -> memref<128xi32, #tpu.memory_space<vmem>>
      %dma_wait3A_133 = tpu.memref_slice %arg3[%add3A_10] : memref<327680xi32, #tpu.memory_space<hbm>> -> memref<128xi32, #tpu.memory_space<hbm>>
      %dma_wait3A_134 = arith.constant 0 : i32
      %dma_wait3A_135 = tpu.memref_slice %arg7[%run_scoped3A, %dma_wait3A_134] : memref<1x128xi32, #tpu.memory_space<vmem>> -> memref<1x128xi32, #tpu.memory_space<vmem>>
      %dma_wait3A_136 = tpu.memref_squeeze %dma_wait3A_135 : memref<1x128xi32, #tpu.memory_space<vmem>> -> memref<128xi32, #tpu.memory_space<vmem>>
      %dma_wait3A_137 = tpu.memref_slice %arg3[%add3A_10] : memref<327680xi32, #tpu.memory_space<hbm>> -> memref<128xi32, #tpu.memory_space<hbm>>
      tpu.wait_dma2 semaphore(%run_scoped3A_121 : memref<!tpu.dma_semaphore, #tpu.memory_space<semaphore_mem>>) src(%dma_wait3A_137 : memref<128xi32, #tpu.memory_space<hbm>>) dst(%dma_wait3A_136 : memref<128xi32, #tpu.memory_space<vmem>>)
      tpu.yield
    }) : () -> ()
    %dma_start3A = arith.constant 0 : i32
    %dma_start3A_11 = arith.constant 0 : i32
    %dma_start3A_12 = tpu.memref_slice %arg7[%dma_start3A, %dma_start3A_11] : memref<1x128xi32, #tpu.memory_space<vmem>> -> memref<1x128xi32, #tpu.memory_space<vmem>>
    %dma_start3A_13 = tpu.memref_squeeze %dma_start3A_12 : memref<1x128xi32, #tpu.memory_space<vmem>> -> memref<128xi32, #tpu.memory_space<vmem>>
    %dma_start3A_14 = arith.constant 0 : i32
    %dma_start3A_15 = arith.constant 0 : i32
    %dma_start3A_16 = tpu.memref_slice %arg2[%dma_start3A_14, %dma_start3A_15] : memref<10000x128xf32, #tpu.memory_space<hbm>> -> memref<10000x128xf32, #tpu.memory_space<hbm>>
    tpu.enqueue_indirect_dma source(%dma_start3A_16 : memref<10000x128xf32, #tpu.memory_space<hbm>>) target(%arg11 : memref<128x128xf32, #tpu.memory_space<vmem>>) offsets(%dma_start3A_13 : memref<128xi32, #tpu.memory_space<vmem>>) semaphore(%arg14 : memref<!tpu.dma_semaphore, #tpu.memory_space<semaphore_mem>>)
    %add3A_17 = arith.constant 128 : i32
    %add3A_18 = arith.addi %mul3A_2, %add3A_17 : i32
    %dma_start3A_19 = arith.constant 0 : i32
    %dma_start3A_20 = arith.constant 0 : i32
    %dma_start3A_21 = tpu.memref_slice %arg8[%dma_start3A_19, %dma_start3A_20] : memref<1x128xi32, #tpu.memory_space<vmem>> -> memref<1x128xi32, #tpu.memory_space<vmem>>
    %dma_start3A_22 = tpu.memref_squeeze %dma_start3A_21 : memref<1x128xi32, #tpu.memory_space<vmem>> -> memref<128xi32, #tpu.memory_space<vmem>>
    %dma_start3A_23 = tpu.memref_slice %arg3[%add3A_18] : memref<327680xi32, #tpu.memory_space<hbm>> -> memref<128xi32, #tpu.memory_space<hbm>>
    %dma_start3A_24 = arith.constant 0 : i32
    %dma_start3A_25 = tpu.memref_slice %arg8[%dma_start3A_19, %dma_start3A_24] : memref<1x128xi32, #tpu.memory_space<vmem>> -> memref<1x128xi32, #tpu.memory_space<vmem>>
    %dma_start3A_26 = tpu.memref_squeeze %dma_start3A_25 : memref<1x128xi32, #tpu.memory_space<vmem>> -> memref<128xi32, #tpu.memory_space<vmem>>
    %dma_start3A_27 = tpu.memref_slice %arg3[%add3A_18] : memref<327680xi32, #tpu.memory_space<hbm>> -> memref<128xi32, #tpu.memory_space<hbm>>
    tpu.enqueue_dma source(%dma_start3A_27 : memref<128xi32, #tpu.memory_space<hbm>>) target(%dma_start3A_26 : memref<128xi32, #tpu.memory_space<vmem>>) target_semaphore(%arg15 : memref<!tpu.dma_semaphore, #tpu.memory_space<semaphore_mem>>)
    %add3A_28 = arith.constant 0 : i32
    %add3A_29 = arith.addi %mul3A_2, %add3A_28 : i32
    %dma_start3A_30 = arith.constant 0 : i32
    %dma_start3A_31 = arith.constant 0 : i32
    %dma_start3A_32 = tpu.memref_slice %arg9[%dma_start3A_30, %dma_start3A_31] : memref<1x128xi32, #tpu.memory_space<vmem>> -> memref<1x128xi32, #tpu.memory_space<vmem>>
    %dma_start3A_33 = tpu.memref_squeeze %dma_start3A_32 : memref<1x128xi32, #tpu.memory_space<vmem>> -> memref<128xi32, #tpu.memory_space<vmem>>
    %dma_start3A_34 = tpu.memref_slice %arg4[%add3A_29] : memref<327680xi32, #tpu.memory_space<hbm>> -> memref<128xi32, #tpu.memory_space<hbm>>
    %dma_start3A_35 = arith.constant 0 : i32
    %dma_start3A_36 = tpu.memref_slice %arg9[%dma_start3A_30, %dma_start3A_35] : memref<1x128xi32, #tpu.memory_space<vmem>> -> memref<1x128xi32, #tpu.memory_space<vmem>>
    %dma_start3A_37 = tpu.memref_squeeze %dma_start3A_36 : memref<1x128xi32, #tpu.memory_space<vmem>> -> memref<128xi32, #tpu.memory_space<vmem>>
    %dma_start3A_38 = tpu.memref_slice %arg4[%add3A_29] : memref<327680xi32, #tpu.memory_space<hbm>> -> memref<128xi32, #tpu.memory_space<hbm>>
    tpu.enqueue_dma source(%dma_start3A_38 : memref<128xi32, #tpu.memory_space<hbm>>) target(%dma_start3A_37 : memref<128xi32, #tpu.memory_space<vmem>>) target_semaphore(%arg16 : memref<!tpu.dma_semaphore, #tpu.memory_space<semaphore_mem>>)
    %scan3A = arith.constant 0 : i32
    %scan3A_39 = arith.constant 0 : i32
    %scan3A_40 = arith.constant 39 : i32
    %scan3A_41 = arith.addi %scan3A_39, %scan3A_40 : i32
    %scan3A_42 = arith.constant 1 : i32
    scf.for %scan3A_121 = %scan3A_39 to %scan3A_41 step %scan3A_42  : i32 {
      %mul3A_122 = arith.constant 2 : i32
      %mul3A_123 = arith.muli %scan3A_121, %mul3A_122 : i32
      %add3A_124 = arith.constant 1 : i32
      %add3A_125 = arith.addi %mul3A_123, %add3A_124 : i32
      %mul3A_126 = arith.constant 128 : i32
      %mul3A_127 = arith.muli %add3A_125, %mul3A_126 : i32
      %add3A_128 = arith.addi %mul3A_2, %mul3A_127 : i32
      %dma_wait3A_129 = arith.constant 0 : i32
      %dma_wait3A_130 = arith.constant 0 : i32
      %dma_wait3A_131 = tpu.memref_slice %arg8[%dma_wait3A_129, %dma_wait3A_130] : memref<1x128xi32, #tpu.memory_space<vmem>> -> memref<1x128xi32, #tpu.memory_space<vmem>>
      %dma_wait3A_132 = tpu.memref_squeeze %dma_wait3A_131 : memref<1x128xi32, #tpu.memory_space<vmem>> -> memref<128xi32, #tpu.memory_space<vmem>>
      %dma_wait3A_133 = tpu.memref_slice %arg3[%add3A_128] : memref<327680xi32, #tpu.memory_space<hbm>> -> memref<128xi32, #tpu.memory_space<hbm>>
      %dma_wait3A_134 = arith.constant 0 : i32
      %dma_wait3A_135 = tpu.memref_slice %arg8[%dma_wait3A_129, %dma_wait3A_134] : memref<1x128xi32, #tpu.memory_space<vmem>> -> memref<1x128xi32, #tpu.memory_space<vmem>>
      %dma_wait3A_136 = tpu.memref_squeeze %dma_wait3A_135 : memref<1x128xi32, #tpu.memory_space<vmem>> -> memref<128xi32, #tpu.memory_space<vmem>>
      %dma_wait3A_137 = tpu.memref_slice %arg3[%add3A_128] : memref<327680xi32, #tpu.memory_space<hbm>> -> memref<128xi32, #tpu.memory_space<hbm>>
      tpu.wait_dma2 semaphore(%arg15 : memref<!tpu.dma_semaphore, #tpu.memory_space<semaphore_mem>>) src(%dma_wait3A_137 : memref<128xi32, #tpu.memory_space<hbm>>) dst(%dma_wait3A_136 : memref<128xi32, #tpu.memory_space<vmem>>)
      %dma_wait3A_138 = arith.constant 0 : i32
      %dma_wait3A_139 = arith.constant 0 : i32
      %dma_wait3A_140 = tpu.memref_slice %arg7[%dma_wait3A_138, %dma_wait3A_139] : memref<1x128xi32, #tpu.memory_space<vmem>> -> memref<1x128xi32, #tpu.memory_space<vmem>>
      %dma_wait3A_141 = tpu.memref_squeeze %dma_wait3A_140 : memref<1x128xi32, #tpu.memory_space<vmem>> -> memref<128xi32, #tpu.memory_space<vmem>>
      %dma_wait3A_142 = arith.constant 0 : i32
      %dma_wait3A_143 = arith.constant 0 : i32
      %dma_wait3A_144 = tpu.memref_slice %arg2[%dma_wait3A_142, %dma_wait3A_143] : memref<10000x128xf32, #tpu.memory_space<hbm>> -> memref<10000x128xf32, #tpu.memory_space<hbm>>
      tpu.wait_indirect_dma semaphore(%arg14 : memref<!tpu.dma_semaphore, #tpu.memory_space<semaphore_mem>>) src(%dma_wait3A_144 : memref<10000x128xf32, #tpu.memory_space<hbm>>) dst(%arg11 : memref<128x128xf32, #tpu.memory_space<vmem>>)
      %dma_start3A_145 = arith.constant 0 : i32
      %dma_start3A_146 = arith.constant 0 : i32
      %dma_start3A_147 = tpu.memref_slice %arg8[%dma_start3A_145, %dma_start3A_146] : memref<1x128xi32, #tpu.memory_space<vmem>> -> memref<1x128xi32, #tpu.memory_space<vmem>>
      %dma_start3A_148 = tpu.memref_squeeze %dma_start3A_147 : memref<1x128xi32, #tpu.memory_space<vmem>> -> memref<128xi32, #tpu.memory_space<vmem>>
      %dma_start3A_149 = arith.constant 0 : i32
      %dma_start3A_150 = arith.constant 0 : i32
      %dma_start3A_151 = tpu.memref_slice %arg2[%dma_start3A_149, %dma_start3A_150] : memref<10000x128xf32, #tpu.memory_space<hbm>> -> memref<10000x128xf32, #tpu.memory_space<hbm>>
      tpu.enqueue_indirect_dma source(%dma_start3A_151 : memref<10000x128xf32, #tpu.memory_space<hbm>>) target(%arg12 : memref<128x128xf32, #tpu.memory_space<vmem>>) offsets(%dma_start3A_148 : memref<128xi32, #tpu.memory_space<vmem>>) semaphore(%arg14 : memref<!tpu.dma_semaphore, #tpu.memory_space<semaphore_mem>>)
      %mul3A_152 = arith.constant 128 : i32
      %mul3A_153 = arith.muli %mul3A_123, %mul3A_152 : i32
      %add3A_154 = arith.addi %mul3A_2, %mul3A_153 : i32
      %dma_wait3A_155 = arith.constant 0 : i32
      %dma_wait3A_156 = arith.constant 0 : i32
      %dma_wait3A_157 = tpu.memref_slice %arg9[%dma_wait3A_155, %dma_wait3A_156] : memref<1x128xi32, #tpu.memory_space<vmem>> -> memref<1x128xi32, #tpu.memory_space<vmem>>
      %dma_wait3A_158 = tpu.memref_squeeze %dma_wait3A_157 : memref<1x128xi32, #tpu.memory_space<vmem>> -> memref<128xi32, #tpu.memory_space<vmem>>
      %dma_wait3A_159 = tpu.memref_slice %arg4[%add3A_154] : memref<327680xi32, #tpu.memory_space<hbm>> -> memref<128xi32, #tpu.memory_space<hbm>>
      %dma_wait3A_160 = arith.constant 0 : i32
      %dma_wait3A_161 = tpu.memref_slice %arg9[%dma_wait3A_155, %dma_wait3A_160] : memref<1x128xi32, #tpu.memory_space<vmem>> -> memref<1x128xi32, #tpu.memory_space<vmem>>
      %dma_wait3A_162 = tpu.memref_squeeze %dma_wait3A_161 : memref<1x128xi32, #tpu.memory_space<vmem>> -> memref<128xi32, #tpu.memory_space<vmem>>
      %dma_wait3A_163 = tpu.memref_slice %arg4[%add3A_154] : memref<327680xi32, #tpu.memory_space<hbm>> -> memref<128xi32, #tpu.memory_space<hbm>>
      tpu.wait_dma2 semaphore(%arg16 : memref<!tpu.dma_semaphore, #tpu.memory_space<semaphore_mem>>) src(%dma_wait3A_163 : memref<128xi32, #tpu.memory_space<hbm>>) dst(%dma_wait3A_162 : memref<128xi32, #tpu.memory_space<vmem>>)
      %add3A_164 = arith.constant 2 : i32
      %add3A_165 = arith.addi %mul3A_123, %add3A_164 : i32
      %mul3A_166 = arith.constant 128 : i32
      %mul3A_167 = arith.muli %add3A_165, %mul3A_166 : i32
      %add3A_168 = arith.addi %mul3A_2, %mul3A_167 : i32
      %dma_start3A_169 = arith.constant 0 : i32
      %dma_start3A_170 = arith.constant 0 : i32
      %dma_start3A_171 = tpu.memref_slice %arg7[%dma_start3A_169, %dma_start3A_170] : memref<1x128xi32, #tpu.memory_space<vmem>> -> memref<1x128xi32, #tpu.memory_space<vmem>>
      %dma_start3A_172 = tpu.memref_squeeze %dma_start3A_171 : memref<1x128xi32, #tpu.memory_space<vmem>> -> memref<128xi32, #tpu.memory_space<vmem>>
      %dma_start3A_173 = tpu.memref_slice %arg3[%add3A_168] : memref<327680xi32, #tpu.memory_space<hbm>> -> memref<128xi32, #tpu.memory_space<hbm>>
      %dma_start3A_174 = arith.constant 0 : i32
      %dma_start3A_175 = tpu.memref_slice %arg7[%dma_start3A_169, %dma_start3A_174] : memref<1x128xi32, #tpu.memory_space<vmem>> -> memref<1x128xi32, #tpu.memory_space<vmem>>
      %dma_start3A_176 = tpu.memref_squeeze %dma_start3A_175 : memref<1x128xi32, #tpu.memory_space<vmem>> -> memref<128xi32, #tpu.memory_space<vmem>>
      %dma_start3A_177 = tpu.memref_slice %arg3[%add3A_168] : memref<327680xi32, #tpu.memory_space<hbm>> -> memref<128xi32, #tpu.memory_space<hbm>>
      tpu.enqueue_dma source(%dma_start3A_177 : memref<128xi32, #tpu.memory_space<hbm>>) target(%dma_start3A_176 : memref<128xi32, #tpu.memory_space<vmem>>) target_semaphore(%arg15 : memref<!tpu.dma_semaphore, #tpu.memory_space<semaphore_mem>>)
      %add3A_178 = arith.constant 1 : i32
      %add3A_179 = arith.addi %mul3A_123, %add3A_178 : i32
      %mul3A_180 = arith.constant 128 : i32
      %mul3A_181 = arith.muli %add3A_179, %mul3A_180 : i32
      %add3A_182 = arith.addi %mul3A_2, %mul3A_181 : i32
      %dma_start3A_183 = arith.constant 0 : i32
      %dma_start3A_184 = arith.constant 0 : i32
      %dma_start3A_185 = tpu.memref_slice %arg10[%dma_start3A_183, %dma_start3A_184] : memref<1x128xi32, #tpu.memory_space<vmem>> -> memref<1x128xi32, #tpu.memory_space<vmem>>
      %dma_start3A_186 = tpu.memref_squeeze %dma_start3A_185 : memref<1x128xi32, #tpu.memory_space<vmem>> -> memref<128xi32, #tpu.memory_space<vmem>>
      %dma_start3A_187 = tpu.memref_slice %arg4[%add3A_182] : memref<327680xi32, #tpu.memory_space<hbm>> -> memref<128xi32, #tpu.memory_space<hbm>>
      %dma_start3A_188 = arith.constant 0 : i32
      %dma_start3A_189 = tpu.memref_slice %arg10[%dma_start3A_183, %dma_start3A_188] : memref<1x128xi32, #tpu.memory_space<vmem>> -> memref<1x128xi32, #tpu.memory_space<vmem>>
      %dma_start3A_190 = tpu.memref_squeeze %dma_start3A_189 : memref<1x128xi32, #tpu.memory_space<vmem>> -> memref<128xi32, #tpu.memory_space<vmem>>
      %dma_start3A_191 = tpu.memref_slice %arg4[%add3A_182] : memref<327680xi32, #tpu.memory_space<hbm>> -> memref<128xi32, #tpu.memory_space<hbm>>
      tpu.enqueue_dma source(%dma_start3A_191 : memref<128xi32, #tpu.memory_space<hbm>>) target(%dma_start3A_190 : memref<128xi32, #tpu.memory_space<vmem>>) target_semaphore(%arg16 : memref<!tpu.dma_semaphore, #tpu.memory_space<semaphore_mem>>)
      %run_scoped3A_192 = arith.constant 0 : i32
      "tpu.region"() ({
        %run_scoped3A_264 = tpu.sem_alloc : memref<!tpu.dma_semaphore, #tpu.memory_space<semaphore_mem>>
        %dma_start3A_265 = arith.constant 0 : i32
        %dma_start3A_266 = tpu.memref_slice %arg9[%run_scoped3A_192, %dma_start3A_265] : memref<1x128xi32, #tpu.memory_space<vmem>> -> memref<1x128xi32, #tpu.memory_space<vmem>>
        %dma_start3A_267 = tpu.memref_squeeze %dma_start3A_266 : memref<1x128xi32, #tpu.memory_space<vmem>> -> memref<128xi32, #tpu.memory_space<vmem>>
        %dma_start3A_268 = arith.constant 0 : i32
        %dma_start3A_269 = arith.constant 0 : i32
        %dma_start3A_270 = tpu.memref_slice %arg13[%dma_start3A_268, %dma_start3A_269] : memref<10008x128xf32, #tpu.memory_space<vmem_shared>> -> memref<10008x128xf32, #tpu.memory_space<vmem_shared>>
        tpu.enqueue_indirect_dma source(%arg11 : memref<128x128xf32, #tpu.memory_space<vmem>>) target(%dma_start3A_270 : memref<10008x128xf32, #tpu.memory_space<vmem_shared>>) offsets(%dma_start3A_267 : memref<128xi32, #tpu.memory_space<vmem>>) semaphore(%run_scoped3A_264 : memref<!tpu.dma_semaphore, #tpu.memory_space<semaphore_mem>>) {add = true}
        %dma_wait3A_271 = arith.constant 0 : i32
        %dma_wait3A_272 = tpu.memref_slice %arg9[%run_scoped3A_192, %dma_wait3A_271] : memref<1x128xi32, #tpu.memory_space<vmem>> -> memref<1x128xi32, #tpu.memory_space<vmem>>
        %dma_wait3A_273 = tpu.memref_squeeze %dma_wait3A_272 : memref<1x128xi32, #tpu.memory_space<vmem>> -> memref<128xi32, #tpu.memory_space<vmem>>
        %dma_wait3A_274 = arith.constant 0 : i32
        %dma_wait3A_275 = arith.constant 0 : i32
        %dma_wait3A_276 = tpu.memref_slice %arg13[%dma_wait3A_274, %dma_wait3A_275] : memref<10008x128xf32, #tpu.memory_space<vmem_shared>> -> memref<10008x128xf32, #tpu.memory_space<vmem_shared>>
        tpu.wait_indirect_dma semaphore(%run_scoped3A_264 : memref<!tpu.dma_semaphore, #tpu.memory_space<semaphore_mem>>) src(%arg11 : memref<128x128xf32, #tpu.memory_space<vmem>>) dst(%dma_wait3A_276 : memref<10008x128xf32, #tpu.memory_space<vmem_shared>>)
        tpu.yield
      }) : () -> ()
      %add3A_193 = arith.constant 1 : i32
      %add3A_194 = arith.addi %mul3A_123, %add3A_193 : i32
      %add3A_195 = arith.constant 1 : i32
      %add3A_196 = arith.addi %add3A_194, %add3A_195 : i32
      %mul3A_197 = arith.constant 128 : i32
      %mul3A_198 = arith.muli %add3A_196, %mul3A_197 : i32
      %add3A_199 = arith.addi %mul3A_2, %mul3A_198 : i32
      %dma_wait3A_200 = arith.constant 0 : i32
      %dma_wait3A_201 = arith.constant 0 : i32
      %dma_wait3A_202 = tpu.memref_slice %arg7[%dma_wait3A_200, %dma_wait3A_201] : memref<1x128xi32, #tpu.memory_space<vmem>> -> memref<1x128xi32, #tpu.memory_space<vmem>>
      %dma_wait3A_203 = tpu.memref_squeeze %dma_wait3A_202 : memref<1x128xi32, #tpu.memory_space<vmem>> -> memref<128xi32, #tpu.memory_space<vmem>>
      %dma_wait3A_204 = tpu.memref_slice %arg3[%add3A_199] : memref<327680xi32, #tpu.memory_space<hbm>> -> memref<128xi32, #tpu.memory_space<hbm>>
      %dma_wait3A_205 = arith.constant 0 : i32
      %dma_wait3A_206 = tpu.memref_slice %arg7[%dma_wait3A_200, %dma_wait3A_205] : memref<1x128xi32, #tpu.memory_space<vmem>> -> memref<1x128xi32, #tpu.memory_space<vmem>>
      %dma_wait3A_207 = tpu.memref_squeeze %dma_wait3A_206 : memref<1x128xi32, #tpu.memory_space<vmem>> -> memref<128xi32, #tpu.memory_space<vmem>>
      %dma_wait3A_208 = tpu.memref_slice %arg3[%add3A_199] : memref<327680xi32, #tpu.memory_space<hbm>> -> memref<128xi32, #tpu.memory_space<hbm>>
      tpu.wait_dma2 semaphore(%arg15 : memref<!tpu.dma_semaphore, #tpu.memory_space<semaphore_mem>>) src(%dma_wait3A_208 : memref<128xi32, #tpu.memory_space<hbm>>) dst(%dma_wait3A_207 : memref<128xi32, #tpu.memory_space<vmem>>)
      %dma_wait3A_209 = arith.constant 0 : i32
      %dma_wait3A_210 = arith.constant 0 : i32
      %dma_wait3A_211 = tpu.memref_slice %arg8[%dma_wait3A_209, %dma_wait3A_210] : memref<1x128xi32, #tpu.memory_space<vmem>> -> memref<1x128xi32, #tpu.memory_space<vmem>>
      %dma_wait3A_212 = tpu.memref_squeeze %dma_wait3A_211 : memref<1x128xi32, #tpu.memory_space<vmem>> -> memref<128xi32, #tpu.memory_space<vmem>>
      %dma_wait3A_213 = arith.constant 0 : i32
      %dma_wait3A_214 = arith.constant 0 : i32
      %dma_wait3A_215 = tpu.memref_slice %arg2[%dma_wait3A_213, %dma_wait3A_214] : memref<10000x128xf32, #tpu.memory_space<hbm>> -> memref<10000x128xf32, #tpu.memory_space<hbm>>
      tpu.wait_indirect_dma semaphore(%arg14 : memref<!tpu.dma_semaphore, #tpu.memory_space<semaphore_mem>>) src(%dma_wait3A_215 : memref<10000x128xf32, #tpu.memory_space<hbm>>) dst(%arg12 : memref<128x128xf32, #tpu.memory_space<vmem>>)
      %dma_start3A_216 = arith.constant 0 : i32
      %dma_start3A_217 = arith.constant 0 : i32
      %dma_start3A_218 = tpu.memref_slice %arg7[%dma_start3A_216, %dma_start3A_217] : memref<1x128xi32, #tpu.memory_space<vmem>> -> memref<1x128xi32, #tpu.memory_space<vmem>>
      %dma_start3A_219 = tpu.memref_squeeze %dma_start3A_218 : memref<1x128xi32, #tpu.memory_space<vmem>> -> memref<128xi32, #tpu.memory_space<vmem>>
      %dma_start3A_220 = arith.constant 0 : i32
      %dma_start3A_221 = arith.constant 0 : i32
      %dma_start3A_222 = tpu.memref_slice %arg2[%dma_start3A_220, %dma_start3A_221] : memref<10000x128xf32, #tpu.memory_space<hbm>> -> memref<10000x128xf32, #tpu.memory_space<hbm>>
      tpu.enqueue_indirect_dma source(%dma_start3A_222 : memref<10000x128xf32, #tpu.memory_space<hbm>>) target(%arg11 : memref<128x128xf32, #tpu.memory_space<vmem>>) offsets(%dma_start3A_219 : memref<128xi32, #tpu.memory_space<vmem>>) semaphore(%arg14 : memref<!tpu.dma_semaphore, #tpu.memory_space<semaphore_mem>>)
      %mul3A_223 = arith.constant 128 : i32
      %mul3A_224 = arith.muli %add3A_194, %mul3A_223 : i32
      %add3A_225 = arith.addi %mul3A_2, %mul3A_224 : i32
      %dma_wait3A_226 = arith.constant 0 : i32
      %dma_wait3A_227 = arith.constant 0 : i32
      %dma_wait3A_228 = tpu.memref_slice %arg10[%dma_wait3A_226, %dma_wait3A_227] : memref<1x128xi32, #tpu.memory_space<vmem>> -> memref<1x128xi32, #tpu.memory_space<vmem>>
      %dma_wait3A_229 = tpu.memref_squeeze %dma_wait3A_228 : memref<1x128xi32, #tpu.memory_space<vmem>> -> memref<128xi32, #tpu.memory_space<vmem>>
      %dma_wait3A_230 = tpu.memref_slice %arg4[%add3A_225] : memref<327680xi32, #tpu.memory_space<hbm>> -> memref<128xi32, #tpu.memory_space<hbm>>
      %dma_wait3A_231 = arith.constant 0 : i32
      %dma_wait3A_232 = tpu.memref_slice %arg10[%dma_wait3A_226, %dma_wait3A_231] : memref<1x128xi32, #tpu.memory_space<vmem>> -> memref<1x128xi32, #tpu.memory_space<vmem>>
      %dma_wait3A_233 = tpu.memref_squeeze %dma_wait3A_232 : memref<1x128xi32, #tpu.memory_space<vmem>> -> memref<128xi32, #tpu.memory_space<vmem>>
      %dma_wait3A_234 = tpu.memref_slice %arg4[%add3A_225] : memref<327680xi32, #tpu.memory_space<hbm>> -> memref<128xi32, #tpu.memory_space<hbm>>
      tpu.wait_dma2 semaphore(%arg16 : memref<!tpu.dma_semaphore, #tpu.memory_space<semaphore_mem>>) src(%dma_wait3A_234 : memref<128xi32, #tpu.memory_space<hbm>>) dst(%dma_wait3A_233 : memref<128xi32, #tpu.memory_space<vmem>>)
      %add3A_235 = arith.constant 2 : i32
      %add3A_236 = arith.addi %add3A_194, %add3A_235 : i32
      %mul3A_237 = arith.constant 128 : i32
      %mul3A_238 = arith.muli %add3A_236, %mul3A_237 : i32
      %add3A_239 = arith.addi %mul3A_2, %mul3A_238 : i32
      %dma_start3A_240 = arith.constant 0 : i32
      %dma_start3A_241 = arith.constant 0 : i32
      %dma_start3A_242 = tpu.memref_slice %arg8[%dma_start3A_240, %dma_start3A_241] : memref<1x128xi32, #tpu.memory_space<vmem>> -> memref<1x128xi32, #tpu.memory_space<vmem>>
      %dma_start3A_243 = tpu.memref_squeeze %dma_start3A_242 : memref<1x128xi32, #tpu.memory_space<vmem>> -> memref<128xi32, #tpu.memory_space<vmem>>
      %dma_start3A_244 = tpu.memref_slice %arg3[%add3A_239] : memref<327680xi32, #tpu.memory_space<hbm>> -> memref<128xi32, #tpu.memory_space<hbm>>
      %dma_start3A_245 = arith.constant 0 : i32
      %dma_start3A_246 = tpu.memref_slice %arg8[%dma_start3A_240, %dma_start3A_245] : memref<1x128xi32, #tpu.memory_space<vmem>> -> memref<1x128xi32, #tpu.memory_space<vmem>>
      %dma_start3A_247 = tpu.memref_squeeze %dma_start3A_246 : memref<1x128xi32, #tpu.memory_space<vmem>> -> memref<128xi32, #tpu.memory_space<vmem>>
      %dma_start3A_248 = tpu.memref_slice %arg3[%add3A_239] : memref<327680xi32, #tpu.memory_space<hbm>> -> memref<128xi32, #tpu.memory_space<hbm>>
      tpu.enqueue_dma source(%dma_start3A_248 : memref<128xi32, #tpu.memory_space<hbm>>) target(%dma_start3A_247 : memref<128xi32, #tpu.memory_space<vmem>>) target_semaphore(%arg15 : memref<!tpu.dma_semaphore, #tpu.memory_space<semaphore_mem>>)
      %add3A_249 = arith.constant 1 : i32
      %add3A_250 = arith.addi %add3A_194, %add3A_249 : i32
      %mul3A_251 = arith.constant 128 : i32
      %mul3A_252 = arith.muli %add3A_250, %mul3A_251 : i32
      %add3A_253 = arith.addi %mul3A_2, %mul3A_252 : i32
      %dma_start3A_254 = arith.constant 0 : i32
      %dma_start3A_255 = arith.constant 0 : i32
      %dma_start3A_256 = tpu.memref_slice %arg9[%dma_start3A_254, %dma_start3A_255] : memref<1x128xi32, #tpu.memory_space<vmem>> -> memref<1x128xi32, #tpu.memory_space<vmem>>
      %dma_start3A_257 = tpu.memref_squeeze %dma_start3A_256 : memref<1x128xi32, #tpu.memory_space<vmem>> -> memref<128xi32, #tpu.memory_space<vmem>>
      %dma_start3A_258 = tpu.memref_slice %arg4[%add3A_253] : memref<327680xi32, #tpu.memory_space<hbm>> -> memref<128xi32, #tpu.memory_space<hbm>>
      %dma_start3A_259 = arith.constant 0 : i32
      %dma_start3A_260 = tpu.memref_slice %arg9[%dma_start3A_254, %dma_start3A_259] : memref<1x128xi32, #tpu.memory_space<vmem>> -> memref<1x128xi32, #tpu.memory_space<vmem>>
      %dma_start3A_261 = tpu.memref_squeeze %dma_start3A_260 : memref<1x128xi32, #tpu.memory_space<vmem>> -> memref<128xi32, #tpu.memory_space<vmem>>
      %dma_start3A_262 = tpu.memref_slice %arg4[%add3A_253] : memref<327680xi32, #tpu.memory_space<hbm>> -> memref<128xi32, #tpu.memory_space<hbm>>
      tpu.enqueue_dma source(%dma_start3A_262 : memref<128xi32, #tpu.memory_space<hbm>>) target(%dma_start3A_261 : memref<128xi32, #tpu.memory_space<vmem>>) target_semaphore(%arg16 : memref<!tpu.dma_semaphore, #tpu.memory_space<semaphore_mem>>)
      %run_scoped3A_263 = arith.constant 0 : i32
      "tpu.region"() ({
        %run_scoped3A_264 = tpu.sem_alloc : memref<!tpu.dma_semaphore, #tpu.memory_space<semaphore_mem>>
        %dma_start3A_265 = arith.constant 0 : i32
        %dma_start3A_266 = tpu.memref_slice %arg10[%run_scoped3A_263, %dma_start3A_265] : memref<1x128xi32, #tpu.memory_space<vmem>> -> memref<1x128xi32, #tpu.memory_space<vmem>>
        %dma_start3A_267 = tpu.memref_squeeze %dma_start3A_266 : memref<1x128xi32, #tpu.memory_space<vmem>> -> memref<128xi32, #tpu.memory_space<vmem>>
        %dma_start3A_268 = arith.constant 0 : i32
        %dma_start3A_269 = arith.constant 0 : i32
        %dma_start3A_270 = tpu.memref_slice %arg13[%dma_start3A_268, %dma_start3A_269] : memref<10008x128xf32, #tpu.memory_space<vmem_shared>> -> memref<10008x128xf32, #tpu.memory_space<vmem_shared>>
        tpu.enqueue_indirect_dma source(%arg12 : memref<128x128xf32, #tpu.memory_space<vmem>>) target(%dma_start3A_270 : memref<10008x128xf32, #tpu.memory_space<vmem_shared>>) offsets(%dma_start3A_267 : memref<128xi32, #tpu.memory_space<vmem>>) semaphore(%run_scoped3A_264 : memref<!tpu.dma_semaphore, #tpu.memory_space<semaphore_mem>>) {add = true}
        %dma_wait3A_271 = arith.constant 0 : i32
        %dma_wait3A_272 = tpu.memref_slice %arg10[%run_scoped3A_263, %dma_wait3A_271] : memref<1x128xi32, #tpu.memory_space<vmem>> -> memref<1x128xi32, #tpu.memory_space<vmem>>
        %dma_wait3A_273 = tpu.memref_squeeze %dma_wait3A_272 : memref<1x128xi32, #tpu.memory_space<vmem>> -> memref<128xi32, #tpu.memory_space<vmem>>
        %dma_wait3A_274 = arith.constant 0 : i32
        %dma_wait3A_275 = arith.constant 0 : i32
        %dma_wait3A_276 = tpu.memref_slice %arg13[%dma_wait3A_274, %dma_wait3A_275] : memref<10008x128xf32, #tpu.memory_space<vmem_shared>> -> memref<10008x128xf32, #tpu.memory_space<vmem_shared>>
        tpu.wait_indirect_dma semaphore(%run_scoped3A_264 : memref<!tpu.dma_semaphore, #tpu.memory_space<semaphore_mem>>) src(%arg12 : memref<128x128xf32, #tpu.memory_space<vmem>>) dst(%dma_wait3A_276 : memref<10008x128xf32, #tpu.memory_space<vmem_shared>>)
        tpu.yield
      }) : () -> ()
    }
    %scan3A_43 = arith.constant 39 : i32
    %add3A_44 = arith.constant 10112 : i32
    %add3A_45 = arith.addi %mul3A_2, %add3A_44 : i32
    %dma_wait3A = arith.constant 0 : i32
    %dma_wait3A_46 = arith.constant 0 : i32
    %dma_wait3A_47 = tpu.memref_slice %arg8[%dma_wait3A, %dma_wait3A_46] : memref<1x128xi32, #tpu.memory_space<vmem>> -> memref<1x128xi32, #tpu.memory_space<vmem>>
    %dma_wait3A_48 = tpu.memref_squeeze %dma_wait3A_47 : memref<1x128xi32, #tpu.memory_space<vmem>> -> memref<128xi32, #tpu.memory_space<vmem>>
    %dma_wait3A_49 = tpu.memref_slice %arg3[%add3A_45] : memref<327680xi32, #tpu.memory_space<hbm>> -> memref<128xi32, #tpu.memory_space<hbm>>
    %dma_wait3A_50 = arith.constant 0 : i32
    %dma_wait3A_51 = tpu.memref_slice %arg8[%dma_wait3A, %dma_wait3A_50] : memref<1x128xi32, #tpu.memory_space<vmem>> -> memref<1x128xi32, #tpu.memory_space<vmem>>
    %dma_wait3A_52 = tpu.memref_squeeze %dma_wait3A_51 : memref<1x128xi32, #tpu.memory_space<vmem>> -> memref<128xi32, #tpu.memory_space<vmem>>
    %dma_wait3A_53 = tpu.memref_slice %arg3[%add3A_45] : memref<327680xi32, #tpu.memory_space<hbm>> -> memref<128xi32, #tpu.memory_space<hbm>>
    tpu.wait_dma2 semaphore(%arg15 : memref<!tpu.dma_semaphore, #tpu.memory_space<semaphore_mem>>) src(%dma_wait3A_53 : memref<128xi32, #tpu.memory_space<hbm>>) dst(%dma_wait3A_52 : memref<128xi32, #tpu.memory_space<vmem>>)
    %dma_wait3A_54 = arith.constant 0 : i32
    %dma_wait3A_55 = arith.constant 0 : i32
    %dma_wait3A_56 = tpu.memref_slice %arg7[%dma_wait3A_54, %dma_wait3A_55] : memref<1x128xi32, #tpu.memory_space<vmem>> -> memref<1x128xi32, #tpu.memory_space<vmem>>
    %dma_wait3A_57 = tpu.memref_squeeze %dma_wait3A_56 : memref<1x128xi32, #tpu.memory_space<vmem>> -> memref<128xi32, #tpu.memory_space<vmem>>
    %dma_wait3A_58 = arith.constant 0 : i32
    %dma_wait3A_59 = arith.constant 0 : i32
    %dma_wait3A_60 = tpu.memref_slice %arg2[%dma_wait3A_58, %dma_wait3A_59] : memref<10000x128xf32, #tpu.memory_space<hbm>> -> memref<10000x128xf32, #tpu.memory_space<hbm>>
    tpu.wait_indirect_dma semaphore(%arg14 : memref<!tpu.dma_semaphore, #tpu.memory_space<semaphore_mem>>) src(%dma_wait3A_60 : memref<10000x128xf32, #tpu.memory_space<hbm>>) dst(%arg11 : memref<128x128xf32, #tpu.memory_space<vmem>>)
    %dma_start3A_61 = arith.constant 0 : i32
    %dma_start3A_62 = arith.constant 0 : i32
    %dma_start3A_63 = tpu.memref_slice %arg8[%dma_start3A_61, %dma_start3A_62] : memref<1x128xi32, #tpu.memory_space<vmem>> -> memref<1x128xi32, #tpu.memory_space<vmem>>
    %dma_start3A_64 = tpu.memref_squeeze %dma_start3A_63 : memref<1x128xi32, #tpu.memory_space<vmem>> -> memref<128xi32, #tpu.memory_space<vmem>>
    %dma_start3A_65 = arith.constant 0 : i32
    %dma_start3A_66 = arith.constant 0 : i32
    %dma_start3A_67 = tpu.memref_slice %arg2[%dma_start3A_65, %dma_start3A_66] : memref<10000x128xf32, #tpu.memory_space<hbm>> -> memref<10000x128xf32, #tpu.memory_space<hbm>>
    tpu.enqueue_indirect_dma source(%dma_start3A_67 : memref<10000x128xf32, #tpu.memory_space<hbm>>) target(%arg12 : memref<128x128xf32, #tpu.memory_space<vmem>>) offsets(%dma_start3A_64 : memref<128xi32, #tpu.memory_space<vmem>>) semaphore(%arg14 : memref<!tpu.dma_semaphore, #tpu.memory_space<semaphore_mem>>)
    %add3A_68 = arith.constant 9984 : i32
    %add3A_69 = arith.addi %mul3A_2, %add3A_68 : i32
    %dma_wait3A_70 = arith.constant 0 : i32
    %dma_wait3A_71 = arith.constant 0 : i32
    %dma_wait3A_72 = tpu.memref_slice %arg9[%dma_wait3A_70, %dma_wait3A_71] : memref<1x128xi32, #tpu.memory_space<vmem>> -> memref<1x128xi32, #tpu.memory_space<vmem>>
    %dma_wait3A_73 = tpu.memref_squeeze %dma_wait3A_72 : memref<1x128xi32, #tpu.memory_space<vmem>> -> memref<128xi32, #tpu.memory_space<vmem>>
    %dma_wait3A_74 = tpu.memref_slice %arg4[%add3A_69] : memref<327680xi32, #tpu.memory_space<hbm>> -> memref<128xi32, #tpu.memory_space<hbm>>
    %dma_wait3A_75 = arith.constant 0 : i32
    %dma_wait3A_76 = tpu.memref_slice %arg9[%dma_wait3A_70, %dma_wait3A_75] : memref<1x128xi32, #tpu.memory_space<vmem>> -> memref<1x128xi32, #tpu.memory_space<vmem>>
    %dma_wait3A_77 = tpu.memref_squeeze %dma_wait3A_76 : memref<1x128xi32, #tpu.memory_space<vmem>> -> memref<128xi32, #tpu.memory_space<vmem>>
    %dma_wait3A_78 = tpu.memref_slice %arg4[%add3A_69] : memref<327680xi32, #tpu.memory_space<hbm>> -> memref<128xi32, #tpu.memory_space<hbm>>
    tpu.wait_dma2 semaphore(%arg16 : memref<!tpu.dma_semaphore, #tpu.memory_space<semaphore_mem>>) src(%dma_wait3A_78 : memref<128xi32, #tpu.memory_space<hbm>>) dst(%dma_wait3A_77 : memref<128xi32, #tpu.memory_space<vmem>>)
    %add3A_79 = arith.constant 10112 : i32
    %add3A_80 = arith.addi %mul3A_2, %add3A_79 : i32
    %dma_start3A_81 = arith.constant 0 : i32
    %dma_start3A_82 = arith.constant 0 : i32
    %dma_start3A_83 = tpu.memref_slice %arg10[%dma_start3A_81, %dma_start3A_82] : memref<1x128xi32, #tpu.memory_space<vmem>> -> memref<1x128xi32, #tpu.memory_space<vmem>>
    %dma_start3A_84 = tpu.memref_squeeze %dma_start3A_83 : memref<1x128xi32, #tpu.memory_space<vmem>> -> memref<128xi32, #tpu.memory_space<vmem>>
    %dma_start3A_85 = tpu.memref_slice %arg4[%add3A_80] : memref<327680xi32, #tpu.memory_space<hbm>> -> memref<128xi32, #tpu.memory_space<hbm>>
    %dma_start3A_86 = arith.constant 0 : i32
    %dma_start3A_87 = tpu.memref_slice %arg10[%dma_start3A_81, %dma_start3A_86] : memref<1x128xi32, #tpu.memory_space<vmem>> -> memref<1x128xi32, #tpu.memory_space<vmem>>
    %dma_start3A_88 = tpu.memref_squeeze %dma_start3A_87 : memref<1x128xi32, #tpu.memory_space<vmem>> -> memref<128xi32, #tpu.memory_space<vmem>>
    %dma_start3A_89 = tpu.memref_slice %arg4[%add3A_80] : memref<327680xi32, #tpu.memory_space<hbm>> -> memref<128xi32, #tpu.memory_space<hbm>>
    tpu.enqueue_dma source(%dma_start3A_89 : memref<128xi32, #tpu.memory_space<hbm>>) target(%dma_start3A_88 : memref<128xi32, #tpu.memory_space<vmem>>) target_semaphore(%arg16 : memref<!tpu.dma_semaphore, #tpu.memory_space<semaphore_mem>>)
    %run_scoped3A_90 = arith.constant 0 : i32
    "tpu.region"() ({
      %run_scoped3A_121 = tpu.sem_alloc : memref<!tpu.dma_semaphore, #tpu.memory_space<semaphore_mem>>
      %dma_start3A_122 = arith.constant 0 : i32
      %dma_start3A_123 = tpu.memref_slice %arg9[%run_scoped3A_90, %dma_start3A_122] : memref<1x128xi32, #tpu.memory_space<vmem>> -> memref<1x128xi32, #tpu.memory_space<vmem>>
      %dma_start3A_124 = tpu.memref_squeeze %dma_start3A_123 : memref<1x128xi32, #tpu.memory_space<vmem>> -> memref<128xi32, #tpu.memory_space<vmem>>
      %dma_start3A_125 = arith.constant 0 : i32
      %dma_start3A_126 = arith.constant 0 : i32
      %dma_start3A_127 = tpu.memref_slice %arg13[%dma_start3A_125, %dma_start3A_126] : memref<10008x128xf32, #tpu.memory_space<vmem_shared>> -> memref<10008x128xf32, #tpu.memory_space<vmem_shared>>
      tpu.enqueue_indirect_dma source(%arg11 : memref<128x128xf32, #tpu.memory_space<vmem>>) target(%dma_start3A_127 : memref<10008x128xf32, #tpu.memory_space<vmem_shared>>) offsets(%dma_start3A_124 : memref<128xi32, #tpu.memory_space<vmem>>) semaphore(%run_scoped3A_121 : memref<!tpu.dma_semaphore, #tpu.memory_space<semaphore_mem>>) {add = true}
      %dma_wait3A_128 = arith.constant 0 : i32
      %dma_wait3A_129 = tpu.memref_slice %arg9[%run_scoped3A_90, %dma_wait3A_128] : memref<1x128xi32, #tpu.memory_space<vmem>> -> memref<1x128xi32, #tpu.memory_space<vmem>>
      %dma_wait3A_130 = tpu.memref_squeeze %dma_wait3A_129 : memref<1x128xi32, #tpu.memory_space<vmem>> -> memref<128xi32, #tpu.memory_space<vmem>>
      %dma_wait3A_131 = arith.constant 0 : i32
      %dma_wait3A_132 = arith.constant 0 : i32
      %dma_wait3A_133 = tpu.memref_slice %arg13[%dma_wait3A_131, %dma_wait3A_132] : memref<10008x128xf32, #tpu.memory_space<vmem_shared>> -> memref<10008x128xf32, #tpu.memory_space<vmem_shared>>
      tpu.wait_indirect_dma semaphore(%run_scoped3A_121 : memref<!tpu.dma_semaphore, #tpu.memory_space<semaphore_mem>>) src(%arg11 : memref<128x128xf32, #tpu.memory_space<vmem>>) dst(%dma_wait3A_133 : memref<10008x128xf32, #tpu.memory_space<vmem_shared>>)
      tpu.yield
    }) : () -> ()
    %dma_wait3A_91 = arith.constant 0 : i32
    %dma_wait3A_92 = arith.constant 0 : i32
    %dma_wait3A_93 = tpu.memref_slice %arg8[%dma_wait3A_91, %dma_wait3A_92] : memref<1x128xi32, #tpu.memory_space<vmem>> -> memref<1x128xi32, #tpu.memory_space<vmem>>
    %dma_wait3A_94 = tpu.memref_squeeze %dma_wait3A_93 : memref<1x128xi32, #tpu.memory_space<vmem>> -> memref<128xi32, #tpu.memory_space<vmem>>
    %dma_wait3A_95 = arith.constant 0 : i32
    %dma_wait3A_96 = arith.constant 0 : i32
    %dma_wait3A_97 = tpu.memref_slice %arg2[%dma_wait3A_95, %dma_wait3A_96] : memref<10000x128xf32, #tpu.memory_space<hbm>> -> memref<10000x128xf32, #tpu.memory_space<hbm>>
    tpu.wait_indirect_dma semaphore(%arg14 : memref<!tpu.dma_semaphore, #tpu.memory_space<semaphore_mem>>) src(%dma_wait3A_97 : memref<10000x128xf32, #tpu.memory_space<hbm>>) dst(%arg12 : memref<128x128xf32, #tpu.memory_space<vmem>>)
    %add3A_98 = arith.constant 10112 : i32
    %add3A_99 = arith.addi %mul3A_2, %add3A_98 : i32
    %dma_wait3A_100 = arith.constant 0 : i32
    %dma_wait3A_101 = arith.constant 0 : i32
    %dma_wait3A_102 = tpu.memref_slice %arg10[%dma_wait3A_100, %dma_wait3A_101] : memref<1x128xi32, #tpu.memory_space<vmem>> -> memref<1x128xi32, #tpu.memory_space<vmem>>
    %dma_wait3A_103 = tpu.memref_squeeze %dma_wait3A_102 : memref<1x128xi32, #tpu.memory_space<vmem>> -> memref<128xi32, #tpu.memory_space<vmem>>
    %dma_wait3A_104 = tpu.memref_slice %arg4[%add3A_99] : memref<327680xi32, #tpu.memory_space<hbm>> -> memref<128xi32, #tpu.memory_space<hbm>>
    %dma_wait3A_105 = arith.constant 0 : i32
    %dma_wait3A_106 = tpu.memref_slice %arg10[%dma_wait3A_100, %dma_wait3A_105] : memref<1x128xi32, #tpu.memory_space<vmem>> -> memref<1x128xi32, #tpu.memory_space<vmem>>
    %dma_wait3A_107 = tpu.memref_squeeze %dma_wait3A_106 : memref<1x128xi32, #tpu.memory_space<vmem>> -> memref<128xi32, #tpu.memory_space<vmem>>
    %dma_wait3A_108 = tpu.memref_slice %arg4[%add3A_99] : memref<327680xi32, #tpu.memory_space<hbm>> -> memref<128xi32, #tpu.memory_space<hbm>>
    tpu.wait_dma2 semaphore(%arg16 : memref<!tpu.dma_semaphore, #tpu.memory_space<semaphore_mem>>) src(%dma_wait3A_108 : memref<128xi32, #tpu.memory_space<hbm>>) dst(%dma_wait3A_107 : memref<128xi32, #tpu.memory_space<vmem>>)
    %run_scoped3A_109 = arith.constant 0 : i32
    "tpu.region"() ({
      %run_scoped3A_121 = tpu.sem_alloc : memref<!tpu.dma_semaphore, #tpu.memory_space<semaphore_mem>>
      %dma_start3A_122 = arith.constant 0 : i32
      %dma_start3A_123 = tpu.memref_slice %arg10[%run_scoped3A_109, %dma_start3A_122] : memref<1x128xi32, #tpu.memory_space<vmem>> -> memref<1x128xi32, #tpu.memory_space<vmem>>
      %dma_start3A_124 = tpu.memref_squeeze %dma_start3A_123 : memref<1x128xi32, #tpu.memory_space<vmem>> -> memref<128xi32, #tpu.memory_space<vmem>>
      %dma_start3A_125 = arith.constant 0 : i32
      %dma_start3A_126 = arith.constant 0 : i32
      %dma_start3A_127 = tpu.memref_slice %arg13[%dma_start3A_125, %dma_start3A_126] : memref<10008x128xf32, #tpu.memory_space<vmem_shared>> -> memref<10008x128xf32, #tpu.memory_space<vmem_shared>>
      tpu.enqueue_indirect_dma source(%arg12 : memref<128x128xf32, #tpu.memory_space<vmem>>) target(%dma_start3A_127 : memref<10008x128xf32, #tpu.memory_space<vmem_shared>>) offsets(%dma_start3A_124 : memref<128xi32, #tpu.memory_space<vmem>>) semaphore(%run_scoped3A_121 : memref<!tpu.dma_semaphore, #tpu.memory_space<semaphore_mem>>) {add = true}
      %dma_wait3A_128 = arith.constant 0 : i32
      %dma_wait3A_129 = tpu.memref_slice %arg10[%run_scoped3A_109, %dma_wait3A_128] : memref<1x128xi32, #tpu.memory_space<vmem>> -> memref<1x128xi32, #tpu.memory_space<vmem>>
      %dma_wait3A_130 = tpu.memref_squeeze %dma_wait3A_129 : memref<1x128xi32, #tpu.memory_space<vmem>> -> memref<128xi32, #tpu.memory_space<vmem>>
      %dma_wait3A_131 = arith.constant 0 : i32
      %dma_wait3A_132 = arith.constant 0 : i32
      %dma_wait3A_133 = tpu.memref_slice %arg13[%dma_wait3A_131, %dma_wait3A_132] : memref<10008x128xf32, #tpu.memory_space<vmem_shared>> -> memref<10008x128xf32, #tpu.memory_space<vmem_shared>>
      tpu.wait_indirect_dma semaphore(%run_scoped3A_121 : memref<!tpu.dma_semaphore, #tpu.memory_space<semaphore_mem>>) src(%arg12 : memref<128x128xf32, #tpu.memory_space<vmem>>) dst(%dma_wait3A_133 : memref<10008x128xf32, #tpu.memory_space<vmem_shared>>)
      tpu.yield
    }) : () -> ()
    %barrier3A_110 = arith.constant 0 : index
    tpu.barrier barrier_id(%barrier3A_110)
    %lt3A_111 = arith.constant 15 : i32
    %lt3A_112 = arith.cmpi slt, %arg1, %lt3A_111 : i32
    %convert_element_type3A_113 = arith.extui %lt3A_112 : i1 to i32
    %cond3A_114 = arith.constant 0 : i32
    %cond3A_115 = arith.cmpi ne, %convert_element_type3A_113, %cond3A_114 : i32
    scf.if %cond3A_115 {
      %mul3A_121 = arith.constant 624 : i32
      %mul3A_122 = arith.muli %arg1, %mul3A_121 : i32
      %multiple_of3A = tpu.assume_multiple %mul3A_122, 8 : i32
      "tpu.region"() ({
        %run_scoped3A_123 = tpu.sem_alloc : memref<!tpu.dma_semaphore, #tpu.memory_space<semaphore_mem>>
        %dma_start3A_124 = arith.constant 0 : i32
        %dma_start3A_125 = tpu.memref_slice %arg6[%arg0, %multiple_of3A, %dma_start3A_124] : memref<2x10000x128xf32, #tpu.memory_space<hbm>> -> memref<1x624x128xf32, #tpu.memory_space<hbm>>
        %dma_start3A_126 = tpu.memref_squeeze %dma_start3A_125 : memref<1x624x128xf32, #tpu.memory_space<hbm>> -> memref<624x128xf32, #tpu.memory_space<hbm>>
        %dma_start3A_127 = arith.constant 0 : i32
        %dma_start3A_128 = tpu.memref_slice %arg13[%multiple_of3A, %dma_start3A_127] : memref<10008x128xf32, #tpu.memory_space<vmem_shared>> -> memref<624x128xf32, #tpu.memory_space<vmem_shared>>
        tpu.enqueue_dma source(%dma_start3A_128 : memref<624x128xf32, #tpu.memory_space<vmem_shared>>) target(%dma_start3A_126 : memref<624x128xf32, #tpu.memory_space<hbm>>) target_semaphore(%run_scoped3A_123 : memref<!tpu.dma_semaphore, #tpu.memory_space<semaphore_mem>>)
        %dma_wait3A_129 = arith.constant 0 : i32
        %dma_wait3A_130 = tpu.memref_slice %arg6[%arg0, %multiple_of3A, %dma_wait3A_129] : memref<2x10000x128xf32, #tpu.memory_space<hbm>> -> memref<1x624x128xf32, #tpu.memory_space<hbm>>
        %dma_wait3A_131 = tpu.memref_squeeze %dma_wait3A_130 : memref<1x624x128xf32, #tpu.memory_space<hbm>> -> memref<624x128xf32, #tpu.memory_space<hbm>>
        %dma_wait3A_132 = arith.constant 0 : i32
        %dma_wait3A_133 = tpu.memref_slice %arg13[%multiple_of3A, %dma_wait3A_132] : memref<10008x128xf32, #tpu.memory_space<vmem_shared>> -> memref<624x128xf32, #tpu.memory_space<vmem_shared>>
        tpu.wait_dma2 semaphore(%run_scoped3A_123 : memref<!tpu.dma_semaphore, #tpu.memory_space<semaphore_mem>>) src(%dma_wait3A_133 : memref<624x128xf32, #tpu.memory_space<vmem_shared>>) dst(%dma_wait3A_131 : memref<624x128xf32, #tpu.memory_space<hbm>>)
        tpu.yield
      }) : () -> ()
    } else {
    }
    %eq3A_116 = arith.constant 15 : i32
    %eq3A_117 = arith.cmpi eq, %arg1, %eq3A_116 : i32
    %convert_element_type3A_118 = arith.extui %eq3A_117 : i1 to i32
    %cond3A_119 = arith.constant 0 : i32
    %cond3A_120 = arith.cmpi ne, %convert_element_type3A_118, %cond3A_119 : i32
    scf.if %cond3A_120 {
      "tpu.region"() ({
        %run_scoped3A_121 = tpu.sem_alloc : memref<!tpu.dma_semaphore, #tpu.memory_space<semaphore_mem>>
        %dma_start3A_122 = arith.constant 9360 : i32
        %dma_start3A_123 = arith.constant 0 : i32
        %dma_start3A_124 = tpu.memref_slice %arg6[%arg0, %dma_start3A_122, %dma_start3A_123] : memref<2x10000x128xf32, #tpu.memory_space<hbm>> -> memref<1x640x128xf32, #tpu.memory_space<hbm>>
        %dma_start3A_125 = tpu.memref_squeeze %dma_start3A_124 : memref<1x640x128xf32, #tpu.memory_space<hbm>> -> memref<640x128xf32, #tpu.memory_space<hbm>>
        %dma_start3A_126 = arith.constant 9360 : i32
        %dma_start3A_127 = arith.constant 0 : i32
        %dma_start3A_128 = tpu.memref_slice %arg13[%dma_start3A_126, %dma_start3A_127] : memref<10008x128xf32, #tpu.memory_space<vmem_shared>> -> memref<640x128xf32, #tpu.memory_space<vmem_shared>>
        tpu.enqueue_dma source(%dma_start3A_128 : memref<640x128xf32, #tpu.memory_space<vmem_shared>>) target(%dma_start3A_125 : memref<640x128xf32, #tpu.memory_space<hbm>>) target_semaphore(%run_scoped3A_121 : memref<!tpu.dma_semaphore, #tpu.memory_space<semaphore_mem>>)
        %dma_wait3A_129 = arith.constant 9360 : i32
        %dma_wait3A_130 = arith.constant 0 : i32
        %dma_wait3A_131 = tpu.memref_slice %arg6[%arg0, %dma_wait3A_129, %dma_wait3A_130] : memref<2x10000x128xf32, #tpu.memory_space<hbm>> -> memref<1x640x128xf32, #tpu.memory_space<hbm>>
        %dma_wait3A_132 = tpu.memref_squeeze %dma_wait3A_131 : memref<1x640x128xf32, #tpu.memory_space<hbm>> -> memref<640x128xf32, #tpu.memory_space<hbm>>
        %dma_wait3A_133 = arith.constant 9360 : i32
        %dma_wait3A_134 = arith.constant 0 : i32
        %dma_wait3A_135 = tpu.memref_slice %arg13[%dma_wait3A_133, %dma_wait3A_134] : memref<10008x128xf32, #tpu.memory_space<vmem_shared>> -> memref<640x128xf32, #tpu.memory_space<vmem_shared>>
        tpu.wait_dma2 semaphore(%run_scoped3A_121 : memref<!tpu.dma_semaphore, #tpu.memory_space<semaphore_mem>>) src(%dma_wait3A_135 : memref<640x128xf32, #tpu.memory_space<vmem_shared>>) dst(%dma_wait3A_132 : memref<640x128xf32, #tpu.memory_space<hbm>>)
        tpu.yield
      }) : () -> ()
    } else {
    }
    return
  }
}

#map = affine_map<(d0, d1) -> (0)>
module attributes {stable_mosaic.version = 14 : i64} {
  func.func @_deg_kernel(%arg0: i32, %arg1: i32, %arg2: memref<327680xi32, #tpu.memory_space<hbm>>, %arg3: memref<20000xf32, #tpu.memory_space<hbm>>, %arg4: memref<1x128xi32, #tpu.memory_space<vmem>>, %arg5: memref<1x128xi32, #tpu.memory_space<vmem>>, %arg6: memref<128xf32, #tpu.memory_space<vmem>>, %arg7: memref<640xf32, #tpu.memory_space<vmem>>, %arg8: memref<10008xf32, #tpu.memory_space<vmem_shared>>, %arg9: memref<!tpu.dma_semaphore, #tpu.memory_space<semaphore_mem>>) attributes {dimension_semantics = [#tpu.dimension_semantics<core_parallel>, #tpu.dimension_semantics<subcore_parallel>], iteration_bounds = array<i64: 2, 16>, scalar_prefetch = 0 : i64, scratch_operands = 6 : i64, tpu.core_type = #tpu.core_type<sc_vector_subcore>, window_params = [{transform_indices = #map}, {transform_indices = #map}]} {
    %mul3A = arith.constant 2 : i32
    %mul3A_0 = arith.muli %arg1, %mul3A : i32
    %add3A = arith.addi %mul3A_0, %arg0 : i32
    %broadcast_in_dim3A = arith.constant 0.000000e+00 : f32
    %broadcast_in_dim3A_1 = vector.broadcast %broadcast_in_dim3A : f32 to vector<16xf32>
    %swap3A = arith.constant 0 : index
    %swap3A_2 = tpu.vector_load %arg7[%swap3A] {strides = array<i32>} : memref<640xf32, #tpu.memory_space<vmem>>, vector<16xf32>,
    %swap3A_3 = vector.shape_cast %swap3A_2 : vector<16xf32> to vector<16xf32>
    %swap3A_4 = vector.shape_cast %broadcast_in_dim3A_1 : vector<16xf32> to vector<16xf32>
    tpu.vector_store %arg7[%swap3A], %swap3A_4 {strides = array<i32>} : memref<640xf32, #tpu.memory_space<vmem>>, vector<16xf32>,
    %broadcast_in_dim3A_5 = arith.constant 0.000000e+00 : f32
    %broadcast_in_dim3A_6 = vector.broadcast %broadcast_in_dim3A_5 : f32 to vector<16xf32>
    %swap3A_7 = arith.constant 16 : index
    %swap3A_8 = tpu.vector_load %arg7[%swap3A_7] {strides = array<i32>} : memref<640xf32, #tpu.memory_space<vmem>>, vector<16xf32>,
    %swap3A_9 = vector.shape_cast %swap3A_8 : vector<16xf32> to vector<16xf32>
    %swap3A_10 = vector.shape_cast %broadcast_in_dim3A_6 : vector<16xf32> to vector<16xf32>
    tpu.vector_store %arg7[%swap3A_7], %swap3A_10 {strides = array<i32>} : memref<640xf32, #tpu.memory_space<vmem>>, vector<16xf32>,
    %broadcast_in_dim3A_11 = arith.constant 0.000000e+00 : f32
    %broadcast_in_dim3A_12 = vector.broadcast %broadcast_in_dim3A_11 : f32 to vector<16xf32>
    %swap3A_13 = arith.constant 32 : index
    %swap3A_14 = tpu.vector_load %arg7[%swap3A_13] {strides = array<i32>} : memref<640xf32, #tpu.memory_space<vmem>>, vector<16xf32>,
    %swap3A_15 = vector.shape_cast %swap3A_14 : vector<16xf32> to vector<16xf32>
    %swap3A_16 = vector.shape_cast %broadcast_in_dim3A_12 : vector<16xf32> to vector<16xf32>
    tpu.vector_store %arg7[%swap3A_13], %swap3A_16 {strides = array<i32>} : memref<640xf32, #tpu.memory_space<vmem>>, vector<16xf32>,
    %broadcast_in_dim3A_17 = arith.constant 0.000000e+00 : f32
    %broadcast_in_dim3A_18 = vector.broadcast %broadcast_in_dim3A_17 : f32 to vector<16xf32>
    %swap3A_19 = arith.constant 48 : index
    %swap3A_20 = tpu.vector_load %arg7[%swap3A_19] {strides = array<i32>} : memref<640xf32, #tpu.memory_space<vmem>>, vector<16xf32>,
    %swap3A_21 = vector.shape_cast %swap3A_20 : vector<16xf32> to vector<16xf32>
    %swap3A_22 = vector.shape_cast %broadcast_in_dim3A_18 : vector<16xf32> to vector<16xf32>
    tpu.vector_store %arg7[%swap3A_19], %swap3A_22 {strides = array<i32>} : memref<640xf32, #tpu.memory_space<vmem>>, vector<16xf32>,
    %broadcast_in_dim3A_23 = arith.constant 0.000000e+00 : f32
    %broadcast_in_dim3A_24 = vector.broadcast %broadcast_in_dim3A_23 : f32 to vector<16xf32>
    %swap3A_25 = arith.constant 64 : index
    %swap3A_26 = tpu.vector_load %arg7[%swap3A_25] {strides = array<i32>} : memref<640xf32, #tpu.memory_space<vmem>>, vector<16xf32>,
    %swap3A_27 = vector.shape_cast %swap3A_26 : vector<16xf32> to vector<16xf32>
    %swap3A_28 = vector.shape_cast %broadcast_in_dim3A_24 : vector<16xf32> to vector<16xf32>
    tpu.vector_store %arg7[%swap3A_25], %swap3A_28 {strides = array<i32>} : memref<640xf32, #tpu.memory_space<vmem>>, vector<16xf32>,
    %broadcast_in_dim3A_29 = arith.constant 0.000000e+00 : f32
    %broadcast_in_dim3A_30 = vector.broadcast %broadcast_in_dim3A_29 : f32 to vector<16xf32>
    %swap3A_31 = arith.constant 80 : index
    %swap3A_32 = tpu.vector_load %arg7[%swap3A_31] {strides = array<i32>} : memref<640xf32, #tpu.memory_space<vmem>>, vector<16xf32>,
    %swap3A_33 = vector.shape_cast %swap3A_32 : vector<16xf32> to vector<16xf32>
    %swap3A_34 = vector.shape_cast %broadcast_in_dim3A_30 : vector<16xf32> to vector<16xf32>
    tpu.vector_store %arg7[%swap3A_31], %swap3A_34 {strides = array<i32>} : memref<640xf32, #tpu.memory_space<vmem>>, vector<16xf32>,
    %broadcast_in_dim3A_35 = arith.constant 0.000000e+00 : f32
    %broadcast_in_dim3A_36 = vector.broadcast %broadcast_in_dim3A_35 : f32 to vector<16xf32>
    %swap3A_37 = arith.constant 96 : index
    %swap3A_38 = tpu.vector_load %arg7[%swap3A_37] {strides = array<i32>} : memref<640xf32, #tpu.memory_space<vmem>>, vector<16xf32>,
    %swap3A_39 = vector.shape_cast %swap3A_38 : vector<16xf32> to vector<16xf32>
    %swap3A_40 = vector.shape_cast %broadcast_in_dim3A_36 : vector<16xf32> to vector<16xf32>
    tpu.vector_store %arg7[%swap3A_37], %swap3A_40 {strides = array<i32>} : memref<640xf32, #tpu.memory_space<vmem>>, vector<16xf32>,
    %broadcast_in_dim3A_41 = arith.constant 0.000000e+00 : f32
    %broadcast_in_dim3A_42 = vector.broadcast %broadcast_in_dim3A_41 : f32 to vector<16xf32>
    %swap3A_43 = arith.constant 112 : index
    %swap3A_44 = tpu.vector_load %arg7[%swap3A_43] {strides = array<i32>} : memref<640xf32, #tpu.memory_space<vmem>>, vector<16xf32>,
    %swap3A_45 = vector.shape_cast %swap3A_44 : vector<16xf32> to vector<16xf32>
    %swap3A_46 = vector.shape_cast %broadcast_in_dim3A_42 : vector<16xf32> to vector<16xf32>
    tpu.vector_store %arg7[%swap3A_43], %swap3A_46 {strides = array<i32>} : memref<640xf32, #tpu.memory_space<vmem>>, vector<16xf32>,
    %broadcast_in_dim3A_47 = arith.constant 0.000000e+00 : f32
    %broadcast_in_dim3A_48 = vector.broadcast %broadcast_in_dim3A_47 : f32 to vector<16xf32>
    %swap3A_49 = arith.constant 128 : index
    %swap3A_50 = tpu.vector_load %arg7[%swap3A_49] {strides = array<i32>} : memref<640xf32, #tpu.memory_space<vmem>>, vector<16xf32>,
    %swap3A_51 = vector.shape_cast %swap3A_50 : vector<16xf32> to vector<16xf32>
    %swap3A_52 = vector.shape_cast %broadcast_in_dim3A_48 : vector<16xf32> to vector<16xf32>
    tpu.vector_store %arg7[%swap3A_49], %swap3A_52 {strides = array<i32>} : memref<640xf32, #tpu.memory_space<vmem>>, vector<16xf32>,
    %broadcast_in_dim3A_53 = arith.constant 0.000000e+00 : f32
    %broadcast_in_dim3A_54 = vector.broadcast %broadcast_in_dim3A_53 : f32 to vector<16xf32>
    %swap3A_55 = arith.constant 144 : index
    %swap3A_56 = tpu.vector_load %arg7[%swap3A_55] {strides = array<i32>} : memref<640xf32, #tpu.memory_space<vmem>>, vector<16xf32>,
    %swap3A_57 = vector.shape_cast %swap3A_56 : vector<16xf32> to vector<16xf32>
    %swap3A_58 = vector.shape_cast %broadcast_in_dim3A_54 : vector<16xf32> to vector<16xf32>
    tpu.vector_store %arg7[%swap3A_55], %swap3A_58 {strides = array<i32>} : memref<640xf32, #tpu.memory_space<vmem>>, vector<16xf32>,
    %broadcast_in_dim3A_59 = arith.constant 0.000000e+00 : f32
    %broadcast_in_dim3A_60 = vector.broadcast %broadcast_in_dim3A_59 : f32 to vector<16xf32>
    %swap3A_61 = arith.constant 160 : index
    %swap3A_62 = tpu.vector_load %arg7[%swap3A_61] {strides = array<i32>} : memref<640xf32, #tpu.memory_space<vmem>>, vector<16xf32>,
    %swap3A_63 = vector.shape_cast %swap3A_62 : vector<16xf32> to vector<16xf32>
    %swap3A_64 = vector.shape_cast %broadcast_in_dim3A_60 : vector<16xf32> to vector<16xf32>
    tpu.vector_store %arg7[%swap3A_61], %swap3A_64 {strides = array<i32>} : memref<640xf32, #tpu.memory_space<vmem>>, vector<16xf32>,
    %broadcast_in_dim3A_65 = arith.constant 0.000000e+00 : f32
    %broadcast_in_dim3A_66 = vector.broadcast %broadcast_in_dim3A_65 : f32 to vector<16xf32>
    %swap3A_67 = arith.constant 176 : index
    %swap3A_68 = tpu.vector_load %arg7[%swap3A_67] {strides = array<i32>} : memref<640xf32, #tpu.memory_space<vmem>>, vector<16xf32>,
    %swap3A_69 = vector.shape_cast %swap3A_68 : vector<16xf32> to vector<16xf32>
    %swap3A_70 = vector.shape_cast %broadcast_in_dim3A_66 : vector<16xf32> to vector<16xf32>
    tpu.vector_store %arg7[%swap3A_67], %swap3A_70 {strides = array<i32>} : memref<640xf32, #tpu.memory_space<vmem>>, vector<16xf32>,
    %broadcast_in_dim3A_71 = arith.constant 0.000000e+00 : f32
    %broadcast_in_dim3A_72 = vector.broadcast %broadcast_in_dim3A_71 : f32 to vector<16xf32>
    %swap3A_73 = arith.constant 192 : index
    %swap3A_74 = tpu.vector_load %arg7[%swap3A_73] {strides = array<i32>} : memref<640xf32, #tpu.memory_space<vmem>>, vector<16xf32>,
    %swap3A_75 = vector.shape_cast %swap3A_74 : vector<16xf32> to vector<16xf32>
    %swap3A_76 = vector.shape_cast %broadcast_in_dim3A_72 : vector<16xf32> to vector<16xf32>
    tpu.vector_store %arg7[%swap3A_73], %swap3A_76 {strides = array<i32>} : memref<640xf32, #tpu.memory_space<vmem>>, vector<16xf32>,
    %broadcast_in_dim3A_77 = arith.constant 0.000000e+00 : f32
    %broadcast_in_dim3A_78 = vector.broadcast %broadcast_in_dim3A_77 : f32 to vector<16xf32>
    %swap3A_79 = arith.constant 208 : index
    %swap3A_80 = tpu.vector_load %arg7[%swap3A_79] {strides = array<i32>} : memref<640xf32, #tpu.memory_space<vmem>>, vector<16xf32>,
    %swap3A_81 = vector.shape_cast %swap3A_80 : vector<16xf32> to vector<16xf32>
    %swap3A_82 = vector.shape_cast %broadcast_in_dim3A_78 : vector<16xf32> to vector<16xf32>
    tpu.vector_store %arg7[%swap3A_79], %swap3A_82 {strides = array<i32>} : memref<640xf32, #tpu.memory_space<vmem>>, vector<16xf32>,
    %broadcast_in_dim3A_83 = arith.constant 0.000000e+00 : f32
    %broadcast_in_dim3A_84 = vector.broadcast %broadcast_in_dim3A_83 : f32 to vector<16xf32>
    %swap3A_85 = arith.constant 224 : index
    %swap3A_86 = tpu.vector_load %arg7[%swap3A_85] {strides = array<i32>} : memref<640xf32, #tpu.memory_space<vmem>>, vector<16xf32>,
    %swap3A_87 = vector.shape_cast %swap3A_86 : vector<16xf32> to vector<16xf32>
    %swap3A_88 = vector.shape_cast %broadcast_in_dim3A_84 : vector<16xf32> to vector<16xf32>
    tpu.vector_store %arg7[%swap3A_85], %swap3A_88 {strides = array<i32>} : memref<640xf32, #tpu.memory_space<vmem>>, vector<16xf32>,
    %broadcast_in_dim3A_89 = arith.constant 0.000000e+00 : f32
    %broadcast_in_dim3A_90 = vector.broadcast %broadcast_in_dim3A_89 : f32 to vector<16xf32>
    %swap3A_91 = arith.constant 240 : index
    %swap3A_92 = tpu.vector_load %arg7[%swap3A_91] {strides = array<i32>} : memref<640xf32, #tpu.memory_space<vmem>>, vector<16xf32>,
    %swap3A_93 = vector.shape_cast %swap3A_92 : vector<16xf32> to vector<16xf32>
    %swap3A_94 = vector.shape_cast %broadcast_in_dim3A_90 : vector<16xf32> to vector<16xf32>
    tpu.vector_store %arg7[%swap3A_91], %swap3A_94 {strides = array<i32>} : memref<640xf32, #tpu.memory_space<vmem>>, vector<16xf32>,
    %broadcast_in_dim3A_95 = arith.constant 0.000000e+00 : f32
    %broadcast_in_dim3A_96 = vector.broadcast %broadcast_in_dim3A_95 : f32 to vector<16xf32>
    %swap3A_97 = arith.constant 256 : index
    %swap3A_98 = tpu.vector_load %arg7[%swap3A_97] {strides = array<i32>} : memref<640xf32, #tpu.memory_space<vmem>>, vector<16xf32>,
    %swap3A_99 = vector.shape_cast %swap3A_98 : vector<16xf32> to vector<16xf32>
    %swap3A_100 = vector.shape_cast %broadcast_in_dim3A_96 : vector<16xf32> to vector<16xf32>
    tpu.vector_store %arg7[%swap3A_97], %swap3A_100 {strides = array<i32>} : memref<640xf32, #tpu.memory_space<vmem>>, vector<16xf32>,
    %broadcast_in_dim3A_101 = arith.constant 0.000000e+00 : f32
    %broadcast_in_dim3A_102 = vector.broadcast %broadcast_in_dim3A_101 : f32 to vector<16xf32>
    %swap3A_103 = arith.constant 272 : index
    %swap3A_104 = tpu.vector_load %arg7[%swap3A_103] {strides = array<i32>} : memref<640xf32, #tpu.memory_space<vmem>>, vector<16xf32>,
    %swap3A_105 = vector.shape_cast %swap3A_104 : vector<16xf32> to vector<16xf32>
    %swap3A_106 = vector.shape_cast %broadcast_in_dim3A_102 : vector<16xf32> to vector<16xf32>
    tpu.vector_store %arg7[%swap3A_103], %swap3A_106 {strides = array<i32>} : memref<640xf32, #tpu.memory_space<vmem>>, vector<16xf32>,
    %broadcast_in_dim3A_107 = arith.constant 0.000000e+00 : f32
    %broadcast_in_dim3A_108 = vector.broadcast %broadcast_in_dim3A_107 : f32 to vector<16xf32>
    %swap3A_109 = arith.constant 288 : index
    %swap3A_110 = tpu.vector_load %arg7[%swap3A_109] {strides = array<i32>} : memref<640xf32, #tpu.memory_space<vmem>>, vector<16xf32>,
    %swap3A_111 = vector.shape_cast %swap3A_110 : vector<16xf32> to vector<16xf32>
    %swap3A_112 = vector.shape_cast %broadcast_in_dim3A_108 : vector<16xf32> to vector<16xf32>
    tpu.vector_store %arg7[%swap3A_109], %swap3A_112 {strides = array<i32>} : memref<640xf32, #tpu.memory_space<vmem>>, vector<16xf32>,
    %broadcast_in_dim3A_113 = arith.constant 0.000000e+00 : f32
    %broadcast_in_dim3A_114 = vector.broadcast %broadcast_in_dim3A_113 : f32 to vector<16xf32>
    %swap3A_115 = arith.constant 304 : index
    %swap3A_116 = tpu.vector_load %arg7[%swap3A_115] {strides = array<i32>} : memref<640xf32, #tpu.memory_space<vmem>>, vector<16xf32>,
    %swap3A_117 = vector.shape_cast %swap3A_116 : vector<16xf32> to vector<16xf32>
    %swap3A_118 = vector.shape_cast %broadcast_in_dim3A_114 : vector<16xf32> to vector<16xf32>
    tpu.vector_store %arg7[%swap3A_115], %swap3A_118 {strides = array<i32>} : memref<640xf32, #tpu.memory_space<vmem>>, vector<16xf32>,
    %broadcast_in_dim3A_119 = arith.constant 0.000000e+00 : f32
    %broadcast_in_dim3A_120 = vector.broadcast %broadcast_in_dim3A_119 : f32 to vector<16xf32>
    %swap3A_121 = arith.constant 320 : index
    %swap3A_122 = tpu.vector_load %arg7[%swap3A_121] {strides = array<i32>} : memref<640xf32, #tpu.memory_space<vmem>>, vector<16xf32>,
    %swap3A_123 = vector.shape_cast %swap3A_122 : vector<16xf32> to vector<16xf32>
    %swap3A_124 = vector.shape_cast %broadcast_in_dim3A_120 : vector<16xf32> to vector<16xf32>
    tpu.vector_store %arg7[%swap3A_121], %swap3A_124 {strides = array<i32>} : memref<640xf32, #tpu.memory_space<vmem>>, vector<16xf32>,
    %broadcast_in_dim3A_125 = arith.constant 0.000000e+00 : f32
    %broadcast_in_dim3A_126 = vector.broadcast %broadcast_in_dim3A_125 : f32 to vector<16xf32>
    %swap3A_127 = arith.constant 336 : index
    %swap3A_128 = tpu.vector_load %arg7[%swap3A_127] {strides = array<i32>} : memref<640xf32, #tpu.memory_space<vmem>>, vector<16xf32>,
    %swap3A_129 = vector.shape_cast %swap3A_128 : vector<16xf32> to vector<16xf32>
    %swap3A_130 = vector.shape_cast %broadcast_in_dim3A_126 : vector<16xf32> to vector<16xf32>
    tpu.vector_store %arg7[%swap3A_127], %swap3A_130 {strides = array<i32>} : memref<640xf32, #tpu.memory_space<vmem>>, vector<16xf32>,
    %broadcast_in_dim3A_131 = arith.constant 0.000000e+00 : f32
    %broadcast_in_dim3A_132 = vector.broadcast %broadcast_in_dim3A_131 : f32 to vector<16xf32>
    %swap3A_133 = arith.constant 352 : index
    %swap3A_134 = tpu.vector_load %arg7[%swap3A_133] {strides = array<i32>} : memref<640xf32, #tpu.memory_space<vmem>>, vector<16xf32>,
    %swap3A_135 = vector.shape_cast %swap3A_134 : vector<16xf32> to vector<16xf32>
    %swap3A_136 = vector.shape_cast %broadcast_in_dim3A_132 : vector<16xf32> to vector<16xf32>
    tpu.vector_store %arg7[%swap3A_133], %swap3A_136 {strides = array<i32>} : memref<640xf32, #tpu.memory_space<vmem>>, vector<16xf32>,
    %broadcast_in_dim3A_137 = arith.constant 0.000000e+00 : f32
    %broadcast_in_dim3A_138 = vector.broadcast %broadcast_in_dim3A_137 : f32 to vector<16xf32>
    %swap3A_139 = arith.constant 368 : index
    %swap3A_140 = tpu.vector_load %arg7[%swap3A_139] {strides = array<i32>} : memref<640xf32, #tpu.memory_space<vmem>>, vector<16xf32>,
    %swap3A_141 = vector.shape_cast %swap3A_140 : vector<16xf32> to vector<16xf32>
    %swap3A_142 = vector.shape_cast %broadcast_in_dim3A_138 : vector<16xf32> to vector<16xf32>
    tpu.vector_store %arg7[%swap3A_139], %swap3A_142 {strides = array<i32>} : memref<640xf32, #tpu.memory_space<vmem>>, vector<16xf32>,
    %broadcast_in_dim3A_143 = arith.constant 0.000000e+00 : f32
    %broadcast_in_dim3A_144 = vector.broadcast %broadcast_in_dim3A_143 : f32 to vector<16xf32>
    %swap3A_145 = arith.constant 384 : index
    %swap3A_146 = tpu.vector_load %arg7[%swap3A_145] {strides = array<i32>} : memref<640xf32, #tpu.memory_space<vmem>>, vector<16xf32>,
    %swap3A_147 = vector.shape_cast %swap3A_146 : vector<16xf32> to vector<16xf32>
    %swap3A_148 = vector.shape_cast %broadcast_in_dim3A_144 : vector<16xf32> to vector<16xf32>
    tpu.vector_store %arg7[%swap3A_145], %swap3A_148 {strides = array<i32>} : memref<640xf32, #tpu.memory_space<vmem>>, vector<16xf32>,
    %broadcast_in_dim3A_149 = arith.constant 0.000000e+00 : f32
    %broadcast_in_dim3A_150 = vector.broadcast %broadcast_in_dim3A_149 : f32 to vector<16xf32>
    %swap3A_151 = arith.constant 400 : index
    %swap3A_152 = tpu.vector_load %arg7[%swap3A_151] {strides = array<i32>} : memref<640xf32, #tpu.memory_space<vmem>>, vector<16xf32>,
    %swap3A_153 = vector.shape_cast %swap3A_152 : vector<16xf32> to vector<16xf32>
    %swap3A_154 = vector.shape_cast %broadcast_in_dim3A_150 : vector<16xf32> to vector<16xf32>
    tpu.vector_store %arg7[%swap3A_151], %swap3A_154 {strides = array<i32>} : memref<640xf32, #tpu.memory_space<vmem>>, vector<16xf32>,
    %broadcast_in_dim3A_155 = arith.constant 0.000000e+00 : f32
    %broadcast_in_dim3A_156 = vector.broadcast %broadcast_in_dim3A_155 : f32 to vector<16xf32>
    %swap3A_157 = arith.constant 416 : index
    %swap3A_158 = tpu.vector_load %arg7[%swap3A_157] {strides = array<i32>} : memref<640xf32, #tpu.memory_space<vmem>>, vector<16xf32>,
    %swap3A_159 = vector.shape_cast %swap3A_158 : vector<16xf32> to vector<16xf32>
    %swap3A_160 = vector.shape_cast %broadcast_in_dim3A_156 : vector<16xf32> to vector<16xf32>
    tpu.vector_store %arg7[%swap3A_157], %swap3A_160 {strides = array<i32>} : memref<640xf32, #tpu.memory_space<vmem>>, vector<16xf32>,
    %broadcast_in_dim3A_161 = arith.constant 0.000000e+00 : f32
    %broadcast_in_dim3A_162 = vector.broadcast %broadcast_in_dim3A_161 : f32 to vector<16xf32>
    %swap3A_163 = arith.constant 432 : index
    %swap3A_164 = tpu.vector_load %arg7[%swap3A_163] {strides = array<i32>} : memref<640xf32, #tpu.memory_space<vmem>>, vector<16xf32>,
    %swap3A_165 = vector.shape_cast %swap3A_164 : vector<16xf32> to vector<16xf32>
    %swap3A_166 = vector.shape_cast %broadcast_in_dim3A_162 : vector<16xf32> to vector<16xf32>
    tpu.vector_store %arg7[%swap3A_163], %swap3A_166 {strides = array<i32>} : memref<640xf32, #tpu.memory_space<vmem>>, vector<16xf32>,
    %broadcast_in_dim3A_167 = arith.constant 0.000000e+00 : f32
    %broadcast_in_dim3A_168 = vector.broadcast %broadcast_in_dim3A_167 : f32 to vector<16xf32>
    %swap3A_169 = arith.constant 448 : index
    %swap3A_170 = tpu.vector_load %arg7[%swap3A_169] {strides = array<i32>} : memref<640xf32, #tpu.memory_space<vmem>>, vector<16xf32>,
    %swap3A_171 = vector.shape_cast %swap3A_170 : vector<16xf32> to vector<16xf32>
    %swap3A_172 = vector.shape_cast %broadcast_in_dim3A_168 : vector<16xf32> to vector<16xf32>
    tpu.vector_store %arg7[%swap3A_169], %swap3A_172 {strides = array<i32>} : memref<640xf32, #tpu.memory_space<vmem>>, vector<16xf32>,
    %broadcast_in_dim3A_173 = arith.constant 0.000000e+00 : f32
    %broadcast_in_dim3A_174 = vector.broadcast %broadcast_in_dim3A_173 : f32 to vector<16xf32>
    %swap3A_175 = arith.constant 464 : index
    %swap3A_176 = tpu.vector_load %arg7[%swap3A_175] {strides = array<i32>} : memref<640xf32, #tpu.memory_space<vmem>>, vector<16xf32>,
    %swap3A_177 = vector.shape_cast %swap3A_176 : vector<16xf32> to vector<16xf32>
    %swap3A_178 = vector.shape_cast %broadcast_in_dim3A_174 : vector<16xf32> to vector<16xf32>
    tpu.vector_store %arg7[%swap3A_175], %swap3A_178 {strides = array<i32>} : memref<640xf32, #tpu.memory_space<vmem>>, vector<16xf32>,
    %broadcast_in_dim3A_179 = arith.constant 0.000000e+00 : f32
    %broadcast_in_dim3A_180 = vector.broadcast %broadcast_in_dim3A_179 : f32 to vector<16xf32>
    %swap3A_181 = arith.constant 480 : index
    %swap3A_182 = tpu.vector_load %arg7[%swap3A_181] {strides = array<i32>} : memref<640xf32, #tpu.memory_space<vmem>>, vector<16xf32>,
    %swap3A_183 = vector.shape_cast %swap3A_182 : vector<16xf32> to vector<16xf32>
    %swap3A_184 = vector.shape_cast %broadcast_in_dim3A_180 : vector<16xf32> to vector<16xf32>
    tpu.vector_store %arg7[%swap3A_181], %swap3A_184 {strides = array<i32>} : memref<640xf32, #tpu.memory_space<vmem>>, vector<16xf32>,
    %broadcast_in_dim3A_185 = arith.constant 0.000000e+00 : f32
    %broadcast_in_dim3A_186 = vector.broadcast %broadcast_in_dim3A_185 : f32 to vector<16xf32>
    %swap3A_187 = arith.constant 496 : index
    %swap3A_188 = tpu.vector_load %arg7[%swap3A_187] {strides = array<i32>} : memref<640xf32, #tpu.memory_space<vmem>>, vector<16xf32>,
    %swap3A_189 = vector.shape_cast %swap3A_188 : vector<16xf32> to vector<16xf32>
    %swap3A_190 = vector.shape_cast %broadcast_in_dim3A_186 : vector<16xf32> to vector<16xf32>
    tpu.vector_store %arg7[%swap3A_187], %swap3A_190 {strides = array<i32>} : memref<640xf32, #tpu.memory_space<vmem>>, vector<16xf32>,
    %broadcast_in_dim3A_191 = arith.constant 0.000000e+00 : f32
    %broadcast_in_dim3A_192 = vector.broadcast %broadcast_in_dim3A_191 : f32 to vector<16xf32>
    %swap3A_193 = arith.constant 512 : index
    %swap3A_194 = tpu.vector_load %arg7[%swap3A_193] {strides = array<i32>} : memref<640xf32, #tpu.memory_space<vmem>>, vector<16xf32>,
    %swap3A_195 = vector.shape_cast %swap3A_194 : vector<16xf32> to vector<16xf32>
    %swap3A_196 = vector.shape_cast %broadcast_in_dim3A_192 : vector<16xf32> to vector<16xf32>
    tpu.vector_store %arg7[%swap3A_193], %swap3A_196 {strides = array<i32>} : memref<640xf32, #tpu.memory_space<vmem>>, vector<16xf32>,
    %broadcast_in_dim3A_197 = arith.constant 0.000000e+00 : f32
    %broadcast_in_dim3A_198 = vector.broadcast %broadcast_in_dim3A_197 : f32 to vector<16xf32>
    %swap3A_199 = arith.constant 528 : index
    %swap3A_200 = tpu.vector_load %arg7[%swap3A_199] {strides = array<i32>} : memref<640xf32, #tpu.memory_space<vmem>>, vector<16xf32>,
    %swap3A_201 = vector.shape_cast %swap3A_200 : vector<16xf32> to vector<16xf32>
    %swap3A_202 = vector.shape_cast %broadcast_in_dim3A_198 : vector<16xf32> to vector<16xf32>
    tpu.vector_store %arg7[%swap3A_199], %swap3A_202 {strides = array<i32>} : memref<640xf32, #tpu.memory_space<vmem>>, vector<16xf32>,
    %broadcast_in_dim3A_203 = arith.constant 0.000000e+00 : f32
    %broadcast_in_dim3A_204 = vector.broadcast %broadcast_in_dim3A_203 : f32 to vector<16xf32>
    %swap3A_205 = arith.constant 544 : index
    %swap3A_206 = tpu.vector_load %arg7[%swap3A_205] {strides = array<i32>} : memref<640xf32, #tpu.memory_space<vmem>>, vector<16xf32>,
    %swap3A_207 = vector.shape_cast %swap3A_206 : vector<16xf32> to vector<16xf32>
    %swap3A_208 = vector.shape_cast %broadcast_in_dim3A_204 : vector<16xf32> to vector<16xf32>
    tpu.vector_store %arg7[%swap3A_205], %swap3A_208 {strides = array<i32>} : memref<640xf32, #tpu.memory_space<vmem>>, vector<16xf32>,
    %broadcast_in_dim3A_209 = arith.constant 0.000000e+00 : f32
    %broadcast_in_dim3A_210 = vector.broadcast %broadcast_in_dim3A_209 : f32 to vector<16xf32>
    %swap3A_211 = arith.constant 560 : index
    %swap3A_212 = tpu.vector_load %arg7[%swap3A_211] {strides = array<i32>} : memref<640xf32, #tpu.memory_space<vmem>>, vector<16xf32>,
    %swap3A_213 = vector.shape_cast %swap3A_212 : vector<16xf32> to vector<16xf32>
    %swap3A_214 = vector.shape_cast %broadcast_in_dim3A_210 : vector<16xf32> to vector<16xf32>
    tpu.vector_store %arg7[%swap3A_211], %swap3A_214 {strides = array<i32>} : memref<640xf32, #tpu.memory_space<vmem>>, vector<16xf32>,
    %broadcast_in_dim3A_215 = arith.constant 0.000000e+00 : f32
    %broadcast_in_dim3A_216 = vector.broadcast %broadcast_in_dim3A_215 : f32 to vector<16xf32>
    %swap3A_217 = arith.constant 576 : index
    %swap3A_218 = tpu.vector_load %arg7[%swap3A_217] {strides = array<i32>} : memref<640xf32, #tpu.memory_space<vmem>>, vector<16xf32>,
    %swap3A_219 = vector.shape_cast %swap3A_218 : vector<16xf32> to vector<16xf32>
    %swap3A_220 = vector.shape_cast %broadcast_in_dim3A_216 : vector<16xf32> to vector<16xf32>
    tpu.vector_store %arg7[%swap3A_217], %swap3A_220 {strides = array<i32>} : memref<640xf32, #tpu.memory_space<vmem>>, vector<16xf32>,
    %broadcast_in_dim3A_221 = arith.constant 0.000000e+00 : f32
    %broadcast_in_dim3A_222 = vector.broadcast %broadcast_in_dim3A_221 : f32 to vector<16xf32>
    %swap3A_223 = arith.constant 592 : index
    %swap3A_224 = tpu.vector_load %arg7[%swap3A_223] {strides = array<i32>} : memref<640xf32, #tpu.memory_space<vmem>>, vector<16xf32>,
    %swap3A_225 = vector.shape_cast %swap3A_224 : vector<16xf32> to vector<16xf32>
    %swap3A_226 = vector.shape_cast %broadcast_in_dim3A_222 : vector<16xf32> to vector<16xf32>
    tpu.vector_store %arg7[%swap3A_223], %swap3A_226 {strides = array<i32>} : memref<640xf32, #tpu.memory_space<vmem>>, vector<16xf32>,
    %broadcast_in_dim3A_227 = arith.constant 0.000000e+00 : f32
    %broadcast_in_dim3A_228 = vector.broadcast %broadcast_in_dim3A_227 : f32 to vector<16xf32>
    %swap3A_229 = arith.constant 608 : index
    %swap3A_230 = tpu.vector_load %arg7[%swap3A_229] {strides = array<i32>} : memref<640xf32, #tpu.memory_space<vmem>>, vector<16xf32>,
    %swap3A_231 = vector.shape_cast %swap3A_230 : vector<16xf32> to vector<16xf32>
    %swap3A_232 = vector.shape_cast %broadcast_in_dim3A_228 : vector<16xf32> to vector<16xf32>
    tpu.vector_store %arg7[%swap3A_229], %swap3A_232 {strides = array<i32>} : memref<640xf32, #tpu.memory_space<vmem>>, vector<16xf32>,
    %broadcast_in_dim3A_233 = arith.constant 0.000000e+00 : f32
    %broadcast_in_dim3A_234 = vector.broadcast %broadcast_in_dim3A_233 : f32 to vector<16xf32>
    %swap3A_235 = arith.constant 624 : index
    %swap3A_236 = tpu.vector_load %arg7[%swap3A_235] {strides = array<i32>} : memref<640xf32, #tpu.memory_space<vmem>>, vector<16xf32>,
    %swap3A_237 = vector.shape_cast %swap3A_236 : vector<16xf32> to vector<16xf32>
    %swap3A_238 = vector.shape_cast %broadcast_in_dim3A_234 : vector<16xf32> to vector<16xf32>
    tpu.vector_store %arg7[%swap3A_235], %swap3A_238 {strides = array<i32>} : memref<640xf32, #tpu.memory_space<vmem>>, vector<16xf32>,
    %broadcast_in_dim3A_239 = arith.constant 1.000000e+00 : f32
    %broadcast_in_dim3A_240 = vector.broadcast %broadcast_in_dim3A_239 : f32 to vector<16xf32>
    %swap3A_241 = arith.constant 0 : index
    %swap3A_242 = tpu.vector_load %arg6[%swap3A_241] {strides = array<i32>} : memref<128xf32, #tpu.memory_space<vmem>>, vector<16xf32>,
    %swap3A_243 = vector.shape_cast %swap3A_242 : vector<16xf32> to vector<16xf32>
    %swap3A_244 = vector.shape_cast %broadcast_in_dim3A_240 : vector<16xf32> to vector<16xf32>
    tpu.vector_store %arg6[%swap3A_241], %swap3A_244 {strides = array<i32>} : memref<128xf32, #tpu.memory_space<vmem>>, vector<16xf32>,
    %broadcast_in_dim3A_245 = arith.constant 1.000000e+00 : f32
    %broadcast_in_dim3A_246 = vector.broadcast %broadcast_in_dim3A_245 : f32 to vector<16xf32>
    %swap3A_247 = arith.constant 16 : index
    %swap3A_248 = tpu.vector_load %arg6[%swap3A_247] {strides = array<i32>} : memref<128xf32, #tpu.memory_space<vmem>>, vector<16xf32>,
    %swap3A_249 = vector.shape_cast %swap3A_248 : vector<16xf32> to vector<16xf32>
    %swap3A_250 = vector.shape_cast %broadcast_in_dim3A_246 : vector<16xf32> to vector<16xf32>
    tpu.vector_store %arg6[%swap3A_247], %swap3A_250 {strides = array<i32>} : memref<128xf32, #tpu.memory_space<vmem>>, vector<16xf32>,
    %broadcast_in_dim3A_251 = arith.constant 1.000000e+00 : f32
    %broadcast_in_dim3A_252 = vector.broadcast %broadcast_in_dim3A_251 : f32 to vector<16xf32>
    %swap3A_253 = arith.constant 32 : index
    %swap3A_254 = tpu.vector_load %arg6[%swap3A_253] {strides = array<i32>} : memref<128xf32, #tpu.memory_space<vmem>>, vector<16xf32>,
    %swap3A_255 = vector.shape_cast %swap3A_254 : vector<16xf32> to vector<16xf32>
    %swap3A_256 = vector.shape_cast %broadcast_in_dim3A_252 : vector<16xf32> to vector<16xf32>
    tpu.vector_store %arg6[%swap3A_253], %swap3A_256 {strides = array<i32>} : memref<128xf32, #tpu.memory_space<vmem>>, vector<16xf32>,
    %broadcast_in_dim3A_257 = arith.constant 1.000000e+00 : f32
    %broadcast_in_dim3A_258 = vector.broadcast %broadcast_in_dim3A_257 : f32 to vector<16xf32>
    %swap3A_259 = arith.constant 48 : index
    %swap3A_260 = tpu.vector_load %arg6[%swap3A_259] {strides = array<i32>} : memref<128xf32, #tpu.memory_space<vmem>>, vector<16xf32>,
    %swap3A_261 = vector.shape_cast %swap3A_260 : vector<16xf32> to vector<16xf32>
    %swap3A_262 = vector.shape_cast %broadcast_in_dim3A_258 : vector<16xf32> to vector<16xf32>
    tpu.vector_store %arg6[%swap3A_259], %swap3A_262 {strides = array<i32>} : memref<128xf32, #tpu.memory_space<vmem>>, vector<16xf32>,
    %broadcast_in_dim3A_263 = arith.constant 1.000000e+00 : f32
    %broadcast_in_dim3A_264 = vector.broadcast %broadcast_in_dim3A_263 : f32 to vector<16xf32>
    %swap3A_265 = arith.constant 64 : index
    %swap3A_266 = tpu.vector_load %arg6[%swap3A_265] {strides = array<i32>} : memref<128xf32, #tpu.memory_space<vmem>>, vector<16xf32>,
    %swap3A_267 = vector.shape_cast %swap3A_266 : vector<16xf32> to vector<16xf32>
    %swap3A_268 = vector.shape_cast %broadcast_in_dim3A_264 : vector<16xf32> to vector<16xf32>
    tpu.vector_store %arg6[%swap3A_265], %swap3A_268 {strides = array<i32>} : memref<128xf32, #tpu.memory_space<vmem>>, vector<16xf32>,
    %broadcast_in_dim3A_269 = arith.constant 1.000000e+00 : f32
    %broadcast_in_dim3A_270 = vector.broadcast %broadcast_in_dim3A_269 : f32 to vector<16xf32>
    %swap3A_271 = arith.constant 80 : index
    %swap3A_272 = tpu.vector_load %arg6[%swap3A_271] {strides = array<i32>} : memref<128xf32, #tpu.memory_space<vmem>>, vector<16xf32>,
    %swap3A_273 = vector.shape_cast %swap3A_272 : vector<16xf32> to vector<16xf32>
    %swap3A_274 = vector.shape_cast %broadcast_in_dim3A_270 : vector<16xf32> to vector<16xf32>
    tpu.vector_store %arg6[%swap3A_271], %swap3A_274 {strides = array<i32>} : memref<128xf32, #tpu.memory_space<vmem>>, vector<16xf32>,
    %broadcast_in_dim3A_275 = arith.constant 1.000000e+00 : f32
    %broadcast_in_dim3A_276 = vector.broadcast %broadcast_in_dim3A_275 : f32 to vector<16xf32>
    %swap3A_277 = arith.constant 96 : index
    %swap3A_278 = tpu.vector_load %arg6[%swap3A_277] {strides = array<i32>} : memref<128xf32, #tpu.memory_space<vmem>>, vector<16xf32>,
    %swap3A_279 = vector.shape_cast %swap3A_278 : vector<16xf32> to vector<16xf32>
    %swap3A_280 = vector.shape_cast %broadcast_in_dim3A_276 : vector<16xf32> to vector<16xf32>
    tpu.vector_store %arg6[%swap3A_277], %swap3A_280 {strides = array<i32>} : memref<128xf32, #tpu.memory_space<vmem>>, vector<16xf32>,
    %broadcast_in_dim3A_281 = arith.constant 1.000000e+00 : f32
    %broadcast_in_dim3A_282 = vector.broadcast %broadcast_in_dim3A_281 : f32 to vector<16xf32>
    %swap3A_283 = arith.constant 112 : index
    %swap3A_284 = tpu.vector_load %arg6[%swap3A_283] {strides = array<i32>} : memref<128xf32, #tpu.memory_space<vmem>>, vector<16xf32>,
    %swap3A_285 = vector.shape_cast %swap3A_284 : vector<16xf32> to vector<16xf32>
    %swap3A_286 = vector.shape_cast %broadcast_in_dim3A_282 : vector<16xf32> to vector<16xf32>
    tpu.vector_store %arg6[%swap3A_283], %swap3A_286 {strides = array<i32>} : memref<128xf32, #tpu.memory_space<vmem>>, vector<16xf32>,
    %lt3A = arith.constant 15 : i32
    %lt3A_287 = arith.cmpi slt, %arg1, %lt3A : i32
    %convert_element_type3A = arith.extui %lt3A_287 : i1 to i32
    %cond3A = arith.constant 0 : i32
    %cond3A_288 = arith.cmpi ne, %convert_element_type3A, %cond3A : i32
    scf.if %cond3A_288 {
      %mul3A_354 = arith.constant 624 : i32
      %mul3A_355 = arith.muli %arg1, %mul3A_354 : i32
      %multiple_of3A = tpu.assume_multiple %mul3A_355, 8 : i32
      "tpu.region"() ({
        %run_scoped3A_356 = tpu.sem_alloc : memref<!tpu.dma_semaphore, #tpu.memory_space<semaphore_mem>>
        %dma_start3A_357 = arith.constant 0 : i32
        %dma_start3A_358 = tpu.memref_slice %arg7[%dma_start3A_357] : memref<640xf32, #tpu.memory_space<vmem>> -> memref<624xf32, #tpu.memory_space<vmem>>
        %dma_start3A_359 = tpu.memref_slice %arg8[%multiple_of3A] : memref<10008xf32, #tpu.memory_space<vmem_shared>> -> memref<624xf32, #tpu.memory_space<vmem_shared>>
        %dma_start3A_360 = tpu.memref_slice %arg8[%multiple_of3A] : memref<10008xf32, #tpu.memory_space<vmem_shared>> -> memref<624xf32, #tpu.memory_space<vmem_shared>>
        %dma_start3A_361 = arith.constant 0 : i32
        %dma_start3A_362 = tpu.memref_slice %arg7[%dma_start3A_361] : memref<640xf32, #tpu.memory_space<vmem>> -> memref<624xf32, #tpu.memory_space<vmem>>
        tpu.enqueue_dma source(%dma_start3A_362 : memref<624xf32, #tpu.memory_space<vmem>>) target(%dma_start3A_360 : memref<624xf32, #tpu.memory_space<vmem_shared>>) target_semaphore(%run_scoped3A_356 : memref<!tpu.dma_semaphore, #tpu.memory_space<semaphore_mem>>)
        %dma_wait3A_363 = arith.constant 0 : i32
        %dma_wait3A_364 = tpu.memref_slice %arg7[%dma_wait3A_363] : memref<640xf32, #tpu.memory_space<vmem>> -> memref<624xf32, #tpu.memory_space<vmem>>
        %dma_wait3A_365 = tpu.memref_slice %arg8[%multiple_of3A] : memref<10008xf32, #tpu.memory_space<vmem_shared>> -> memref<624xf32, #tpu.memory_space<vmem_shared>>
        %dma_wait3A_366 = tpu.memref_slice %arg8[%multiple_of3A] : memref<10008xf32, #tpu.memory_space<vmem_shared>> -> memref<624xf32, #tpu.memory_space<vmem_shared>>
        %dma_wait3A_367 = arith.constant 0 : i32
        %dma_wait3A_368 = tpu.memref_slice %arg7[%dma_wait3A_367] : memref<640xf32, #tpu.memory_space<vmem>> -> memref<624xf32, #tpu.memory_space<vmem>>
        tpu.wait_dma2 semaphore(%run_scoped3A_356 : memref<!tpu.dma_semaphore, #tpu.memory_space<semaphore_mem>>) src(%dma_wait3A_368 : memref<624xf32, #tpu.memory_space<vmem>>) dst(%dma_wait3A_366 : memref<624xf32, #tpu.memory_space<vmem_shared>>)
        tpu.yield
      }) : () -> ()
    } else {
    }
    %eq3A = arith.constant 15 : i32
    %eq3A_289 = arith.cmpi eq, %arg1, %eq3A : i32
    %convert_element_type3A_290 = arith.extui %eq3A_289 : i1 to i32
    %cond3A_291 = arith.constant 0 : i32
    %cond3A_292 = arith.cmpi ne, %convert_element_type3A_290, %cond3A_291 : i32
    scf.if %cond3A_292 {
      "tpu.region"() ({
        %run_scoped3A_354 = tpu.sem_alloc : memref<!tpu.dma_semaphore, #tpu.memory_space<semaphore_mem>>
        %dma_start3A_355 = arith.constant 0 : i32
        %dma_start3A_356 = tpu.memref_slice %arg7[%dma_start3A_355] : memref<640xf32, #tpu.memory_space<vmem>> -> memref<640xf32, #tpu.memory_space<vmem>>
        %dma_start3A_357 = arith.constant 9360 : i32
        %dma_start3A_358 = tpu.memref_slice %arg8[%dma_start3A_357] : memref<10008xf32, #tpu.memory_space<vmem_shared>> -> memref<640xf32, #tpu.memory_space<vmem_shared>>
        %dma_start3A_359 = arith.constant 9360 : i32
        %dma_start3A_360 = tpu.memref_slice %arg8[%dma_start3A_359] : memref<10008xf32, #tpu.memory_space<vmem_shared>> -> memref<640xf32, #tpu.memory_space<vmem_shared>>
        %dma_start3A_361 = arith.constant 0 : i32
        %dma_start3A_362 = tpu.memref_slice %arg7[%dma_start3A_361] : memref<640xf32, #tpu.memory_space<vmem>> -> memref<640xf32, #tpu.memory_space<vmem>>
        tpu.enqueue_dma source(%dma_start3A_362 : memref<640xf32, #tpu.memory_space<vmem>>) target(%dma_start3A_360 : memref<640xf32, #tpu.memory_space<vmem_shared>>) target_semaphore(%run_scoped3A_354 : memref<!tpu.dma_semaphore, #tpu.memory_space<semaphore_mem>>)
        %dma_wait3A_363 = arith.constant 0 : i32
        %dma_wait3A_364 = tpu.memref_slice %arg7[%dma_wait3A_363] : memref<640xf32, #tpu.memory_space<vmem>> -> memref<640xf32, #tpu.memory_space<vmem>>
        %dma_wait3A_365 = arith.constant 9360 : i32
        %dma_wait3A_366 = tpu.memref_slice %arg8[%dma_wait3A_365] : memref<10008xf32, #tpu.memory_space<vmem_shared>> -> memref<640xf32, #tpu.memory_space<vmem_shared>>
        %dma_wait3A_367 = arith.constant 9360 : i32
        %dma_wait3A_368 = tpu.memref_slice %arg8[%dma_wait3A_367] : memref<10008xf32, #tpu.memory_space<vmem_shared>> -> memref<640xf32, #tpu.memory_space<vmem_shared>>
        %dma_wait3A_369 = arith.constant 0 : i32
        %dma_wait3A_370 = tpu.memref_slice %arg7[%dma_wait3A_369] : memref<640xf32, #tpu.memory_space<vmem>> -> memref<640xf32, #tpu.memory_space<vmem>>
        tpu.wait_dma2 semaphore(%run_scoped3A_354 : memref<!tpu.dma_semaphore, #tpu.memory_space<semaphore_mem>>) src(%dma_wait3A_370 : memref<640xf32, #tpu.memory_space<vmem>>) dst(%dma_wait3A_368 : memref<640xf32, #tpu.memory_space<vmem_shared>>)
        tpu.yield
      }) : () -> ()
    } else {
    }
    %barrier3A = arith.constant 0 : index
    tpu.barrier barrier_id(%barrier3A)
    %mul3A_293 = arith.constant 10240 : i32
    %mul3A_294 = arith.muli %add3A, %mul3A_293 : i32
    %add3A_295 = arith.constant 0 : i32
    %add3A_296 = arith.addi %mul3A_294, %add3A_295 : i32
    %dma_start3A = arith.constant 0 : i32
    %dma_start3A_297 = arith.constant 0 : i32
    %dma_start3A_298 = tpu.memref_slice %arg4[%dma_start3A, %dma_start3A_297] : memref<1x128xi32, #tpu.memory_space<vmem>> -> memref<1x128xi32, #tpu.memory_space<vmem>>
    %dma_start3A_299 = tpu.memref_squeeze %dma_start3A_298 : memref<1x128xi32, #tpu.memory_space<vmem>> -> memref<128xi32, #tpu.memory_space<vmem>>
    %dma_start3A_300 = tpu.memref_slice %arg2[%add3A_296] : memref<327680xi32, #tpu.memory_space<hbm>> -> memref<128xi32, #tpu.memory_space<hbm>>
    %dma_start3A_301 = arith.constant 0 : i32
    %dma_start3A_302 = tpu.memref_slice %arg4[%dma_start3A, %dma_start3A_301] : memref<1x128xi32, #tpu.memory_space<vmem>> -> memref<1x128xi32, #tpu.memory_space<vmem>>
    %dma_start3A_303 = tpu.memref_squeeze %dma_start3A_302 : memref<1x128xi32, #tpu.memory_space<vmem>> -> memref<128xi32, #tpu.memory_space<vmem>>
    %dma_start3A_304 = tpu.memref_slice %arg2[%add3A_296] : memref<327680xi32, #tpu.memory_space<hbm>> -> memref<128xi32, #tpu.memory_space<hbm>>
    tpu.enqueue_dma source(%dma_start3A_304 : memref<128xi32, #tpu.memory_space<hbm>>) target(%dma_start3A_303 : memref<128xi32, #tpu.memory_space<vmem>>) target_semaphore(%arg9 : memref<!tpu.dma_semaphore, #tpu.memory_space<semaphore_mem>>)
    %scan3A = arith.constant 0 : i32
    %scan3A_305 = arith.constant 0 : i32
    %scan3A_306 = arith.constant 39 : i32
    %scan3A_307 = arith.addi %scan3A_305, %scan3A_306 : i32
    %scan3A_308 = arith.constant 1 : i32
    scf.for %scan3A_354 = %scan3A_305 to %scan3A_307 step %scan3A_308  : i32 {
      %mul3A_355 = arith.constant 2 : i32
      %mul3A_356 = arith.muli %scan3A_354, %mul3A_355 : i32
      %mul3A_357 = arith.constant 128 : i32
      %mul3A_358 = arith.muli %mul3A_356, %mul3A_357 : i32
      %add3A_359 = arith.addi %mul3A_294, %mul3A_358 : i32
      %dma_wait3A_360 = arith.constant 0 : i32
      %dma_wait3A_361 = arith.constant 0 : i32
      %dma_wait3A_362 = tpu.memref_slice %arg4[%dma_wait3A_360, %dma_wait3A_361] : memref<1x128xi32, #tpu.memory_space<vmem>> -> memref<1x128xi32, #tpu.memory_space<vmem>>
      %dma_wait3A_363 = tpu.memref_squeeze %dma_wait3A_362 : memref<1x128xi32, #tpu.memory_space<vmem>> -> memref<128xi32, #tpu.memory_space<vmem>>
      %dma_wait3A_364 = tpu.memref_slice %arg2[%add3A_359] : memref<327680xi32, #tpu.memory_space<hbm>> -> memref<128xi32, #tpu.memory_space<hbm>>
      %dma_wait3A_365 = arith.constant 0 : i32
      %dma_wait3A_366 = tpu.memref_slice %arg4[%dma_wait3A_360, %dma_wait3A_365] : memref<1x128xi32, #tpu.memory_space<vmem>> -> memref<1x128xi32, #tpu.memory_space<vmem>>
      %dma_wait3A_367 = tpu.memref_squeeze %dma_wait3A_366 : memref<1x128xi32, #tpu.memory_space<vmem>> -> memref<128xi32, #tpu.memory_space<vmem>>
      %dma_wait3A_368 = tpu.memref_slice %arg2[%add3A_359] : memref<327680xi32, #tpu.memory_space<hbm>> -> memref<128xi32, #tpu.memory_space<hbm>>
      tpu.wait_dma2 semaphore(%arg9 : memref<!tpu.dma_semaphore, #tpu.memory_space<semaphore_mem>>) src(%dma_wait3A_368 : memref<128xi32, #tpu.memory_space<hbm>>) dst(%dma_wait3A_367 : memref<128xi32, #tpu.memory_space<vmem>>)
      %add3A_369 = arith.constant 1 : i32
      %add3A_370 = arith.addi %mul3A_356, %add3A_369 : i32
      %mul3A_371 = arith.constant 128 : i32
      %mul3A_372 = arith.muli %add3A_370, %mul3A_371 : i32
      %add3A_373 = arith.addi %mul3A_294, %mul3A_372 : i32
      %dma_start3A_374 = arith.constant 0 : i32
      %dma_start3A_375 = arith.constant 0 : i32
      %dma_start3A_376 = tpu.memref_slice %arg5[%dma_start3A_374, %dma_start3A_375] : memref<1x128xi32, #tpu.memory_space<vmem>> -> memref<1x128xi32, #tpu.memory_space<vmem>>
      %dma_start3A_377 = tpu.memref_squeeze %dma_start3A_376 : memref<1x128xi32, #tpu.memory_space<vmem>> -> memref<128xi32, #tpu.memory_space<vmem>>
      %dma_start3A_378 = tpu.memref_slice %arg2[%add3A_373] : memref<327680xi32, #tpu.memory_space<hbm>> -> memref<128xi32, #tpu.memory_space<hbm>>
      %dma_start3A_379 = arith.constant 0 : i32
      %dma_start3A_380 = tpu.memref_slice %arg5[%dma_start3A_374, %dma_start3A_379] : memref<1x128xi32, #tpu.memory_space<vmem>> -> memref<1x128xi32, #tpu.memory_space<vmem>>
      %dma_start3A_381 = tpu.memref_squeeze %dma_start3A_380 : memref<1x128xi32, #tpu.memory_space<vmem>> -> memref<128xi32, #tpu.memory_space<vmem>>
      %dma_start3A_382 = tpu.memref_slice %arg2[%add3A_373] : memref<327680xi32, #tpu.memory_space<hbm>> -> memref<128xi32, #tpu.memory_space<hbm>>
      tpu.enqueue_dma source(%dma_start3A_382 : memref<128xi32, #tpu.memory_space<hbm>>) target(%dma_start3A_381 : memref<128xi32, #tpu.memory_space<vmem>>) target_semaphore(%arg9 : memref<!tpu.dma_semaphore, #tpu.memory_space<semaphore_mem>>)
      %run_scoped3A_383 = arith.constant 0 : i32
      "tpu.region"() ({
        %run_scoped3A_413 = tpu.sem_alloc : memref<!tpu.dma_semaphore, #tpu.memory_space<semaphore_mem>>
        %dma_start3A_414 = arith.constant 0 : i32
        %dma_start3A_415 = tpu.memref_slice %arg4[%run_scoped3A_383, %dma_start3A_414] : memref<1x128xi32, #tpu.memory_space<vmem>> -> memref<1x128xi32, #tpu.memory_space<vmem>>
        %dma_start3A_416 = tpu.memref_squeeze %dma_start3A_415 : memref<1x128xi32, #tpu.memory_space<vmem>> -> memref<128xi32, #tpu.memory_space<vmem>>
        %dma_start3A_417 = arith.constant 0 : i32
        %dma_start3A_418 = tpu.memref_slice %arg8[%dma_start3A_417] : memref<10008xf32, #tpu.memory_space<vmem_shared>> -> memref<10008xf32, #tpu.memory_space<vmem_shared>>
        tpu.enqueue_indirect_dma source(%arg6 : memref<128xf32, #tpu.memory_space<vmem>>) target(%dma_start3A_418 : memref<10008xf32, #tpu.memory_space<vmem_shared>>) offsets(%dma_start3A_416 : memref<128xi32, #tpu.memory_space<vmem>>) semaphore(%run_scoped3A_413 : memref<!tpu.dma_semaphore, #tpu.memory_space<semaphore_mem>>) {add = true}
        %dma_wait3A_419 = arith.constant 0 : i32
        %dma_wait3A_420 = tpu.memref_slice %arg4[%run_scoped3A_383, %dma_wait3A_419] : memref<1x128xi32, #tpu.memory_space<vmem>> -> memref<1x128xi32, #tpu.memory_space<vmem>>
        %dma_wait3A_421 = tpu.memref_squeeze %dma_wait3A_420 : memref<1x128xi32, #tpu.memory_space<vmem>> -> memref<128xi32, #tpu.memory_space<vmem>>
        %dma_wait3A_422 = arith.constant 0 : i32
        %dma_wait3A_423 = tpu.memref_slice %arg8[%dma_wait3A_422] : memref<10008xf32, #tpu.memory_space<vmem_shared>> -> memref<10008xf32, #tpu.memory_space<vmem_shared>>
        tpu.wait_indirect_dma semaphore(%run_scoped3A_413 : memref<!tpu.dma_semaphore, #tpu.memory_space<semaphore_mem>>) src(%arg6 : memref<128xf32, #tpu.memory_space<vmem>>) dst(%dma_wait3A_423 : memref<10008xf32, #tpu.memory_space<vmem_shared>>)
        tpu.yield
      }) : () -> ()
      %add3A_384 = arith.constant 1 : i32
      %add3A_385 = arith.addi %mul3A_356, %add3A_384 : i32
      %mul3A_386 = arith.constant 128 : i32
      %mul3A_387 = arith.muli %add3A_385, %mul3A_386 : i32
      %add3A_388 = arith.addi %mul3A_294, %mul3A_387 : i32
      %dma_wait3A_389 = arith.constant 0 : i32
      %dma_wait3A_390 = arith.constant 0 : i32
      %dma_wait3A_391 = tpu.memref_slice %arg5[%dma_wait3A_389, %dma_wait3A_390] : memref<1x128xi32, #tpu.memory_space<vmem>> -> memref<1x128xi32, #tpu.memory_space<vmem>>
      %dma_wait3A_392 = tpu.memref_squeeze %dma_wait3A_391 : memref<1x128xi32, #tpu.memory_space<vmem>> -> memref<128xi32, #tpu.memory_space<vmem>>
      %dma_wait3A_393 = tpu.memref_slice %arg2[%add3A_388] : memref<327680xi32, #tpu.memory_space<hbm>> -> memref<128xi32, #tpu.memory_space<hbm>>
      %dma_wait3A_394 = arith.constant 0 : i32
      %dma_wait3A_395 = tpu.memref_slice %arg5[%dma_wait3A_389, %dma_wait3A_394] : memref<1x128xi32, #tpu.memory_space<vmem>> -> memref<1x128xi32, #tpu.memory_space<vmem>>
      %dma_wait3A_396 = tpu.memref_squeeze %dma_wait3A_395 : memref<1x128xi32, #tpu.memory_space<vmem>> -> memref<128xi32, #tpu.memory_space<vmem>>
      %dma_wait3A_397 = tpu.memref_slice %arg2[%add3A_388] : memref<327680xi32, #tpu.memory_space<hbm>> -> memref<128xi32, #tpu.memory_space<hbm>>
      tpu.wait_dma2 semaphore(%arg9 : memref<!tpu.dma_semaphore, #tpu.memory_space<semaphore_mem>>) src(%dma_wait3A_397 : memref<128xi32, #tpu.memory_space<hbm>>) dst(%dma_wait3A_396 : memref<128xi32, #tpu.memory_space<vmem>>)
      %add3A_398 = arith.constant 1 : i32
      %add3A_399 = arith.addi %add3A_385, %add3A_398 : i32
      %mul3A_400 = arith.constant 128 : i32
      %mul3A_401 = arith.muli %add3A_399, %mul3A_400 : i32
      %add3A_402 = arith.addi %mul3A_294, %mul3A_401 : i32
      %dma_start3A_403 = arith.constant 0 : i32
      %dma_start3A_404 = arith.constant 0 : i32
      %dma_start3A_405 = tpu.memref_slice %arg4[%dma_start3A_403, %dma_start3A_404] : memref<1x128xi32, #tpu.memory_space<vmem>> -> memref<1x128xi32, #tpu.memory_space<vmem>>
      %dma_start3A_406 = tpu.memref_squeeze %dma_start3A_405 : memref<1x128xi32, #tpu.memory_space<vmem>> -> memref<128xi32, #tpu.memory_space<vmem>>
      %dma_start3A_407 = tpu.memref_slice %arg2[%add3A_402] : memref<327680xi32, #tpu.memory_space<hbm>> -> memref<128xi32, #tpu.memory_space<hbm>>
      %dma_start3A_408 = arith.constant 0 : i32
      %dma_start3A_409 = tpu.memref_slice %arg4[%dma_start3A_403, %dma_start3A_408] : memref<1x128xi32, #tpu.memory_space<vmem>> -> memref<1x128xi32, #tpu.memory_space<vmem>>
      %dma_start3A_410 = tpu.memref_squeeze %dma_start3A_409 : memref<1x128xi32, #tpu.memory_space<vmem>> -> memref<128xi32, #tpu.memory_space<vmem>>
      %dma_start3A_411 = tpu.memref_slice %arg2[%add3A_402] : memref<327680xi32, #tpu.memory_space<hbm>> -> memref<128xi32, #tpu.memory_space<hbm>>
      tpu.enqueue_dma source(%dma_start3A_411 : memref<128xi32, #tpu.memory_space<hbm>>) target(%dma_start3A_410 : memref<128xi32, #tpu.memory_space<vmem>>) target_semaphore(%arg9 : memref<!tpu.dma_semaphore, #tpu.memory_space<semaphore_mem>>)
      %run_scoped3A_412 = arith.constant 0 : i32
      "tpu.region"() ({
        %run_scoped3A_413 = tpu.sem_alloc : memref<!tpu.dma_semaphore, #tpu.memory_space<semaphore_mem>>
        %dma_start3A_414 = arith.constant 0 : i32
        %dma_start3A_415 = tpu.memref_slice %arg5[%run_scoped3A_412, %dma_start3A_414] : memref<1x128xi32, #tpu.memory_space<vmem>> -> memref<1x128xi32, #tpu.memory_space<vmem>>
        %dma_start3A_416 = tpu.memref_squeeze %dma_start3A_415 : memref<1x128xi32, #tpu.memory_space<vmem>> -> memref<128xi32, #tpu.memory_space<vmem>>
        %dma_start3A_417 = arith.constant 0 : i32
        %dma_start3A_418 = tpu.memref_slice %arg8[%dma_start3A_417] : memref<10008xf32, #tpu.memory_space<vmem_shared>> -> memref<10008xf32, #tpu.memory_space<vmem_shared>>
        tpu.enqueue_indirect_dma source(%arg6 : memref<128xf32, #tpu.memory_space<vmem>>) target(%dma_start3A_418 : memref<10008xf32, #tpu.memory_space<vmem_shared>>) offsets(%dma_start3A_416 : memref<128xi32, #tpu.memory_space<vmem>>) semaphore(%run_scoped3A_413 : memref<!tpu.dma_semaphore, #tpu.memory_space<semaphore_mem>>) {add = true}
        %dma_wait3A_419 = arith.constant 0 : i32
        %dma_wait3A_420 = tpu.memref_slice %arg5[%run_scoped3A_412, %dma_wait3A_419] : memref<1x128xi32, #tpu.memory_space<vmem>> -> memref<1x128xi32, #tpu.memory_space<vmem>>
        %dma_wait3A_421 = tpu.memref_squeeze %dma_wait3A_420 : memref<1x128xi32, #tpu.memory_space<vmem>> -> memref<128xi32, #tpu.memory_space<vmem>>
        %dma_wait3A_422 = arith.constant 0 : i32
        %dma_wait3A_423 = tpu.memref_slice %arg8[%dma_wait3A_422] : memref<10008xf32, #tpu.memory_space<vmem_shared>> -> memref<10008xf32, #tpu.memory_space<vmem_shared>>
        tpu.wait_indirect_dma semaphore(%run_scoped3A_413 : memref<!tpu.dma_semaphore, #tpu.memory_space<semaphore_mem>>) src(%arg6 : memref<128xf32, #tpu.memory_space<vmem>>) dst(%dma_wait3A_423 : memref<10008xf32, #tpu.memory_space<vmem_shared>>)
        tpu.yield
      }) : () -> ()
    }
    %scan3A_309 = arith.constant 39 : i32
    %add3A_310 = arith.constant 9984 : i32
    %add3A_311 = arith.addi %mul3A_294, %add3A_310 : i32
    %dma_wait3A = arith.constant 0 : i32
    %dma_wait3A_312 = arith.constant 0 : i32
    %dma_wait3A_313 = tpu.memref_slice %arg4[%dma_wait3A, %dma_wait3A_312] : memref<1x128xi32, #tpu.memory_space<vmem>> -> memref<1x128xi32, #tpu.memory_space<vmem>>
    %dma_wait3A_314 = tpu.memref_squeeze %dma_wait3A_313 : memref<1x128xi32, #tpu.memory_space<vmem>> -> memref<128xi32, #tpu.memory_space<vmem>>
    %dma_wait3A_315 = tpu.memref_slice %arg2[%add3A_311] : memref<327680xi32, #tpu.memory_space<hbm>> -> memref<128xi32, #tpu.memory_space<hbm>>
    %dma_wait3A_316 = arith.constant 0 : i32
    %dma_wait3A_317 = tpu.memref_slice %arg4[%dma_wait3A, %dma_wait3A_316] : memref<1x128xi32, #tpu.memory_space<vmem>> -> memref<1x128xi32, #tpu.memory_space<vmem>>
    %dma_wait3A_318 = tpu.memref_squeeze %dma_wait3A_317 : memref<1x128xi32, #tpu.memory_space<vmem>> -> memref<128xi32, #tpu.memory_space<vmem>>
    %dma_wait3A_319 = tpu.memref_slice %arg2[%add3A_311] : memref<327680xi32, #tpu.memory_space<hbm>> -> memref<128xi32, #tpu.memory_space<hbm>>
    tpu.wait_dma2 semaphore(%arg9 : memref<!tpu.dma_semaphore, #tpu.memory_space<semaphore_mem>>) src(%dma_wait3A_319 : memref<128xi32, #tpu.memory_space<hbm>>) dst(%dma_wait3A_318 : memref<128xi32, #tpu.memory_space<vmem>>)
    %add3A_320 = arith.constant 10112 : i32
    %add3A_321 = arith.addi %mul3A_294, %add3A_320 : i32
    %dma_start3A_322 = arith.constant 0 : i32
    %dma_start3A_323 = arith.constant 0 : i32
    %dma_start3A_324 = tpu.memref_slice %arg5[%dma_start3A_322, %dma_start3A_323] : memref<1x128xi32, #tpu.memory_space<vmem>> -> memref<1x128xi32, #tpu.memory_space<vmem>>
    %dma_start3A_325 = tpu.memref_squeeze %dma_start3A_324 : memref<1x128xi32, #tpu.memory_space<vmem>> -> memref<128xi32, #tpu.memory_space<vmem>>
    %dma_start3A_326 = tpu.memref_slice %arg2[%add3A_321] : memref<327680xi32, #tpu.memory_space<hbm>> -> memref<128xi32, #tpu.memory_space<hbm>>
    %dma_start3A_327 = arith.constant 0 : i32
    %dma_start3A_328 = tpu.memref_slice %arg5[%dma_start3A_322, %dma_start3A_327] : memref<1x128xi32, #tpu.memory_space<vmem>> -> memref<1x128xi32, #tpu.memory_space<vmem>>
    %dma_start3A_329 = tpu.memref_squeeze %dma_start3A_328 : memref<1x128xi32, #tpu.memory_space<vmem>> -> memref<128xi32, #tpu.memory_space<vmem>>
    %dma_start3A_330 = tpu.memref_slice %arg2[%add3A_321] : memref<327680xi32, #tpu.memory_space<hbm>> -> memref<128xi32, #tpu.memory_space<hbm>>
    tpu.enqueue_dma source(%dma_start3A_330 : memref<128xi32, #tpu.memory_space<hbm>>) target(%dma_start3A_329 : memref<128xi32, #tpu.memory_space<vmem>>) target_semaphore(%arg9 : memref<!tpu.dma_semaphore, #tpu.memory_space<semaphore_mem>>)
    %run_scoped3A = arith.constant 0 : i32
    "tpu.region"() ({
      %run_scoped3A_354 = tpu.sem_alloc : memref<!tpu.dma_semaphore, #tpu.memory_space<semaphore_mem>>
      %dma_start3A_355 = arith.constant 0 : i32
      %dma_start3A_356 = tpu.memref_slice %arg4[%run_scoped3A, %dma_start3A_355] : memref<1x128xi32, #tpu.memory_space<vmem>> -> memref<1x128xi32, #tpu.memory_space<vmem>>
      %dma_start3A_357 = tpu.memref_squeeze %dma_start3A_356 : memref<1x128xi32, #tpu.memory_space<vmem>> -> memref<128xi32, #tpu.memory_space<vmem>>
      %dma_start3A_358 = arith.constant 0 : i32
      %dma_start3A_359 = tpu.memref_slice %arg8[%dma_start3A_358] : memref<10008xf32, #tpu.memory_space<vmem_shared>> -> memref<10008xf32, #tpu.memory_space<vmem_shared>>
      tpu.enqueue_indirect_dma source(%arg6 : memref<128xf32, #tpu.memory_space<vmem>>) target(%dma_start3A_359 : memref<10008xf32, #tpu.memory_space<vmem_shared>>) offsets(%dma_start3A_357 : memref<128xi32, #tpu.memory_space<vmem>>) semaphore(%run_scoped3A_354 : memref<!tpu.dma_semaphore, #tpu.memory_space<semaphore_mem>>) {add = true}
      %dma_wait3A_360 = arith.constant 0 : i32
      %dma_wait3A_361 = tpu.memref_slice %arg4[%run_scoped3A, %dma_wait3A_360] : memref<1x128xi32, #tpu.memory_space<vmem>> -> memref<1x128xi32, #tpu.memory_space<vmem>>
      %dma_wait3A_362 = tpu.memref_squeeze %dma_wait3A_361 : memref<1x128xi32, #tpu.memory_space<vmem>> -> memref<128xi32, #tpu.memory_space<vmem>>
      %dma_wait3A_363 = arith.constant 0 : i32
      %dma_wait3A_364 = tpu.memref_slice %arg8[%dma_wait3A_363] : memref<10008xf32, #tpu.memory_space<vmem_shared>> -> memref<10008xf32, #tpu.memory_space<vmem_shared>>
      tpu.wait_indirect_dma semaphore(%run_scoped3A_354 : memref<!tpu.dma_semaphore, #tpu.memory_space<semaphore_mem>>) src(%arg6 : memref<128xf32, #tpu.memory_space<vmem>>) dst(%dma_wait3A_364 : memref<10008xf32, #tpu.memory_space<vmem_shared>>)
      tpu.yield
    }) : () -> ()
    %add3A_331 = arith.constant 10112 : i32
    %add3A_332 = arith.addi %mul3A_294, %add3A_331 : i32
    %dma_wait3A_333 = arith.constant 0 : i32
    %dma_wait3A_334 = arith.constant 0 : i32
    %dma_wait3A_335 = tpu.memref_slice %arg5[%dma_wait3A_333, %dma_wait3A_334] : memref<1x128xi32, #tpu.memory_space<vmem>> -> memref<1x128xi32, #tpu.memory_space<vmem>>
    %dma_wait3A_336 = tpu.memref_squeeze %dma_wait3A_335 : memref<1x128xi32, #tpu.memory_space<vmem>> -> memref<128xi32, #tpu.memory_space<vmem>>
    %dma_wait3A_337 = tpu.memref_slice %arg2[%add3A_332] : memref<327680xi32, #tpu.memory_space<hbm>> -> memref<128xi32, #tpu.memory_space<hbm>>
    %dma_wait3A_338 = arith.constant 0 : i32
    %dma_wait3A_339 = tpu.memref_slice %arg5[%dma_wait3A_333, %dma_wait3A_338] : memref<1x128xi32, #tpu.memory_space<vmem>> -> memref<1x128xi32, #tpu.memory_space<vmem>>
    %dma_wait3A_340 = tpu.memref_squeeze %dma_wait3A_339 : memref<1x128xi32, #tpu.memory_space<vmem>> -> memref<128xi32, #tpu.memory_space<vmem>>
    %dma_wait3A_341 = tpu.memref_slice %arg2[%add3A_332] : memref<327680xi32, #tpu.memory_space<hbm>> -> memref<128xi32, #tpu.memory_space<hbm>>
    tpu.wait_dma2 semaphore(%arg9 : memref<!tpu.dma_semaphore, #tpu.memory_space<semaphore_mem>>) src(%dma_wait3A_341 : memref<128xi32, #tpu.memory_space<hbm>>) dst(%dma_wait3A_340 : memref<128xi32, #tpu.memory_space<vmem>>)
    %run_scoped3A_342 = arith.constant 0 : i32
    "tpu.region"() ({
      %run_scoped3A_354 = tpu.sem_alloc : memref<!tpu.dma_semaphore, #tpu.memory_space<semaphore_mem>>
      %dma_start3A_355 = arith.constant 0 : i32
      %dma_start3A_356 = tpu.memref_slice %arg5[%run_scoped3A_342, %dma_start3A_355] : memref<1x128xi32, #tpu.memory_space<vmem>> -> memref<1x128xi32, #tpu.memory_space<vmem>>
      %dma_start3A_357 = tpu.memref_squeeze %dma_start3A_356 : memref<1x128xi32, #tpu.memory_space<vmem>> -> memref<128xi32, #tpu.memory_space<vmem>>
      %dma_start3A_358 = arith.constant 0 : i32
      %dma_start3A_359 = tpu.memref_slice %arg8[%dma_start3A_358] : memref<10008xf32, #tpu.memory_space<vmem_shared>> -> memref<10008xf32, #tpu.memory_space<vmem_shared>>
      tpu.enqueue_indirect_dma source(%arg6 : memref<128xf32, #tpu.memory_space<vmem>>) target(%dma_start3A_359 : memref<10008xf32, #tpu.memory_space<vmem_shared>>) offsets(%dma_start3A_357 : memref<128xi32, #tpu.memory_space<vmem>>) semaphore(%run_scoped3A_354 : memref<!tpu.dma_semaphore, #tpu.memory_space<semaphore_mem>>) {add = true}
      %dma_wait3A_360 = arith.constant 0 : i32
      %dma_wait3A_361 = tpu.memref_slice %arg5[%run_scoped3A_342, %dma_wait3A_360] : memref<1x128xi32, #tpu.memory_space<vmem>> -> memref<1x128xi32, #tpu.memory_space<vmem>>
      %dma_wait3A_362 = tpu.memref_squeeze %dma_wait3A_361 : memref<1x128xi32, #tpu.memory_space<vmem>> -> memref<128xi32, #tpu.memory_space<vmem>>
      %dma_wait3A_363 = arith.constant 0 : i32
      %dma_wait3A_364 = tpu.memref_slice %arg8[%dma_wait3A_363] : memref<10008xf32, #tpu.memory_space<vmem_shared>> -> memref<10008xf32, #tpu.memory_space<vmem_shared>>
      tpu.wait_indirect_dma semaphore(%run_scoped3A_354 : memref<!tpu.dma_semaphore, #tpu.memory_space<semaphore_mem>>) src(%arg6 : memref<128xf32, #tpu.memory_space<vmem>>) dst(%dma_wait3A_364 : memref<10008xf32, #tpu.memory_space<vmem_shared>>)
      tpu.yield
    }) : () -> ()
    %barrier3A_343 = arith.constant 0 : index
    tpu.barrier barrier_id(%barrier3A_343)
    %lt3A_344 = arith.constant 15 : i32
    %lt3A_345 = arith.cmpi slt, %arg1, %lt3A_344 : i32
    %convert_element_type3A_346 = arith.extui %lt3A_345 : i1 to i32
    %cond3A_347 = arith.constant 0 : i32
    %cond3A_348 = arith.cmpi ne, %convert_element_type3A_346, %cond3A_347 : i32
    scf.if %cond3A_348 {
      %mul3A_354 = arith.constant 624 : i32
      %mul3A_355 = arith.muli %arg1, %mul3A_354 : i32
      %multiple_of3A = tpu.assume_multiple %mul3A_355, 8 : i32
      "tpu.region"() ({
        %run_scoped3A_359 = tpu.sem_alloc : memref<!tpu.dma_semaphore, #tpu.memory_space<semaphore_mem>>
        %dma_start3A_360 = arith.constant 0 : i32
        %dma_start3A_361 = tpu.memref_slice %arg7[%dma_start3A_360] : memref<640xf32, #tpu.memory_space<vmem>> -> memref<624xf32, #tpu.memory_space<vmem>>
        %dma_start3A_362 = tpu.memref_slice %arg8[%multiple_of3A] : memref<10008xf32, #tpu.memory_space<vmem_shared>> -> memref<624xf32, #tpu.memory_space<vmem_shared>>
        %dma_start3A_363 = arith.constant 0 : i32
        %dma_start3A_364 = tpu.memref_slice %arg7[%dma_start3A_363] : memref<640xf32, #tpu.memory_space<vmem>> -> memref<624xf32, #tpu.memory_space<vmem>>
        %dma_start3A_365 = tpu.memref_slice %arg8[%multiple_of3A] : memref<10008xf32, #tpu.memory_space<vmem_shared>> -> memref<624xf32, #tpu.memory_space<vmem_shared>>
        tpu.enqueue_dma source(%dma_start3A_365 : memref<624xf32, #tpu.memory_space<vmem_shared>>) target(%dma_start3A_364 : memref<624xf32, #tpu.memory_space<vmem>>) target_semaphore(%run_scoped3A_359 : memref<!tpu.dma_semaphore, #tpu.memory_space<semaphore_mem>>)
        %dma_wait3A_366 = arith.constant 0 : i32
        %dma_wait3A_367 = tpu.memref_slice %arg7[%dma_wait3A_366] : memref<640xf32, #tpu.memory_space<vmem>> -> memref<624xf32, #tpu.memory_space<vmem>>
        %dma_wait3A_368 = tpu.memref_slice %arg8[%multiple_of3A] : memref<10008xf32, #tpu.memory_space<vmem_shared>> -> memref<624xf32, #tpu.memory_space<vmem_shared>>
        %dma_wait3A_369 = arith.constant 0 : i32
        %dma_wait3A_370 = tpu.memref_slice %arg7[%dma_wait3A_369] : memref<640xf32, #tpu.memory_space<vmem>> -> memref<624xf32, #tpu.memory_space<vmem>>
        %dma_wait3A_371 = tpu.memref_slice %arg8[%multiple_of3A] : memref<10008xf32, #tpu.memory_space<vmem_shared>> -> memref<624xf32, #tpu.memory_space<vmem_shared>>
        tpu.wait_dma2 semaphore(%run_scoped3A_359 : memref<!tpu.dma_semaphore, #tpu.memory_space<semaphore_mem>>) src(%dma_wait3A_371 : memref<624xf32, #tpu.memory_space<vmem_shared>>) dst(%dma_wait3A_370 : memref<624xf32, #tpu.memory_space<vmem>>)
        tpu.yield
      }) : () -> ()
      %mul3A_356 = arith.constant 10000 : i32
      %mul3A_357 = arith.muli %arg0, %mul3A_356 : i32
      %add3A_358 = arith.addi %mul3A_357, %multiple_of3A : i32
      "tpu.region"() ({
        %run_scoped3A_359 = tpu.sem_alloc : memref<!tpu.dma_semaphore, #tpu.memory_space<semaphore_mem>>
        %dma_start3A_360 = arith.constant 0 : i32
        %dma_start3A_361 = tpu.memref_slice %arg7[%dma_start3A_360] : memref<640xf32, #tpu.memory_space<vmem>> -> memref<624xf32, #tpu.memory_space<vmem>>
        %dma_start3A_362 = tpu.memref_slice %arg3[%add3A_358] : memref<20000xf32, #tpu.memory_space<hbm>> -> memref<624xf32, #tpu.memory_space<hbm>>
        %dma_start3A_363 = tpu.memref_slice %arg3[%add3A_358] : memref<20000xf32, #tpu.memory_space<hbm>> -> memref<624xf32, #tpu.memory_space<hbm>>
        %dma_start3A_364 = arith.constant 0 : i32
        %dma_start3A_365 = tpu.memref_slice %arg7[%dma_start3A_364] : memref<640xf32, #tpu.memory_space<vmem>> -> memref<624xf32, #tpu.memory_space<vmem>>
        tpu.enqueue_dma source(%dma_start3A_365 : memref<624xf32, #tpu.memory_space<vmem>>) target(%dma_start3A_363 : memref<624xf32, #tpu.memory_space<hbm>>) target_semaphore(%run_scoped3A_359 : memref<!tpu.dma_semaphore, #tpu.memory_space<semaphore_mem>>)
        %dma_wait3A_366 = arith.constant 0 : i32
        %dma_wait3A_367 = tpu.memref_slice %arg7[%dma_wait3A_366] : memref<640xf32, #tpu.memory_space<vmem>> -> memref<624xf32, #tpu.memory_space<vmem>>
        %dma_wait3A_368 = tpu.memref_slice %arg3[%add3A_358] : memref<20000xf32, #tpu.memory_space<hbm>> -> memref<624xf32, #tpu.memory_space<hbm>>
        %dma_wait3A_369 = tpu.memref_slice %arg3[%add3A_358] : memref<20000xf32, #tpu.memory_space<hbm>> -> memref<624xf32, #tpu.memory_space<hbm>>
        %dma_wait3A_370 = arith.constant 0 : i32
        %dma_wait3A_371 = tpu.memref_slice %arg7[%dma_wait3A_370] : memref<640xf32, #tpu.memory_space<vmem>> -> memref<624xf32, #tpu.memory_space<vmem>>
        tpu.wait_dma2 semaphore(%run_scoped3A_359 : memref<!tpu.dma_semaphore, #tpu.memory_space<semaphore_mem>>) src(%dma_wait3A_371 : memref<624xf32, #tpu.memory_space<vmem>>) dst(%dma_wait3A_369 : memref<624xf32, #tpu.memory_space<hbm>>)
        tpu.yield
      }) : () -> ()
    } else {
    }
    %eq3A_349 = arith.constant 15 : i32
    %eq3A_350 = arith.cmpi eq, %arg1, %eq3A_349 : i32
    %convert_element_type3A_351 = arith.extui %eq3A_350 : i1 to i32
    %cond3A_352 = arith.constant 0 : i32
    %cond3A_353 = arith.cmpi ne, %convert_element_type3A_351, %cond3A_352 : i32
    scf.if %cond3A_353 {
      "tpu.region"() ({
        %run_scoped3A_358 = tpu.sem_alloc : memref<!tpu.dma_semaphore, #tpu.memory_space<semaphore_mem>>
        %dma_start3A_359 = arith.constant 0 : i32
        %dma_start3A_360 = tpu.memref_slice %arg7[%dma_start3A_359] : memref<640xf32, #tpu.memory_space<vmem>> -> memref<640xf32, #tpu.memory_space<vmem>>
        %dma_start3A_361 = arith.constant 9360 : i32
        %dma_start3A_362 = tpu.memref_slice %arg8[%dma_start3A_361] : memref<10008xf32, #tpu.memory_space<vmem_shared>> -> memref<640xf32, #tpu.memory_space<vmem_shared>>
        %dma_start3A_363 = arith.constant 0 : i32
        %dma_start3A_364 = tpu.memref_slice %arg7[%dma_start3A_363] : memref<640xf32, #tpu.memory_space<vmem>> -> memref<640xf32, #tpu.memory_space<vmem>>
        %dma_start3A_365 = arith.constant 9360 : i32
        %dma_start3A_366 = tpu.memref_slice %arg8[%dma_start3A_365] : memref<10008xf32, #tpu.memory_space<vmem_shared>> -> memref<640xf32, #tpu.memory_space<vmem_shared>>
        tpu.enqueue_dma source(%dma_start3A_366 : memref<640xf32, #tpu.memory_space<vmem_shared>>) target(%dma_start3A_364 : memref<640xf32, #tpu.memory_space<vmem>>) target_semaphore(%run_scoped3A_358 : memref<!tpu.dma_semaphore, #tpu.memory_space<semaphore_mem>>)
        %dma_wait3A_367 = arith.constant 0 : i32
        %dma_wait3A_368 = tpu.memref_slice %arg7[%dma_wait3A_367] : memref<640xf32, #tpu.memory_space<vmem>> -> memref<640xf32, #tpu.memory_space<vmem>>
        %dma_wait3A_369 = arith.constant 9360 : i32
        %dma_wait3A_370 = tpu.memref_slice %arg8[%dma_wait3A_369] : memref<10008xf32, #tpu.memory_space<vmem_shared>> -> memref<640xf32, #tpu.memory_space<vmem_shared>>
        %dma_wait3A_371 = arith.constant 0 : i32
        %dma_wait3A_372 = tpu.memref_slice %arg7[%dma_wait3A_371] : memref<640xf32, #tpu.memory_space<vmem>> -> memref<640xf32, #tpu.memory_space<vmem>>
        %dma_wait3A_373 = arith.constant 9360 : i32
        %dma_wait3A_374 = tpu.memref_slice %arg8[%dma_wait3A_373] : memref<10008xf32, #tpu.memory_space<vmem_shared>> -> memref<640xf32, #tpu.memory_space<vmem_shared>>
        tpu.wait_dma2 semaphore(%run_scoped3A_358 : memref<!tpu.dma_semaphore, #tpu.memory_space<semaphore_mem>>) src(%dma_wait3A_374 : memref<640xf32, #tpu.memory_space<vmem_shared>>) dst(%dma_wait3A_372 : memref<640xf32, #tpu.memory_space<vmem>>)
        tpu.yield
      }) : () -> ()
      %mul3A_354 = arith.constant 10000 : i32
      %mul3A_355 = arith.muli %arg0, %mul3A_354 : i32
      %add3A_356 = arith.constant 9360 : i32
      %add3A_357 = arith.addi %mul3A_355, %add3A_356 : i32
      "tpu.region"() ({
        %run_scoped3A_358 = tpu.sem_alloc : memref<!tpu.dma_semaphore, #tpu.memory_space<semaphore_mem>>
        %dma_start3A_359 = arith.constant 0 : i32
        %dma_start3A_360 = tpu.memref_slice %arg7[%dma_start3A_359] : memref<640xf32, #tpu.memory_space<vmem>> -> memref<640xf32, #tpu.memory_space<vmem>>
        %dma_start3A_361 = tpu.memref_slice %arg3[%add3A_357] : memref<20000xf32, #tpu.memory_space<hbm>> -> memref<640xf32, #tpu.memory_space<hbm>>
        %dma_start3A_362 = tpu.memref_slice %arg3[%add3A_357] : memref<20000xf32, #tpu.memory_space<hbm>> -> memref<640xf32, #tpu.memory_space<hbm>>
        %dma_start3A_363 = arith.constant 0 : i32
        %dma_start3A_364 = tpu.memref_slice %arg7[%dma_start3A_363] : memref<640xf32, #tpu.memory_space<vmem>> -> memref<640xf32, #tpu.memory_space<vmem>>
        tpu.enqueue_dma source(%dma_start3A_364 : memref<640xf32, #tpu.memory_space<vmem>>) target(%dma_start3A_362 : memref<640xf32, #tpu.memory_space<hbm>>) target_semaphore(%run_scoped3A_358 : memref<!tpu.dma_semaphore, #tpu.memory_space<semaphore_mem>>)
        %dma_wait3A_365 = arith.constant 0 : i32
        %dma_wait3A_366 = tpu.memref_slice %arg7[%dma_wait3A_365] : memref<640xf32, #tpu.memory_space<vmem>> -> memref<640xf32, #tpu.memory_space<vmem>>
        %dma_wait3A_367 = tpu.memref_slice %arg3[%add3A_357] : memref<20000xf32, #tpu.memory_space<hbm>> -> memref<640xf32, #tpu.memory_space<hbm>>
        %dma_wait3A_368 = tpu.memref_slice %arg3[%add3A_357] : memref<20000xf32, #tpu.memory_space<hbm>> -> memref<640xf32, #tpu.memory_space<hbm>>
        %dma_wait3A_369 = arith.constant 0 : i32
        %dma_wait3A_370 = tpu.memref_slice %arg7[%dma_wait3A_369] : memref<640xf32, #tpu.memory_space<vmem>> -> memref<640xf32, #tpu.memory_space<vmem>>
        tpu.wait_dma2 semaphore(%run_scoped3A_358 : memref<!tpu.dma_semaphore, #tpu.memory_space<semaphore_mem>>) src(%dma_wait3A_370 : memref<640xf32, #tpu.memory_space<vmem>>) dst(%dma_wait3A_368 : memref<640xf32, #tpu.memory_space<hbm>>)
        tpu.yield
      }) : () -> ()
    } else {
    }
    return
  }
}

#map = affine_map<(d0, d1) -> (0, 0)>
#map1 = affine_map<(d0, d1) -> (0)>
#map2 = affine_map<(d0, d1) -> (0, 0, 0)>
module attributes {stable_mosaic.version = 14 : i64} {
  func.func @_prop_kernel(%arg0: i32, %arg1: i32, %arg2: memref<10000x128xf32, #tpu.memory_space<hbm>>, %arg3: memref<327680xi32, #tpu.memory_space<hbm>>, %arg4: memref<327680xi32, #tpu.memory_space<hbm>>, %arg5: memref<10000x128xf32, #tpu.memory_space<hbm>>, %arg6: memref<2x10000x128xf32, #tpu.memory_space<hbm>>, %arg7: memref<1x128xi32, #tpu.memory_space<vmem>>, %arg8: memref<1x128xi32, #tpu.memory_space<vmem>>, %arg9: memref<1x128xi32, #tpu.memory_space<vmem>>, %arg10: memref<1x128xi32, #tpu.memory_space<vmem>>, %arg11: memref<128x128xf32, #tpu.memory_space<vmem>>, %arg12: memref<128x128xf32, #tpu.memory_space<vmem>>, %arg13: memref<10008x128xf32, #tpu.memory_space<vmem_shared>>, %arg14: memref<!tpu.dma_semaphore, #tpu.memory_space<semaphore_mem>>, %arg15: memref<!tpu.dma_semaphore, #tpu.memory_space<semaphore_mem>>, %arg16: memref<!tpu.dma_semaphore, #tpu.memory_space<semaphore_mem>>) attributes {dimension_semantics = [#tpu.dimension_semantics<core_parallel>, #tpu.dimension_semantics<subcore_parallel>], iteration_bounds = array<i64: 2, 16>, scalar_prefetch = 0 : i64, scratch_operands = 10 : i64, tpu.core_type = #tpu.core_type<sc_vector_subcore>, window_params = [{transform_indices = #map}, {transform_indices = #map1}, {transform_indices = #map1}, {transform_indices = #map}, {transform_indices = #map2}]} {
    %mul3A = arith.constant 2 : i32
    %mul3A_0 = arith.muli %arg1, %mul3A : i32
    %add3A = arith.addi %mul3A_0, %arg0 : i32
    %mul3A_1 = arith.constant 10240 : i32
    %mul3A_2 = arith.muli %add3A, %mul3A_1 : i32
    %lt3A = arith.constant 15 : i32
    %lt3A_3 = arith.cmpi slt, %arg1, %lt3A : i32
    %convert_element_type3A = arith.extui %lt3A_3 : i1 to i32
    %cond3A = arith.constant 0 : i32
    %cond3A_4 = arith.cmpi ne, %convert_element_type3A, %cond3A : i32
    scf.if %cond3A_4 {
      %mul3A_121 = arith.constant 624 : i32
      %mul3A_122 = arith.muli %arg1, %mul3A_121 : i32
      %multiple_of3A = tpu.assume_multiple %mul3A_122, 8 : i32
      %eq3A_123 = arith.constant 0 : i32
      %eq3A_124 = arith.cmpi eq, %arg0, %eq3A_123 : i32
      %convert_element_type3A_125 = arith.extui %eq3A_124 : i1 to i32
      %cond3A_126 = arith.constant 0 : i32
      %cond3A_127 = arith.cmpi ne, %convert_element_type3A_125, %cond3A_126 : i32
      scf.if %cond3A_127 {
        "tpu.region"() ({
          %run_scoped3A_132 = tpu.sem_alloc : memref<!tpu.dma_semaphore, #tpu.memory_space<semaphore_mem>>
          %dma_start3A_133 = arith.constant 0 : i32
          %dma_start3A_134 = tpu.memref_slice %arg13[%multiple_of3A, %dma_start3A_133] : memref<10008x128xf32, #tpu.memory_space<vmem_shared>> -> memref<624x128xf32, #tpu.memory_space<vmem_shared>>
          %dma_start3A_135 = arith.constant 0 : i32
          %dma_start3A_136 = tpu.memref_slice %arg2[%multiple_of3A, %dma_start3A_135] : memref<10000x128xf32, #tpu.memory_space<hbm>> -> memref<624x128xf32, #tpu.memory_space<hbm>>
          tpu.enqueue_dma source(%dma_start3A_136 : memref<624x128xf32, #tpu.memory_space<hbm>>) target(%dma_start3A_134 : memref<624x128xf32, #tpu.memory_space<vmem_shared>>) target_semaphore(%run_scoped3A_132 : memref<!tpu.dma_semaphore, #tpu.memory_space<semaphore_mem>>)
          %dma_wait3A_137 = arith.constant 0 : i32
          %dma_wait3A_138 = tpu.memref_slice %arg13[%multiple_of3A, %dma_wait3A_137] : memref<10008x128xf32, #tpu.memory_space<vmem_shared>> -> memref<624x128xf32, #tpu.memory_space<vmem_shared>>
          %dma_wait3A_139 = arith.constant 0 : i32
          %dma_wait3A_140 = tpu.memref_slice %arg2[%multiple_of3A, %dma_wait3A_139] : memref<10000x128xf32, #tpu.memory_space<hbm>> -> memref<624x128xf32, #tpu.memory_space<hbm>>
          tpu.wait_dma2 semaphore(%run_scoped3A_132 : memref<!tpu.dma_semaphore, #tpu.memory_space<semaphore_mem>>) src(%dma_wait3A_140 : memref<624x128xf32, #tpu.memory_space<hbm>>) dst(%dma_wait3A_138 : memref<624x128xf32, #tpu.memory_space<vmem_shared>>)
          tpu.yield
        }) : () -> ()
      } else {
      }
      %ne3A = arith.constant 0 : i32
      %ne3A_128 = arith.cmpi ne, %arg0, %ne3A : i32
      %convert_element_type3A_129 = arith.extui %ne3A_128 : i1 to i32
      %cond3A_130 = arith.constant 0 : i32
      %cond3A_131 = arith.cmpi ne, %convert_element_type3A_129, %cond3A_130 : i32
      scf.if %cond3A_131 {
        "tpu.region"() ({
          %run_scoped3A_132 = tpu.sem_alloc : memref<!tpu.dma_semaphore, #tpu.memory_space<semaphore_mem>>
          %dma_start3A_133 = arith.constant 0 : i32
          %dma_start3A_134 = tpu.memref_slice %arg13[%multiple_of3A, %dma_start3A_133] : memref<10008x128xf32, #tpu.memory_space<vmem_shared>> -> memref<624x128xf32, #tpu.memory_space<vmem_shared>>
          %dma_start3A_135 = arith.constant 0 : i32
          %dma_start3A_136 = tpu.memref_slice %arg5[%multiple_of3A, %dma_start3A_135] : memref<10000x128xf32, #tpu.memory_space<hbm>> -> memref<624x128xf32, #tpu.memory_space<hbm>>
          tpu.enqueue_dma source(%dma_start3A_136 : memref<624x128xf32, #tpu.memory_space<hbm>>) target(%dma_start3A_134 : memref<624x128xf32, #tpu.memory_space<vmem_shared>>) target_semaphore(%run_scoped3A_132 : memref<!tpu.dma_semaphore, #tpu.memory_space<semaphore_mem>>)
          %dma_wait3A_137 = arith.constant 0 : i32
          %dma_wait3A_138 = tpu.memref_slice %arg13[%multiple_of3A, %dma_wait3A_137] : memref<10008x128xf32, #tpu.memory_space<vmem_shared>> -> memref<624x128xf32, #tpu.memory_space<vmem_shared>>
          %dma_wait3A_139 = arith.constant 0 : i32
          %dma_wait3A_140 = tpu.memref_slice %arg5[%multiple_of3A, %dma_wait3A_139] : memref<10000x128xf32, #tpu.memory_space<hbm>> -> memref<624x128xf32, #tpu.memory_space<hbm>>
          tpu.wait_dma2 semaphore(%run_scoped3A_132 : memref<!tpu.dma_semaphore, #tpu.memory_space<semaphore_mem>>) src(%dma_wait3A_140 : memref<624x128xf32, #tpu.memory_space<hbm>>) dst(%dma_wait3A_138 : memref<624x128xf32, #tpu.memory_space<vmem_shared>>)
          tpu.yield
        }) : () -> ()
      } else {
      }
    } else {
    }
    %eq3A = arith.constant 15 : i32
    %eq3A_5 = arith.cmpi eq, %arg1, %eq3A : i32
    %convert_element_type3A_6 = arith.extui %eq3A_5 : i1 to i32
    %cond3A_7 = arith.constant 0 : i32
    %cond3A_8 = arith.cmpi ne, %convert_element_type3A_6, %cond3A_7 : i32
    scf.if %cond3A_8 {
      %eq3A_121 = arith.constant 0 : i32
      %eq3A_122 = arith.cmpi eq, %arg0, %eq3A_121 : i32
      %convert_element_type3A_123 = arith.extui %eq3A_122 : i1 to i32
      %cond3A_124 = arith.constant 0 : i32
      %cond3A_125 = arith.cmpi ne, %convert_element_type3A_123, %cond3A_124 : i32
      scf.if %cond3A_125 {
        "tpu.region"() ({
          %run_scoped3A_130 = tpu.sem_alloc : memref<!tpu.dma_semaphore, #tpu.memory_space<semaphore_mem>>
          %dma_start3A_131 = arith.constant 9360 : i32
          %dma_start3A_132 = arith.constant 0 : i32
          %dma_start3A_133 = tpu.memref_slice %arg13[%dma_start3A_131, %dma_start3A_132] : memref<10008x128xf32, #tpu.memory_space<vmem_shared>> -> memref<640x128xf32, #tpu.memory_space<vmem_shared>>
          %dma_start3A_134 = arith.constant 9360 : i32
          %dma_start3A_135 = arith.constant 0 : i32
          %dma_start3A_136 = tpu.memref_slice %arg2[%dma_start3A_134, %dma_start3A_135] : memref<10000x128xf32, #tpu.memory_space<hbm>> -> memref<640x128xf32, #tpu.memory_space<hbm>>
          tpu.enqueue_dma source(%dma_start3A_136 : memref<640x128xf32, #tpu.memory_space<hbm>>) target(%dma_start3A_133 : memref<640x128xf32, #tpu.memory_space<vmem_shared>>) target_semaphore(%run_scoped3A_130 : memref<!tpu.dma_semaphore, #tpu.memory_space<semaphore_mem>>)
          %dma_wait3A_137 = arith.constant 9360 : i32
          %dma_wait3A_138 = arith.constant 0 : i32
          %dma_wait3A_139 = tpu.memref_slice %arg13[%dma_wait3A_137, %dma_wait3A_138] : memref<10008x128xf32, #tpu.memory_space<vmem_shared>> -> memref<640x128xf32, #tpu.memory_space<vmem_shared>>
          %dma_wait3A_140 = arith.constant 9360 : i32
          %dma_wait3A_141 = arith.constant 0 : i32
          %dma_wait3A_142 = tpu.memref_slice %arg2[%dma_wait3A_140, %dma_wait3A_141] : memref<10000x128xf32, #tpu.memory_space<hbm>> -> memref<640x128xf32, #tpu.memory_space<hbm>>
          tpu.wait_dma2 semaphore(%run_scoped3A_130 : memref<!tpu.dma_semaphore, #tpu.memory_space<semaphore_mem>>) src(%dma_wait3A_142 : memref<640x128xf32, #tpu.memory_space<hbm>>) dst(%dma_wait3A_139 : memref<640x128xf32, #tpu.memory_space<vmem_shared>>)
          tpu.yield
        }) : () -> ()
      } else {
      }
      %ne3A = arith.constant 0 : i32
      %ne3A_126 = arith.cmpi ne, %arg0, %ne3A : i32
      %convert_element_type3A_127 = arith.extui %ne3A_126 : i1 to i32
      %cond3A_128 = arith.constant 0 : i32
      %cond3A_129 = arith.cmpi ne, %convert_element_type3A_127, %cond3A_128 : i32
      scf.if %cond3A_129 {
        "tpu.region"() ({
          %run_scoped3A_130 = tpu.sem_alloc : memref<!tpu.dma_semaphore, #tpu.memory_space<semaphore_mem>>
          %dma_start3A_131 = arith.constant 9360 : i32
          %dma_start3A_132 = arith.constant 0 : i32
          %dma_start3A_133 = tpu.memref_slice %arg13[%dma_start3A_131, %dma_start3A_132] : memref<10008x128xf32, #tpu.memory_space<vmem_shared>> -> memref<640x128xf32, #tpu.memory_space<vmem_shared>>
          %dma_start3A_134 = arith.constant 9360 : i32
          %dma_start3A_135 = arith.constant 0 : i32
          %dma_start3A_136 = tpu.memref_slice %arg5[%dma_start3A_134, %dma_start3A_135] : memref<10000x128xf32, #tpu.memory_space<hbm>> -> memref<640x128xf32, #tpu.memory_space<hbm>>
          tpu.enqueue_dma source(%dma_start3A_136 : memref<640x128xf32, #tpu.memory_space<hbm>>) target(%dma_start3A_133 : memref<640x128xf32, #tpu.memory_space<vmem_shared>>) target_semaphore(%run_scoped3A_130 : memref<!tpu.dma_semaphore, #tpu.memory_space<semaphore_mem>>)
          %dma_wait3A_137 = arith.constant 9360 : i32
          %dma_wait3A_138 = arith.constant 0 : i32
          %dma_wait3A_139 = tpu.memref_slice %arg13[%dma_wait3A_137, %dma_wait3A_138] : memref<10008x128xf32, #tpu.memory_space<vmem_shared>> -> memref<640x128xf32, #tpu.memory_space<vmem_shared>>
          %dma_wait3A_140 = arith.constant 9360 : i32
          %dma_wait3A_141 = arith.constant 0 : i32
          %dma_wait3A_142 = tpu.memref_slice %arg5[%dma_wait3A_140, %dma_wait3A_141] : memref<10000x128xf32, #tpu.memory_space<hbm>> -> memref<640x128xf32, #tpu.memory_space<hbm>>
          tpu.wait_dma2 semaphore(%run_scoped3A_130 : memref<!tpu.dma_semaphore, #tpu.memory_space<semaphore_mem>>) src(%dma_wait3A_142 : memref<640x128xf32, #tpu.memory_space<hbm>>) dst(%dma_wait3A_139 : memref<640x128xf32, #tpu.memory_space<vmem_shared>>)
          tpu.yield
        }) : () -> ()
      } else {
      }
    } else {
    }
    %barrier3A = arith.constant 0 : index
    tpu.barrier barrier_id(%barrier3A)
    %add3A_9 = arith.constant 0 : i32
    %add3A_10 = arith.addi %mul3A_2, %add3A_9 : i32
    %run_scoped3A = arith.constant 0 : i32
    "tpu.region"() ({
      %run_scoped3A_121 = tpu.sem_alloc : memref<!tpu.dma_semaphore, #tpu.memory_space<semaphore_mem>>
      %dma_start3A_122 = arith.constant 0 : i32
      %dma_start3A_123 = tpu.memref_slice %arg7[%run_scoped3A, %dma_start3A_122] : memref<1x128xi32, #tpu.memory_space<vmem>> -> memref<1x128xi32, #tpu.memory_space<vmem>>
      %dma_start3A_124 = tpu.memref_squeeze %dma_start3A_123 : memref<1x128xi32, #tpu.memory_space<vmem>> -> memref<128xi32, #tpu.memory_space<vmem>>
      %dma_start3A_125 = tpu.memref_slice %arg3[%add3A_10] : memref<327680xi32, #tpu.memory_space<hbm>> -> memref<128xi32, #tpu.memory_space<hbm>>
      %dma_start3A_126 = arith.constant 0 : i32
      %dma_start3A_127 = tpu.memref_slice %arg7[%run_scoped3A, %dma_start3A_126] : memref<1x128xi32, #tpu.memory_space<vmem>> -> memref<1x128xi32, #tpu.memory_space<vmem>>
      %dma_start3A_128 = tpu.memref_squeeze %dma_start3A_127 : memref<1x128xi32, #tpu.memory_space<vmem>> -> memref<128xi32, #tpu.memory_space<vmem>>
      %dma_start3A_129 = tpu.memref_slice %arg3[%add3A_10] : memref<327680xi32, #tpu.memory_space<hbm>> -> memref<128xi32, #tpu.memory_space<hbm>>
      tpu.enqueue_dma source(%dma_start3A_129 : memref<128xi32, #tpu.memory_space<hbm>>) target(%dma_start3A_128 : memref<128xi32, #tpu.memory_space<vmem>>) target_semaphore(%run_scoped3A_121 : memref<!tpu.dma_semaphore, #tpu.memory_space<semaphore_mem>>)
      %dma_wait3A_130 = arith.constant 0 : i32
      %dma_wait3A_131 = tpu.memref_slice %arg7[%run_scoped3A, %dma_wait3A_130] : memref<1x128xi32, #tpu.memory_space<vmem>> -> memref<1x128xi32, #tpu.memory_space<vmem>>
      %dma_wait3A_132 = tpu.memref_squeeze %dma_wait3A_131 : memref<1x128xi32, #tpu.memory_space<vmem>> -> memref<128xi32, #tpu.memory_space<vmem>>
      %dma_wait3A_133 = tpu.memref_slice %arg3[%add3A_10] : memref<327680xi32, #tpu.memory_space<hbm>> -> memref<128xi32, #tpu.memory_space<hbm>>
      %dma_wait3A_134 = arith.constant 0 : i32
      %dma_wait3A_135 = tpu.memref_slice %arg7[%run_scoped3A, %dma_wait3A_134] : memref<1x128xi32, #tpu.memory_space<vmem>> -> memref<1x128xi32, #tpu.memory_space<vmem>>
      %dma_wait3A_136 = tpu.memref_squeeze %dma_wait3A_135 : memref<1x128xi32, #tpu.memory_space<vmem>> -> memref<128xi32, #tpu.memory_space<vmem>>
      %dma_wait3A_137 = tpu.memref_slice %arg3[%add3A_10] : memref<327680xi32, #tpu.memory_space<hbm>> -> memref<128xi32, #tpu.memory_space<hbm>>
      tpu.wait_dma2 semaphore(%run_scoped3A_121 : memref<!tpu.dma_semaphore, #tpu.memory_space<semaphore_mem>>) src(%dma_wait3A_137 : memref<128xi32, #tpu.memory_space<hbm>>) dst(%dma_wait3A_136 : memref<128xi32, #tpu.memory_space<vmem>>)
      tpu.yield
    }) : () -> ()
    %dma_start3A = arith.constant 0 : i32
    %dma_start3A_11 = arith.constant 0 : i32
    %dma_start3A_12 = tpu.memref_slice %arg7[%dma_start3A, %dma_start3A_11] : memref<1x128xi32, #tpu.memory_space<vmem>> -> memref<1x128xi32, #tpu.memory_space<vmem>>
    %dma_start3A_13 = tpu.memref_squeeze %dma_start3A_12 : memref<1x128xi32, #tpu.memory_space<vmem>> -> memref<128xi32, #tpu.memory_space<vmem>>
    %dma_start3A_14 = arith.constant 0 : i32
    %dma_start3A_15 = arith.constant 0 : i32
    %dma_start3A_16 = tpu.memref_slice %arg2[%dma_start3A_14, %dma_start3A_15] : memref<10000x128xf32, #tpu.memory_space<hbm>> -> memref<10000x128xf32, #tpu.memory_space<hbm>>
    tpu.enqueue_indirect_dma source(%dma_start3A_16 : memref<10000x128xf32, #tpu.memory_space<hbm>>) target(%arg11 : memref<128x128xf32, #tpu.memory_space<vmem>>) offsets(%dma_start3A_13 : memref<128xi32, #tpu.memory_space<vmem>>) semaphore(%arg14 : memref<!tpu.dma_semaphore, #tpu.memory_space<semaphore_mem>>)
    %add3A_17 = arith.constant 128 : i32
    %add3A_18 = arith.addi %mul3A_2, %add3A_17 : i32
    %dma_start3A_19 = arith.constant 0 : i32
    %dma_start3A_20 = arith.constant 0 : i32
    %dma_start3A_21 = tpu.memref_slice %arg8[%dma_start3A_19, %dma_start3A_20] : memref<1x128xi32, #tpu.memory_space<vmem>> -> memref<1x128xi32, #tpu.memory_space<vmem>>
    %dma_start3A_22 = tpu.memref_squeeze %dma_start3A_21 : memref<1x128xi32, #tpu.memory_space<vmem>> -> memref<128xi32, #tpu.memory_space<vmem>>
    %dma_start3A_23 = tpu.memref_slice %arg3[%add3A_18] : memref<327680xi32, #tpu.memory_space<hbm>> -> memref<128xi32, #tpu.memory_space<hbm>>
    %dma_start3A_24 = arith.constant 0 : i32
    %dma_start3A_25 = tpu.memref_slice %arg8[%dma_start3A_19, %dma_start3A_24] : memref<1x128xi32, #tpu.memory_space<vmem>> -> memref<1x128xi32, #tpu.memory_space<vmem>>
    %dma_start3A_26 = tpu.memref_squeeze %dma_start3A_25 : memref<1x128xi32, #tpu.memory_space<vmem>> -> memref<128xi32, #tpu.memory_space<vmem>>
    %dma_start3A_27 = tpu.memref_slice %arg3[%add3A_18] : memref<327680xi32, #tpu.memory_space<hbm>> -> memref<128xi32, #tpu.memory_space<hbm>>
    tpu.enqueue_dma source(%dma_start3A_27 : memref<128xi32, #tpu.memory_space<hbm>>) target(%dma_start3A_26 : memref<128xi32, #tpu.memory_space<vmem>>) target_semaphore(%arg15 : memref<!tpu.dma_semaphore, #tpu.memory_space<semaphore_mem>>)
    %add3A_28 = arith.constant 0 : i32
    %add3A_29 = arith.addi %mul3A_2, %add3A_28 : i32
    %dma_start3A_30 = arith.constant 0 : i32
    %dma_start3A_31 = arith.constant 0 : i32
    %dma_start3A_32 = tpu.memref_slice %arg9[%dma_start3A_30, %dma_start3A_31] : memref<1x128xi32, #tpu.memory_space<vmem>> -> memref<1x128xi32, #tpu.memory_space<vmem>>
    %dma_start3A_33 = tpu.memref_squeeze %dma_start3A_32 : memref<1x128xi32, #tpu.memory_space<vmem>> -> memref<128xi32, #tpu.memory_space<vmem>>
    %dma_start3A_34 = tpu.memref_slice %arg4[%add3A_29] : memref<327680xi32, #tpu.memory_space<hbm>> -> memref<128xi32, #tpu.memory_space<hbm>>
    %dma_start3A_35 = arith.constant 0 : i32
    %dma_start3A_36 = tpu.memref_slice %arg9[%dma_start3A_30, %dma_start3A_35] : memref<1x128xi32, #tpu.memory_space<vmem>> -> memref<1x128xi32, #tpu.memory_space<vmem>>
    %dma_start3A_37 = tpu.memref_squeeze %dma_start3A_36 : memref<1x128xi32, #tpu.memory_space<vmem>> -> memref<128xi32, #tpu.memory_space<vmem>>
    %dma_start3A_38 = tpu.memref_slice %arg4[%add3A_29] : memref<327680xi32, #tpu.memory_space<hbm>> -> memref<128xi32, #tpu.memory_space<hbm>>
    tpu.enqueue_dma source(%dma_start3A_38 : memref<128xi32, #tpu.memory_space<hbm>>) target(%dma_start3A_37 : memref<128xi32, #tpu.memory_space<vmem>>) target_semaphore(%arg16 : memref<!tpu.dma_semaphore, #tpu.memory_space<semaphore_mem>>)
    %scan3A = arith.constant 0 : i32
    %scan3A_39 = arith.constant 0 : i32
    %scan3A_40 = arith.constant 39 : i32
    %scan3A_41 = arith.addi %scan3A_39, %scan3A_40 : i32
    %scan3A_42 = arith.constant 1 : i32
    scf.for %scan3A_121 = %scan3A_39 to %scan3A_41 step %scan3A_42  : i32 {
      %mul3A_122 = arith.constant 2 : i32
      %mul3A_123 = arith.muli %scan3A_121, %mul3A_122 : i32
      %add3A_124 = arith.constant 1 : i32
      %add3A_125 = arith.addi %mul3A_123, %add3A_124 : i32
      %mul3A_126 = arith.constant 128 : i32
      %mul3A_127 = arith.muli %add3A_125, %mul3A_126 : i32
      %add3A_128 = arith.addi %mul3A_2, %mul3A_127 : i32
      %dma_wait3A_129 = arith.constant 0 : i32
      %dma_wait3A_130 = arith.constant 0 : i32
      %dma_wait3A_131 = tpu.memref_slice %arg8[%dma_wait3A_129, %dma_wait3A_130] : memref<1x128xi32, #tpu.memory_space<vmem>> -> memref<1x128xi32, #tpu.memory_space<vmem>>
      %dma_wait3A_132 = tpu.memref_squeeze %dma_wait3A_131 : memref<1x128xi32, #tpu.memory_space<vmem>> -> memref<128xi32, #tpu.memory_space<vmem>>
      %dma_wait3A_133 = tpu.memref_slice %arg3[%add3A_128] : memref<327680xi32, #tpu.memory_space<hbm>> -> memref<128xi32, #tpu.memory_space<hbm>>
      %dma_wait3A_134 = arith.constant 0 : i32
      %dma_wait3A_135 = tpu.memref_slice %arg8[%dma_wait3A_129, %dma_wait3A_134] : memref<1x128xi32, #tpu.memory_space<vmem>> -> memref<1x128xi32, #tpu.memory_space<vmem>>
      %dma_wait3A_136 = tpu.memref_squeeze %dma_wait3A_135 : memref<1x128xi32, #tpu.memory_space<vmem>> -> memref<128xi32, #tpu.memory_space<vmem>>
      %dma_wait3A_137 = tpu.memref_slice %arg3[%add3A_128] : memref<327680xi32, #tpu.memory_space<hbm>> -> memref<128xi32, #tpu.memory_space<hbm>>
      tpu.wait_dma2 semaphore(%arg15 : memref<!tpu.dma_semaphore, #tpu.memory_space<semaphore_mem>>) src(%dma_wait3A_137 : memref<128xi32, #tpu.memory_space<hbm>>) dst(%dma_wait3A_136 : memref<128xi32, #tpu.memory_space<vmem>>)
      %dma_wait3A_138 = arith.constant 0 : i32
      %dma_wait3A_139 = arith.constant 0 : i32
      %dma_wait3A_140 = tpu.memref_slice %arg7[%dma_wait3A_138, %dma_wait3A_139] : memref<1x128xi32, #tpu.memory_space<vmem>> -> memref<1x128xi32, #tpu.memory_space<vmem>>
      %dma_wait3A_141 = tpu.memref_squeeze %dma_wait3A_140 : memref<1x128xi32, #tpu.memory_space<vmem>> -> memref<128xi32, #tpu.memory_space<vmem>>
      %dma_wait3A_142 = arith.constant 0 : i32
      %dma_wait3A_143 = arith.constant 0 : i32
      %dma_wait3A_144 = tpu.memref_slice %arg2[%dma_wait3A_142, %dma_wait3A_143] : memref<10000x128xf32, #tpu.memory_space<hbm>> -> memref<10000x128xf32, #tpu.memory_space<hbm>>
      tpu.wait_indirect_dma semaphore(%arg14 : memref<!tpu.dma_semaphore, #tpu.memory_space<semaphore_mem>>) src(%dma_wait3A_144 : memref<10000x128xf32, #tpu.memory_space<hbm>>) dst(%arg11 : memref<128x128xf32, #tpu.memory_space<vmem>>)
      %dma_start3A_145 = arith.constant 0 : i32
      %dma_start3A_146 = arith.constant 0 : i32
      %dma_start3A_147 = tpu.memref_slice %arg8[%dma_start3A_145, %dma_start3A_146] : memref<1x128xi32, #tpu.memory_space<vmem>> -> memref<1x128xi32, #tpu.memory_space<vmem>>
      %dma_start3A_148 = tpu.memref_squeeze %dma_start3A_147 : memref<1x128xi32, #tpu.memory_space<vmem>> -> memref<128xi32, #tpu.memory_space<vmem>>
      %dma_start3A_149 = arith.constant 0 : i32
      %dma_start3A_150 = arith.constant 0 : i32
      %dma_start3A_151 = tpu.memref_slice %arg2[%dma_start3A_149, %dma_start3A_150] : memref<10000x128xf32, #tpu.memory_space<hbm>> -> memref<10000x128xf32, #tpu.memory_space<hbm>>
      tpu.enqueue_indirect_dma source(%dma_start3A_151 : memref<10000x128xf32, #tpu.memory_space<hbm>>) target(%arg12 : memref<128x128xf32, #tpu.memory_space<vmem>>) offsets(%dma_start3A_148 : memref<128xi32, #tpu.memory_space<vmem>>) semaphore(%arg14 : memref<!tpu.dma_semaphore, #tpu.memory_space<semaphore_mem>>)
      %mul3A_152 = arith.constant 128 : i32
      %mul3A_153 = arith.muli %mul3A_123, %mul3A_152 : i32
      %add3A_154 = arith.addi %mul3A_2, %mul3A_153 : i32
      %dma_wait3A_155 = arith.constant 0 : i32
      %dma_wait3A_156 = arith.constant 0 : i32
      %dma_wait3A_157 = tpu.memref_slice %arg9[%dma_wait3A_155, %dma_wait3A_156] : memref<1x128xi32, #tpu.memory_space<vmem>> -> memref<1x128xi32, #tpu.memory_space<vmem>>
      %dma_wait3A_158 = tpu.memref_squeeze %dma_wait3A_157 : memref<1x128xi32, #tpu.memory_space<vmem>> -> memref<128xi32, #tpu.memory_space<vmem>>
      %dma_wait3A_159 = tpu.memref_slice %arg4[%add3A_154] : memref<327680xi32, #tpu.memory_space<hbm>> -> memref<128xi32, #tpu.memory_space<hbm>>
      %dma_wait3A_160 = arith.constant 0 : i32
      %dma_wait3A_161 = tpu.memref_slice %arg9[%dma_wait3A_155, %dma_wait3A_160] : memref<1x128xi32, #tpu.memory_space<vmem>> -> memref<1x128xi32, #tpu.memory_space<vmem>>
      %dma_wait3A_162 = tpu.memref_squeeze %dma_wait3A_161 : memref<1x128xi32, #tpu.memory_space<vmem>> -> memref<128xi32, #tpu.memory_space<vmem>>
      %dma_wait3A_163 = tpu.memref_slice %arg4[%add3A_154] : memref<327680xi32, #tpu.memory_space<hbm>> -> memref<128xi32, #tpu.memory_space<hbm>>
      tpu.wait_dma2 semaphore(%arg16 : memref<!tpu.dma_semaphore, #tpu.memory_space<semaphore_mem>>) src(%dma_wait3A_163 : memref<128xi32, #tpu.memory_space<hbm>>) dst(%dma_wait3A_162 : memref<128xi32, #tpu.memory_space<vmem>>)
      %add3A_164 = arith.constant 2 : i32
      %add3A_165 = arith.addi %mul3A_123, %add3A_164 : i32
      %mul3A_166 = arith.constant 128 : i32
      %mul3A_167 = arith.muli %add3A_165, %mul3A_166 : i32
      %add3A_168 = arith.addi %mul3A_2, %mul3A_167 : i32
      %dma_start3A_169 = arith.constant 0 : i32
      %dma_start3A_170 = arith.constant 0 : i32
      %dma_start3A_171 = tpu.memref_slice %arg7[%dma_start3A_169, %dma_start3A_170] : memref<1x128xi32, #tpu.memory_space<vmem>> -> memref<1x128xi32, #tpu.memory_space<vmem>>
      %dma_start3A_172 = tpu.memref_squeeze %dma_start3A_171 : memref<1x128xi32, #tpu.memory_space<vmem>> -> memref<128xi32, #tpu.memory_space<vmem>>
      %dma_start3A_173 = tpu.memref_slice %arg3[%add3A_168] : memref<327680xi32, #tpu.memory_space<hbm>> -> memref<128xi32, #tpu.memory_space<hbm>>
      %dma_start3A_174 = arith.constant 0 : i32
      %dma_start3A_175 = tpu.memref_slice %arg7[%dma_start3A_169, %dma_start3A_174] : memref<1x128xi32, #tpu.memory_space<vmem>> -> memref<1x128xi32, #tpu.memory_space<vmem>>
      %dma_start3A_176 = tpu.memref_squeeze %dma_start3A_175 : memref<1x128xi32, #tpu.memory_space<vmem>> -> memref<128xi32, #tpu.memory_space<vmem>>
      %dma_start3A_177 = tpu.memref_slice %arg3[%add3A_168] : memref<327680xi32, #tpu.memory_space<hbm>> -> memref<128xi32, #tpu.memory_space<hbm>>
      tpu.enqueue_dma source(%dma_start3A_177 : memref<128xi32, #tpu.memory_space<hbm>>) target(%dma_start3A_176 : memref<128xi32, #tpu.memory_space<vmem>>) target_semaphore(%arg15 : memref<!tpu.dma_semaphore, #tpu.memory_space<semaphore_mem>>)
      %add3A_178 = arith.constant 1 : i32
      %add3A_179 = arith.addi %mul3A_123, %add3A_178 : i32
      %mul3A_180 = arith.constant 128 : i32
      %mul3A_181 = arith.muli %add3A_179, %mul3A_180 : i32
      %add3A_182 = arith.addi %mul3A_2, %mul3A_181 : i32
      %dma_start3A_183 = arith.constant 0 : i32
      %dma_start3A_184 = arith.constant 0 : i32
      %dma_start3A_185 = tpu.memref_slice %arg10[%dma_start3A_183, %dma_start3A_184] : memref<1x128xi32, #tpu.memory_space<vmem>> -> memref<1x128xi32, #tpu.memory_space<vmem>>
      %dma_start3A_186 = tpu.memref_squeeze %dma_start3A_185 : memref<1x128xi32, #tpu.memory_space<vmem>> -> memref<128xi32, #tpu.memory_space<vmem>>
      %dma_start3A_187 = tpu.memref_slice %arg4[%add3A_182] : memref<327680xi32, #tpu.memory_space<hbm>> -> memref<128xi32, #tpu.memory_space<hbm>>
      %dma_start3A_188 = arith.constant 0 : i32
      %dma_start3A_189 = tpu.memref_slice %arg10[%dma_start3A_183, %dma_start3A_188] : memref<1x128xi32, #tpu.memory_space<vmem>> -> memref<1x128xi32, #tpu.memory_space<vmem>>
      %dma_start3A_190 = tpu.memref_squeeze %dma_start3A_189 : memref<1x128xi32, #tpu.memory_space<vmem>> -> memref<128xi32, #tpu.memory_space<vmem>>
      %dma_start3A_191 = tpu.memref_slice %arg4[%add3A_182] : memref<327680xi32, #tpu.memory_space<hbm>> -> memref<128xi32, #tpu.memory_space<hbm>>
      tpu.enqueue_dma source(%dma_start3A_191 : memref<128xi32, #tpu.memory_space<hbm>>) target(%dma_start3A_190 : memref<128xi32, #tpu.memory_space<vmem>>) target_semaphore(%arg16 : memref<!tpu.dma_semaphore, #tpu.memory_space<semaphore_mem>>)
      %run_scoped3A_192 = arith.constant 0 : i32
      "tpu.region"() ({
        %run_scoped3A_264 = tpu.sem_alloc : memref<!tpu.dma_semaphore, #tpu.memory_space<semaphore_mem>>
        %dma_start3A_265 = arith.constant 0 : i32
        %dma_start3A_266 = tpu.memref_slice %arg9[%run_scoped3A_192, %dma_start3A_265] : memref<1x128xi32, #tpu.memory_space<vmem>> -> memref<1x128xi32, #tpu.memory_space<vmem>>
        %dma_start3A_267 = tpu.memref_squeeze %dma_start3A_266 : memref<1x128xi32, #tpu.memory_space<vmem>> -> memref<128xi32, #tpu.memory_space<vmem>>
        %dma_start3A_268 = arith.constant 0 : i32
        %dma_start3A_269 = arith.constant 0 : i32
        %dma_start3A_270 = tpu.memref_slice %arg13[%dma_start3A_268, %dma_start3A_269] : memref<10008x128xf32, #tpu.memory_space<vmem_shared>> -> memref<10008x128xf32, #tpu.memory_space<vmem_shared>>
        tpu.enqueue_indirect_dma source(%arg11 : memref<128x128xf32, #tpu.memory_space<vmem>>) target(%dma_start3A_270 : memref<10008x128xf32, #tpu.memory_space<vmem_shared>>) offsets(%dma_start3A_267 : memref<128xi32, #tpu.memory_space<vmem>>) semaphore(%run_scoped3A_264 : memref<!tpu.dma_semaphore, #tpu.memory_space<semaphore_mem>>) {add = true}
        %dma_wait3A_271 = arith.constant 0 : i32
        %dma_wait3A_272 = tpu.memref_slice %arg9[%run_scoped3A_192, %dma_wait3A_271] : memref<1x128xi32, #tpu.memory_space<vmem>> -> memref<1x128xi32, #tpu.memory_space<vmem>>
        %dma_wait3A_273 = tpu.memref_squeeze %dma_wait3A_272 : memref<1x128xi32, #tpu.memory_space<vmem>> -> memref<128xi32, #tpu.memory_space<vmem>>
        %dma_wait3A_274 = arith.constant 0 : i32
        %dma_wait3A_275 = arith.constant 0 : i32
        %dma_wait3A_276 = tpu.memref_slice %arg13[%dma_wait3A_274, %dma_wait3A_275] : memref<10008x128xf32, #tpu.memory_space<vmem_shared>> -> memref<10008x128xf32, #tpu.memory_space<vmem_shared>>
        tpu.wait_indirect_dma semaphore(%run_scoped3A_264 : memref<!tpu.dma_semaphore, #tpu.memory_space<semaphore_mem>>) src(%arg11 : memref<128x128xf32, #tpu.memory_space<vmem>>) dst(%dma_wait3A_276 : memref<10008x128xf32, #tpu.memory_space<vmem_shared>>)
        tpu.yield
      }) : () -> ()
      %add3A_193 = arith.constant 1 : i32
      %add3A_194 = arith.addi %mul3A_123, %add3A_193 : i32
      %add3A_195 = arith.constant 1 : i32
      %add3A_196 = arith.addi %add3A_194, %add3A_195 : i32
      %mul3A_197 = arith.constant 128 : i32
      %mul3A_198 = arith.muli %add3A_196, %mul3A_197 : i32
      %add3A_199 = arith.addi %mul3A_2, %mul3A_198 : i32
      %dma_wait3A_200 = arith.constant 0 : i32
      %dma_wait3A_201 = arith.constant 0 : i32
      %dma_wait3A_202 = tpu.memref_slice %arg7[%dma_wait3A_200, %dma_wait3A_201] : memref<1x128xi32, #tpu.memory_space<vmem>> -> memref<1x128xi32, #tpu.memory_space<vmem>>
      %dma_wait3A_203 = tpu.memref_squeeze %dma_wait3A_202 : memref<1x128xi32, #tpu.memory_space<vmem>> -> memref<128xi32, #tpu.memory_space<vmem>>
      %dma_wait3A_204 = tpu.memref_slice %arg3[%add3A_199] : memref<327680xi32, #tpu.memory_space<hbm>> -> memref<128xi32, #tpu.memory_space<hbm>>
      %dma_wait3A_205 = arith.constant 0 : i32
      %dma_wait3A_206 = tpu.memref_slice %arg7[%dma_wait3A_200, %dma_wait3A_205] : memref<1x128xi32, #tpu.memory_space<vmem>> -> memref<1x128xi32, #tpu.memory_space<vmem>>
      %dma_wait3A_207 = tpu.memref_squeeze %dma_wait3A_206 : memref<1x128xi32, #tpu.memory_space<vmem>> -> memref<128xi32, #tpu.memory_space<vmem>>
      %dma_wait3A_208 = tpu.memref_slice %arg3[%add3A_199] : memref<327680xi32, #tpu.memory_space<hbm>> -> memref<128xi32, #tpu.memory_space<hbm>>
      tpu.wait_dma2 semaphore(%arg15 : memref<!tpu.dma_semaphore, #tpu.memory_space<semaphore_mem>>) src(%dma_wait3A_208 : memref<128xi32, #tpu.memory_space<hbm>>) dst(%dma_wait3A_207 : memref<128xi32, #tpu.memory_space<vmem>>)
      %dma_wait3A_209 = arith.constant 0 : i32
      %dma_wait3A_210 = arith.constant 0 : i32
      %dma_wait3A_211 = tpu.memref_slice %arg8[%dma_wait3A_209, %dma_wait3A_210] : memref<1x128xi32, #tpu.memory_space<vmem>> -> memref<1x128xi32, #tpu.memory_space<vmem>>
      %dma_wait3A_212 = tpu.memref_squeeze %dma_wait3A_211 : memref<1x128xi32, #tpu.memory_space<vmem>> -> memref<128xi32, #tpu.memory_space<vmem>>
      %dma_wait3A_213 = arith.constant 0 : i32
      %dma_wait3A_214 = arith.constant 0 : i32
      %dma_wait3A_215 = tpu.memref_slice %arg2[%dma_wait3A_213, %dma_wait3A_214] : memref<10000x128xf32, #tpu.memory_space<hbm>> -> memref<10000x128xf32, #tpu.memory_space<hbm>>
      tpu.wait_indirect_dma semaphore(%arg14 : memref<!tpu.dma_semaphore, #tpu.memory_space<semaphore_mem>>) src(%dma_wait3A_215 : memref<10000x128xf32, #tpu.memory_space<hbm>>) dst(%arg12 : memref<128x128xf32, #tpu.memory_space<vmem>>)
      %dma_start3A_216 = arith.constant 0 : i32
      %dma_start3A_217 = arith.constant 0 : i32
      %dma_start3A_218 = tpu.memref_slice %arg7[%dma_start3A_216, %dma_start3A_217] : memref<1x128xi32, #tpu.memory_space<vmem>> -> memref<1x128xi32, #tpu.memory_space<vmem>>
      %dma_start3A_219 = tpu.memref_squeeze %dma_start3A_218 : memref<1x128xi32, #tpu.memory_space<vmem>> -> memref<128xi32, #tpu.memory_space<vmem>>
      %dma_start3A_220 = arith.constant 0 : i32
      %dma_start3A_221 = arith.constant 0 : i32
      %dma_start3A_222 = tpu.memref_slice %arg2[%dma_start3A_220, %dma_start3A_221] : memref<10000x128xf32, #tpu.memory_space<hbm>> -> memref<10000x128xf32, #tpu.memory_space<hbm>>
      tpu.enqueue_indirect_dma source(%dma_start3A_222 : memref<10000x128xf32, #tpu.memory_space<hbm>>) target(%arg11 : memref<128x128xf32, #tpu.memory_space<vmem>>) offsets(%dma_start3A_219 : memref<128xi32, #tpu.memory_space<vmem>>) semaphore(%arg14 : memref<!tpu.dma_semaphore, #tpu.memory_space<semaphore_mem>>)
      %mul3A_223 = arith.constant 128 : i32
      %mul3A_224 = arith.muli %add3A_194, %mul3A_223 : i32
      %add3A_225 = arith.addi %mul3A_2, %mul3A_224 : i32
      %dma_wait3A_226 = arith.constant 0 : i32
      %dma_wait3A_227 = arith.constant 0 : i32
      %dma_wait3A_228 = tpu.memref_slice %arg10[%dma_wait3A_226, %dma_wait3A_227] : memref<1x128xi32, #tpu.memory_space<vmem>> -> memref<1x128xi32, #tpu.memory_space<vmem>>
      %dma_wait3A_229 = tpu.memref_squeeze %dma_wait3A_228 : memref<1x128xi32, #tpu.memory_space<vmem>> -> memref<128xi32, #tpu.memory_space<vmem>>
      %dma_wait3A_230 = tpu.memref_slice %arg4[%add3A_225] : memref<327680xi32, #tpu.memory_space<hbm>> -> memref<128xi32, #tpu.memory_space<hbm>>
      %dma_wait3A_231 = arith.constant 0 : i32
      %dma_wait3A_232 = tpu.memref_slice %arg10[%dma_wait3A_226, %dma_wait3A_231] : memref<1x128xi32, #tpu.memory_space<vmem>> -> memref<1x128xi32, #tpu.memory_space<vmem>>
      %dma_wait3A_233 = tpu.memref_squeeze %dma_wait3A_232 : memref<1x128xi32, #tpu.memory_space<vmem>> -> memref<128xi32, #tpu.memory_space<vmem>>
      %dma_wait3A_234 = tpu.memref_slice %arg4[%add3A_225] : memref<327680xi32, #tpu.memory_space<hbm>> -> memref<128xi32, #tpu.memory_space<hbm>>
      tpu.wait_dma2 semaphore(%arg16 : memref<!tpu.dma_semaphore, #tpu.memory_space<semaphore_mem>>) src(%dma_wait3A_234 : memref<128xi32, #tpu.memory_space<hbm>>) dst(%dma_wait3A_233 : memref<128xi32, #tpu.memory_space<vmem>>)
      %add3A_235 = arith.constant 2 : i32
      %add3A_236 = arith.addi %add3A_194, %add3A_235 : i32
      %mul3A_237 = arith.constant 128 : i32
      %mul3A_238 = arith.muli %add3A_236, %mul3A_237 : i32
      %add3A_239 = arith.addi %mul3A_2, %mul3A_238 : i32
      %dma_start3A_240 = arith.constant 0 : i32
      %dma_start3A_241 = arith.constant 0 : i32
      %dma_start3A_242 = tpu.memref_slice %arg8[%dma_start3A_240, %dma_start3A_241] : memref<1x128xi32, #tpu.memory_space<vmem>> -> memref<1x128xi32, #tpu.memory_space<vmem>>
      %dma_start3A_243 = tpu.memref_squeeze %dma_start3A_242 : memref<1x128xi32, #tpu.memory_space<vmem>> -> memref<128xi32, #tpu.memory_space<vmem>>
      %dma_start3A_244 = tpu.memref_slice %arg3[%add3A_239] : memref<327680xi32, #tpu.memory_space<hbm>> -> memref<128xi32, #tpu.memory_space<hbm>>
      %dma_start3A_245 = arith.constant 0 : i32
      %dma_start3A_246 = tpu.memref_slice %arg8[%dma_start3A_240, %dma_start3A_245] : memref<1x128xi32, #tpu.memory_space<vmem>> -> memref<1x128xi32, #tpu.memory_space<vmem>>
      %dma_start3A_247 = tpu.memref_squeeze %dma_start3A_246 : memref<1x128xi32, #tpu.memory_space<vmem>> -> memref<128xi32, #tpu.memory_space<vmem>>
      %dma_start3A_248 = tpu.memref_slice %arg3[%add3A_239] : memref<327680xi32, #tpu.memory_space<hbm>> -> memref<128xi32, #tpu.memory_space<hbm>>
      tpu.enqueue_dma source(%dma_start3A_248 : memref<128xi32, #tpu.memory_space<hbm>>) target(%dma_start3A_247 : memref<128xi32, #tpu.memory_space<vmem>>) target_semaphore(%arg15 : memref<!tpu.dma_semaphore, #tpu.memory_space<semaphore_mem>>)
      %add3A_249 = arith.constant 1 : i32
      %add3A_250 = arith.addi %add3A_194, %add3A_249 : i32
      %mul3A_251 = arith.constant 128 : i32
      %mul3A_252 = arith.muli %add3A_250, %mul3A_251 : i32
      %add3A_253 = arith.addi %mul3A_2, %mul3A_252 : i32
      %dma_start3A_254 = arith.constant 0 : i32
      %dma_start3A_255 = arith.constant 0 : i32
      %dma_start3A_256 = tpu.memref_slice %arg9[%dma_start3A_254, %dma_start3A_255] : memref<1x128xi32, #tpu.memory_space<vmem>> -> memref<1x128xi32, #tpu.memory_space<vmem>>
      %dma_start3A_257 = tpu.memref_squeeze %dma_start3A_256 : memref<1x128xi32, #tpu.memory_space<vmem>> -> memref<128xi32, #tpu.memory_space<vmem>>
      %dma_start3A_258 = tpu.memref_slice %arg4[%add3A_253] : memref<327680xi32, #tpu.memory_space<hbm>> -> memref<128xi32, #tpu.memory_space<hbm>>
      %dma_start3A_259 = arith.constant 0 : i32
      %dma_start3A_260 = tpu.memref_slice %arg9[%dma_start3A_254, %dma_start3A_259] : memref<1x128xi32, #tpu.memory_space<vmem>> -> memref<1x128xi32, #tpu.memory_space<vmem>>
      %dma_start3A_261 = tpu.memref_squeeze %dma_start3A_260 : memref<1x128xi32, #tpu.memory_space<vmem>> -> memref<128xi32, #tpu.memory_space<vmem>>
      %dma_start3A_262 = tpu.memref_slice %arg4[%add3A_253] : memref<327680xi32, #tpu.memory_space<hbm>> -> memref<128xi32, #tpu.memory_space<hbm>>
      tpu.enqueue_dma source(%dma_start3A_262 : memref<128xi32, #tpu.memory_space<hbm>>) target(%dma_start3A_261 : memref<128xi32, #tpu.memory_space<vmem>>) target_semaphore(%arg16 : memref<!tpu.dma_semaphore, #tpu.memory_space<semaphore_mem>>)
      %run_scoped3A_263 = arith.constant 0 : i32
      "tpu.region"() ({
        %run_scoped3A_264 = tpu.sem_alloc : memref<!tpu.dma_semaphore, #tpu.memory_space<semaphore_mem>>
        %dma_start3A_265 = arith.constant 0 : i32
        %dma_start3A_266 = tpu.memref_slice %arg10[%run_scoped3A_263, %dma_start3A_265] : memref<1x128xi32, #tpu.memory_space<vmem>> -> memref<1x128xi32, #tpu.memory_space<vmem>>
        %dma_start3A_267 = tpu.memref_squeeze %dma_start3A_266 : memref<1x128xi32, #tpu.memory_space<vmem>> -> memref<128xi32, #tpu.memory_space<vmem>>
        %dma_start3A_268 = arith.constant 0 : i32
        %dma_start3A_269 = arith.constant 0 : i32
        %dma_start3A_270 = tpu.memref_slice %arg13[%dma_start3A_268, %dma_start3A_269] : memref<10008x128xf32, #tpu.memory_space<vmem_shared>> -> memref<10008x128xf32, #tpu.memory_space<vmem_shared>>
        tpu.enqueue_indirect_dma source(%arg12 : memref<128x128xf32, #tpu.memory_space<vmem>>) target(%dma_start3A_270 : memref<10008x128xf32, #tpu.memory_space<vmem_shared>>) offsets(%dma_start3A_267 : memref<128xi32, #tpu.memory_space<vmem>>) semaphore(%run_scoped3A_264 : memref<!tpu.dma_semaphore, #tpu.memory_space<semaphore_mem>>) {add = true}
        %dma_wait3A_271 = arith.constant 0 : i32
        %dma_wait3A_272 = tpu.memref_slice %arg10[%run_scoped3A_263, %dma_wait3A_271] : memref<1x128xi32, #tpu.memory_space<vmem>> -> memref<1x128xi32, #tpu.memory_space<vmem>>
        %dma_wait3A_273 = tpu.memref_squeeze %dma_wait3A_272 : memref<1x128xi32, #tpu.memory_space<vmem>> -> memref<128xi32, #tpu.memory_space<vmem>>
        %dma_wait3A_274 = arith.constant 0 : i32
        %dma_wait3A_275 = arith.constant 0 : i32
        %dma_wait3A_276 = tpu.memref_slice %arg13[%dma_wait3A_274, %dma_wait3A_275] : memref<10008x128xf32, #tpu.memory_space<vmem_shared>> -> memref<10008x128xf32, #tpu.memory_space<vmem_shared>>
        tpu.wait_indirect_dma semaphore(%run_scoped3A_264 : memref<!tpu.dma_semaphore, #tpu.memory_space<semaphore_mem>>) src(%arg12 : memref<128x128xf32, #tpu.memory_space<vmem>>) dst(%dma_wait3A_276 : memref<10008x128xf32, #tpu.memory_space<vmem_shared>>)
        tpu.yield
      }) : () -> ()
    }
    %scan3A_43 = arith.constant 39 : i32
    %add3A_44 = arith.constant 10112 : i32
    %add3A_45 = arith.addi %mul3A_2, %add3A_44 : i32
    %dma_wait3A = arith.constant 0 : i32
    %dma_wait3A_46 = arith.constant 0 : i32
    %dma_wait3A_47 = tpu.memref_slice %arg8[%dma_wait3A, %dma_wait3A_46] : memref<1x128xi32, #tpu.memory_space<vmem>> -> memref<1x128xi32, #tpu.memory_space<vmem>>
    %dma_wait3A_48 = tpu.memref_squeeze %dma_wait3A_47 : memref<1x128xi32, #tpu.memory_space<vmem>> -> memref<128xi32, #tpu.memory_space<vmem>>
    %dma_wait3A_49 = tpu.memref_slice %arg3[%add3A_45] : memref<327680xi32, #tpu.memory_space<hbm>> -> memref<128xi32, #tpu.memory_space<hbm>>
    %dma_wait3A_50 = arith.constant 0 : i32
    %dma_wait3A_51 = tpu.memref_slice %arg8[%dma_wait3A, %dma_wait3A_50] : memref<1x128xi32, #tpu.memory_space<vmem>> -> memref<1x128xi32, #tpu.memory_space<vmem>>
    %dma_wait3A_52 = tpu.memref_squeeze %dma_wait3A_51 : memref<1x128xi32, #tpu.memory_space<vmem>> -> memref<128xi32, #tpu.memory_space<vmem>>
    %dma_wait3A_53 = tpu.memref_slice %arg3[%add3A_45] : memref<327680xi32, #tpu.memory_space<hbm>> -> memref<128xi32, #tpu.memory_space<hbm>>
    tpu.wait_dma2 semaphore(%arg15 : memref<!tpu.dma_semaphore, #tpu.memory_space<semaphore_mem>>) src(%dma_wait3A_53 : memref<128xi32, #tpu.memory_space<hbm>>) dst(%dma_wait3A_52 : memref<128xi32, #tpu.memory_space<vmem>>)
    %dma_wait3A_54 = arith.constant 0 : i32
    %dma_wait3A_55 = arith.constant 0 : i32
    %dma_wait3A_56 = tpu.memref_slice %arg7[%dma_wait3A_54, %dma_wait3A_55] : memref<1x128xi32, #tpu.memory_space<vmem>> -> memref<1x128xi32, #tpu.memory_space<vmem>>
    %dma_wait3A_57 = tpu.memref_squeeze %dma_wait3A_56 : memref<1x128xi32, #tpu.memory_space<vmem>> -> memref<128xi32, #tpu.memory_space<vmem>>
    %dma_wait3A_58 = arith.constant 0 : i32
    %dma_wait3A_59 = arith.constant 0 : i32
    %dma_wait3A_60 = tpu.memref_slice %arg2[%dma_wait3A_58, %dma_wait3A_59] : memref<10000x128xf32, #tpu.memory_space<hbm>> -> memref<10000x128xf32, #tpu.memory_space<hbm>>
    tpu.wait_indirect_dma semaphore(%arg14 : memref<!tpu.dma_semaphore, #tpu.memory_space<semaphore_mem>>) src(%dma_wait3A_60 : memref<10000x128xf32, #tpu.memory_space<hbm>>) dst(%arg11 : memref<128x128xf32, #tpu.memory_space<vmem>>)
    %dma_start3A_61 = arith.constant 0 : i32
    %dma_start3A_62 = arith.constant 0 : i32
    %dma_start3A_63 = tpu.memref_slice %arg8[%dma_start3A_61, %dma_start3A_62] : memref<1x128xi32, #tpu.memory_space<vmem>> -> memref<1x128xi32, #tpu.memory_space<vmem>>
    %dma_start3A_64 = tpu.memref_squeeze %dma_start3A_63 : memref<1x128xi32, #tpu.memory_space<vmem>> -> memref<128xi32, #tpu.memory_space<vmem>>
    %dma_start3A_65 = arith.constant 0 : i32
    %dma_start3A_66 = arith.constant 0 : i32
    %dma_start3A_67 = tpu.memref_slice %arg2[%dma_start3A_65, %dma_start3A_66] : memref<10000x128xf32, #tpu.memory_space<hbm>> -> memref<10000x128xf32, #tpu.memory_space<hbm>>
    tpu.enqueue_indirect_dma source(%dma_start3A_67 : memref<10000x128xf32, #tpu.memory_space<hbm>>) target(%arg12 : memref<128x128xf32, #tpu.memory_space<vmem>>) offsets(%dma_start3A_64 : memref<128xi32, #tpu.memory_space<vmem>>) semaphore(%arg14 : memref<!tpu.dma_semaphore, #tpu.memory_space<semaphore_mem>>)
    %add3A_68 = arith.constant 9984 : i32
    %add3A_69 = arith.addi %mul3A_2, %add3A_68 : i32
    %dma_wait3A_70 = arith.constant 0 : i32
    %dma_wait3A_71 = arith.constant 0 : i32
    %dma_wait3A_72 = tpu.memref_slice %arg9[%dma_wait3A_70, %dma_wait3A_71] : memref<1x128xi32, #tpu.memory_space<vmem>> -> memref<1x128xi32, #tpu.memory_space<vmem>>
    %dma_wait3A_73 = tpu.memref_squeeze %dma_wait3A_72 : memref<1x128xi32, #tpu.memory_space<vmem>> -> memref<128xi32, #tpu.memory_space<vmem>>
    %dma_wait3A_74 = tpu.memref_slice %arg4[%add3A_69] : memref<327680xi32, #tpu.memory_space<hbm>> -> memref<128xi32, #tpu.memory_space<hbm>>
    %dma_wait3A_75 = arith.constant 0 : i32
    %dma_wait3A_76 = tpu.memref_slice %arg9[%dma_wait3A_70, %dma_wait3A_75] : memref<1x128xi32, #tpu.memory_space<vmem>> -> memref<1x128xi32, #tpu.memory_space<vmem>>
    %dma_wait3A_77 = tpu.memref_squeeze %dma_wait3A_76 : memref<1x128xi32, #tpu.memory_space<vmem>> -> memref<128xi32, #tpu.memory_space<vmem>>
    %dma_wait3A_78 = tpu.memref_slice %arg4[%add3A_69] : memref<327680xi32, #tpu.memory_space<hbm>> -> memref<128xi32, #tpu.memory_space<hbm>>
    tpu.wait_dma2 semaphore(%arg16 : memref<!tpu.dma_semaphore, #tpu.memory_space<semaphore_mem>>) src(%dma_wait3A_78 : memref<128xi32, #tpu.memory_space<hbm>>) dst(%dma_wait3A_77 : memref<128xi32, #tpu.memory_space<vmem>>)
    %add3A_79 = arith.constant 10112 : i32
    %add3A_80 = arith.addi %mul3A_2, %add3A_79 : i32
    %dma_start3A_81 = arith.constant 0 : i32
    %dma_start3A_82 = arith.constant 0 : i32
    %dma_start3A_83 = tpu.memref_slice %arg10[%dma_start3A_81, %dma_start3A_82] : memref<1x128xi32, #tpu.memory_space<vmem>> -> memref<1x128xi32, #tpu.memory_space<vmem>>
    %dma_start3A_84 = tpu.memref_squeeze %dma_start3A_83 : memref<1x128xi32, #tpu.memory_space<vmem>> -> memref<128xi32, #tpu.memory_space<vmem>>
    %dma_start3A_85 = tpu.memref_slice %arg4[%add3A_80] : memref<327680xi32, #tpu.memory_space<hbm>> -> memref<128xi32, #tpu.memory_space<hbm>>
    %dma_start3A_86 = arith.constant 0 : i32
    %dma_start3A_87 = tpu.memref_slice %arg10[%dma_start3A_81, %dma_start3A_86] : memref<1x128xi32, #tpu.memory_space<vmem>> -> memref<1x128xi32, #tpu.memory_space<vmem>>
    %dma_start3A_88 = tpu.memref_squeeze %dma_start3A_87 : memref<1x128xi32, #tpu.memory_space<vmem>> -> memref<128xi32, #tpu.memory_space<vmem>>
    %dma_start3A_89 = tpu.memref_slice %arg4[%add3A_80] : memref<327680xi32, #tpu.memory_space<hbm>> -> memref<128xi32, #tpu.memory_space<hbm>>
    tpu.enqueue_dma source(%dma_start3A_89 : memref<128xi32, #tpu.memory_space<hbm>>) target(%dma_start3A_88 : memref<128xi32, #tpu.memory_space<vmem>>) target_semaphore(%arg16 : memref<!tpu.dma_semaphore, #tpu.memory_space<semaphore_mem>>)
    %run_scoped3A_90 = arith.constant 0 : i32
    "tpu.region"() ({
      %run_scoped3A_121 = tpu.sem_alloc : memref<!tpu.dma_semaphore, #tpu.memory_space<semaphore_mem>>
      %dma_start3A_122 = arith.constant 0 : i32
      %dma_start3A_123 = tpu.memref_slice %arg9[%run_scoped3A_90, %dma_start3A_122] : memref<1x128xi32, #tpu.memory_space<vmem>> -> memref<1x128xi32, #tpu.memory_space<vmem>>
      %dma_start3A_124 = tpu.memref_squeeze %dma_start3A_123 : memref<1x128xi32, #tpu.memory_space<vmem>> -> memref<128xi32, #tpu.memory_space<vmem>>
      %dma_start3A_125 = arith.constant 0 : i32
      %dma_start3A_126 = arith.constant 0 : i32
      %dma_start3A_127 = tpu.memref_slice %arg13[%dma_start3A_125, %dma_start3A_126] : memref<10008x128xf32, #tpu.memory_space<vmem_shared>> -> memref<10008x128xf32, #tpu.memory_space<vmem_shared>>
      tpu.enqueue_indirect_dma source(%arg11 : memref<128x128xf32, #tpu.memory_space<vmem>>) target(%dma_start3A_127 : memref<10008x128xf32, #tpu.memory_space<vmem_shared>>) offsets(%dma_start3A_124 : memref<128xi32, #tpu.memory_space<vmem>>) semaphore(%run_scoped3A_121 : memref<!tpu.dma_semaphore, #tpu.memory_space<semaphore_mem>>) {add = true}
      %dma_wait3A_128 = arith.constant 0 : i32
      %dma_wait3A_129 = tpu.memref_slice %arg9[%run_scoped3A_90, %dma_wait3A_128] : memref<1x128xi32, #tpu.memory_space<vmem>> -> memref<1x128xi32, #tpu.memory_space<vmem>>
      %dma_wait3A_130 = tpu.memref_squeeze %dma_wait3A_129 : memref<1x128xi32, #tpu.memory_space<vmem>> -> memref<128xi32, #tpu.memory_space<vmem>>
      %dma_wait3A_131 = arith.constant 0 : i32
      %dma_wait3A_132 = arith.constant 0 : i32
      %dma_wait3A_133 = tpu.memref_slice %arg13[%dma_wait3A_131, %dma_wait3A_132] : memref<10008x128xf32, #tpu.memory_space<vmem_shared>> -> memref<10008x128xf32, #tpu.memory_space<vmem_shared>>
      tpu.wait_indirect_dma semaphore(%run_scoped3A_121 : memref<!tpu.dma_semaphore, #tpu.memory_space<semaphore_mem>>) src(%arg11 : memref<128x128xf32, #tpu.memory_space<vmem>>) dst(%dma_wait3A_133 : memref<10008x128xf32, #tpu.memory_space<vmem_shared>>)
      tpu.yield
    }) : () -> ()
    %dma_wait3A_91 = arith.constant 0 : i32
    %dma_wait3A_92 = arith.constant 0 : i32
    %dma_wait3A_93 = tpu.memref_slice %arg8[%dma_wait3A_91, %dma_wait3A_92] : memref<1x128xi32, #tpu.memory_space<vmem>> -> memref<1x128xi32, #tpu.memory_space<vmem>>
    %dma_wait3A_94 = tpu.memref_squeeze %dma_wait3A_93 : memref<1x128xi32, #tpu.memory_space<vmem>> -> memref<128xi32, #tpu.memory_space<vmem>>
    %dma_wait3A_95 = arith.constant 0 : i32
    %dma_wait3A_96 = arith.constant 0 : i32
    %dma_wait3A_97 = tpu.memref_slice %arg2[%dma_wait3A_95, %dma_wait3A_96] : memref<10000x128xf32, #tpu.memory_space<hbm>> -> memref<10000x128xf32, #tpu.memory_space<hbm>>
    tpu.wait_indirect_dma semaphore(%arg14 : memref<!tpu.dma_semaphore, #tpu.memory_space<semaphore_mem>>) src(%dma_wait3A_97 : memref<10000x128xf32, #tpu.memory_space<hbm>>) dst(%arg12 : memref<128x128xf32, #tpu.memory_space<vmem>>)
    %add3A_98 = arith.constant 10112 : i32
    %add3A_99 = arith.addi %mul3A_2, %add3A_98 : i32
    %dma_wait3A_100 = arith.constant 0 : i32
    %dma_wait3A_101 = arith.constant 0 : i32
    %dma_wait3A_102 = tpu.memref_slice %arg10[%dma_wait3A_100, %dma_wait3A_101] : memref<1x128xi32, #tpu.memory_space<vmem>> -> memref<1x128xi32, #tpu.memory_space<vmem>>
    %dma_wait3A_103 = tpu.memref_squeeze %dma_wait3A_102 : memref<1x128xi32, #tpu.memory_space<vmem>> -> memref<128xi32, #tpu.memory_space<vmem>>
    %dma_wait3A_104 = tpu.memref_slice %arg4[%add3A_99] : memref<327680xi32, #tpu.memory_space<hbm>> -> memref<128xi32, #tpu.memory_space<hbm>>
    %dma_wait3A_105 = arith.constant 0 : i32
    %dma_wait3A_106 = tpu.memref_slice %arg10[%dma_wait3A_100, %dma_wait3A_105] : memref<1x128xi32, #tpu.memory_space<vmem>> -> memref<1x128xi32, #tpu.memory_space<vmem>>
    %dma_wait3A_107 = tpu.memref_squeeze %dma_wait3A_106 : memref<1x128xi32, #tpu.memory_space<vmem>> -> memref<128xi32, #tpu.memory_space<vmem>>
    %dma_wait3A_108 = tpu.memref_slice %arg4[%add3A_99] : memref<327680xi32, #tpu.memory_space<hbm>> -> memref<128xi32, #tpu.memory_space<hbm>>
    tpu.wait_dma2 semaphore(%arg16 : memref<!tpu.dma_semaphore, #tpu.memory_space<semaphore_mem>>) src(%dma_wait3A_108 : memref<128xi32, #tpu.memory_space<hbm>>) dst(%dma_wait3A_107 : memref<128xi32, #tpu.memory_space<vmem>>)
    %run_scoped3A_109 = arith.constant 0 : i32
    "tpu.region"() ({
      %run_scoped3A_121 = tpu.sem_alloc : memref<!tpu.dma_semaphore, #tpu.memory_space<semaphore_mem>>
      %dma_start3A_122 = arith.constant 0 : i32
      %dma_start3A_123 = tpu.memref_slice %arg10[%run_scoped3A_109, %dma_start3A_122] : memref<1x128xi32, #tpu.memory_space<vmem>> -> memref<1x128xi32, #tpu.memory_space<vmem>>
      %dma_start3A_124 = tpu.memref_squeeze %dma_start3A_123 : memref<1x128xi32, #tpu.memory_space<vmem>> -> memref<128xi32, #tpu.memory_space<vmem>>
      %dma_start3A_125 = arith.constant 0 : i32
      %dma_start3A_126 = arith.constant 0 : i32
      %dma_start3A_127 = tpu.memref_slice %arg13[%dma_start3A_125, %dma_start3A_126] : memref<10008x128xf32, #tpu.memory_space<vmem_shared>> -> memref<10008x128xf32, #tpu.memory_space<vmem_shared>>
      tpu.enqueue_indirect_dma source(%arg12 : memref<128x128xf32, #tpu.memory_space<vmem>>) target(%dma_start3A_127 : memref<10008x128xf32, #tpu.memory_space<vmem_shared>>) offsets(%dma_start3A_124 : memref<128xi32, #tpu.memory_space<vmem>>) semaphore(%run_scoped3A_121 : memref<!tpu.dma_semaphore, #tpu.memory_space<semaphore_mem>>) {add = true}
      %dma_wait3A_128 = arith.constant 0 : i32
      %dma_wait3A_129 = tpu.memref_slice %arg10[%run_scoped3A_109, %dma_wait3A_128] : memref<1x128xi32, #tpu.memory_space<vmem>> -> memref<1x128xi32, #tpu.memory_space<vmem>>
      %dma_wait3A_130 = tpu.memref_squeeze %dma_wait3A_129 : memref<1x128xi32, #tpu.memory_space<vmem>> -> memref<128xi32, #tpu.memory_space<vmem>>
      %dma_wait3A_131 = arith.constant 0 : i32
      %dma_wait3A_132 = arith.constant 0 : i32
      %dma_wait3A_133 = tpu.memref_slice %arg13[%dma_wait3A_131, %dma_wait3A_132] : memref<10008x128xf32, #tpu.memory_space<vmem_shared>> -> memref<10008x128xf32, #tpu.memory_space<vmem_shared>>
      tpu.wait_indirect_dma semaphore(%run_scoped3A_121 : memref<!tpu.dma_semaphore, #tpu.memory_space<semaphore_mem>>) src(%arg12 : memref<128x128xf32, #tpu.memory_space<vmem>>) dst(%dma_wait3A_133 : memref<10008x128xf32, #tpu.memory_space<vmem_shared>>)
      tpu.yield
    }) : () -> ()
    %barrier3A_110 = arith.constant 0 : index
    tpu.barrier barrier_id(%barrier3A_110)
    %lt3A_111 = arith.constant 15 : i32
    %lt3A_112 = arith.cmpi slt, %arg1, %lt3A_111 : i32
    %convert_element_type3A_113 = arith.extui %lt3A_112 : i1 to i32
    %cond3A_114 = arith.constant 0 : i32
    %cond3A_115 = arith.cmpi ne, %convert_element_type3A_113, %cond3A_114 : i32
    scf.if %cond3A_115 {
      %mul3A_121 = arith.constant 624 : i32
      %mul3A_122 = arith.muli %arg1, %mul3A_121 : i32
      %multiple_of3A = tpu.assume_multiple %mul3A_122, 8 : i32
      "tpu.region"() ({
        %run_scoped3A_123 = tpu.sem_alloc : memref<!tpu.dma_semaphore, #tpu.memory_space<semaphore_mem>>
        %dma_start3A_124 = arith.constant 0 : i32
        %dma_start3A_125 = tpu.memref_slice %arg6[%arg0, %multiple_of3A, %dma_start3A_124] : memref<2x10000x128xf32, #tpu.memory_space<hbm>> -> memref<1x624x128xf32, #tpu.memory_space<hbm>>
        %dma_start3A_126 = tpu.memref_squeeze %dma_start3A_125 : memref<1x624x128xf32, #tpu.memory_space<hbm>> -> memref<624x128xf32, #tpu.memory_space<hbm>>
        %dma_start3A_127 = arith.constant 0 : i32
        %dma_start3A_128 = tpu.memref_slice %arg13[%multiple_of3A, %dma_start3A_127] : memref<10008x128xf32, #tpu.memory_space<vmem_shared>> -> memref<624x128xf32, #tpu.memory_space<vmem_shared>>
        tpu.enqueue_dma source(%dma_start3A_128 : memref<624x128xf32, #tpu.memory_space<vmem_shared>>) target(%dma_start3A_126 : memref<624x128xf32, #tpu.memory_space<hbm>>) target_semaphore(%run_scoped3A_123 : memref<!tpu.dma_semaphore, #tpu.memory_space<semaphore_mem>>)
        %dma_wait3A_129 = arith.constant 0 : i32
        %dma_wait3A_130 = tpu.memref_slice %arg6[%arg0, %multiple_of3A, %dma_wait3A_129] : memref<2x10000x128xf32, #tpu.memory_space<hbm>> -> memref<1x624x128xf32, #tpu.memory_space<hbm>>
        %dma_wait3A_131 = tpu.memref_squeeze %dma_wait3A_130 : memref<1x624x128xf32, #tpu.memory_space<hbm>> -> memref<624x128xf32, #tpu.memory_space<hbm>>
        %dma_wait3A_132 = arith.constant 0 : i32
        %dma_wait3A_133 = tpu.memref_slice %arg13[%multiple_of3A, %dma_wait3A_132] : memref<10008x128xf32, #tpu.memory_space<vmem_shared>> -> memref<624x128xf32, #tpu.memory_space<vmem_shared>>
        tpu.wait_dma2 semaphore(%run_scoped3A_123 : memref<!tpu.dma_semaphore, #tpu.memory_space<semaphore_mem>>) src(%dma_wait3A_133 : memref<624x128xf32, #tpu.memory_space<vmem_shared>>) dst(%dma_wait3A_131 : memref<624x128xf32, #tpu.memory_space<hbm>>)
        tpu.yield
      }) : () -> ()
    } else {
    }
    %eq3A_116 = arith.constant 15 : i32
    %eq3A_117 = arith.cmpi eq, %arg1, %eq3A_116 : i32
    %convert_element_type3A_118 = arith.extui %eq3A_117 : i1 to i32
    %cond3A_119 = arith.constant 0 : i32
    %cond3A_120 = arith.cmpi ne, %convert_element_type3A_118, %cond3A_119 : i32
    scf.if %cond3A_120 {
      "tpu.region"() ({
        %run_scoped3A_121 = tpu.sem_alloc : memref<!tpu.dma_semaphore, #tpu.memory_space<semaphore_mem>>
        %dma_start3A_122 = arith.constant 9360 : i32
        %dma_start3A_123 = arith.constant 0 : i32
        %dma_start3A_124 = tpu.memref_slice %arg6[%arg0, %dma_start3A_122, %dma_start3A_123] : memref<2x10000x128xf32, #tpu.memory_space<hbm>> -> memref<1x640x128xf32, #tpu.memory_space<hbm>>
        %dma_start3A_125 = tpu.memref_squeeze %dma_start3A_124 : memref<1x640x128xf32, #tpu.memory_space<hbm>> -> memref<640x128xf32, #tpu.memory_space<hbm>>
        %dma_start3A_126 = arith.constant 9360 : i32
        %dma_start3A_127 = arith.constant 0 : i32
        %dma_start3A_128 = tpu.memref_slice %arg13[%dma_start3A_126, %dma_start3A_127] : memref<10008x128xf32, #tpu.memory_space<vmem_shared>> -> memref<640x128xf32, #tpu.memory_space<vmem_shared>>
        tpu.enqueue_dma source(%dma_start3A_128 : memref<640x128xf32, #tpu.memory_space<vmem_shared>>) target(%dma_start3A_125 : memref<640x128xf32, #tpu.memory_space<hbm>>) target_semaphore(%run_scoped3A_121 : memref<!tpu.dma_semaphore, #tpu.memory_space<semaphore_mem>>)
        %dma_wait3A_129 = arith.constant 9360 : i32
        %dma_wait3A_130 = arith.constant 0 : i32
        %dma_wait3A_131 = tpu.memref_slice %arg6[%arg0, %dma_wait3A_129, %dma_wait3A_130] : memref<2x10000x128xf32, #tpu.memory_space<hbm>> -> memref<1x640x128xf32, #tpu.memory_space<hbm>>
        %dma_wait3A_132 = tpu.memref_squeeze %dma_wait3A_131 : memref<1x640x128xf32, #tpu.memory_space<hbm>> -> memref<640x128xf32, #tpu.memory_space<hbm>>
        %dma_wait3A_133 = arith.constant 9360 : i32
        %dma_wait3A_134 = arith.constant 0 : i32
        %dma_wait3A_135 = tpu.memref_slice %arg13[%dma_wait3A_133, %dma_wait3A_134] : memref<10008x128xf32, #tpu.memory_space<vmem_shared>> -> memref<640x128xf32, #tpu.memory_space<vmem_shared>>
        tpu.wait_dma2 semaphore(%run_scoped3A_121 : memref<!tpu.dma_semaphore, #tpu.memory_space<semaphore_mem>>) src(%dma_wait3A_135 : memref<640x128xf32, #tpu.memory_space<vmem_shared>>) dst(%dma_wait3A_132 : memref<640x128xf32, #tpu.memory_space<hbm>>)
        tpu.yield
      }) : () -> ()
    } else {
    }
    return
  }
}

module attributes {stable_mosaic.version = 14 : i64} {
  func.func @_mm_body(%arg0: i32, %arg1: memref<2000x128xf32, #tpu.memory_space<vmem>>, %arg2: memref<128x128xf32, #tpu.memory_space<vmem>>, %arg3: memref<2000x128xf32, #tpu.memory_space<vmem>>) attributes {dimension_semantics = [#tpu.dimension_semantics<arbitrary>], iteration_bounds = array<i64: 5>, scalar_prefetch = 0 : i64, scratch_operands = 0 : i64, tpu.core_type = #tpu.core_type<tc>, window_params = [{transform_indices = @transform_0, window_bounds = array<i64: 2000, 128>}, {pipeline_mode = #tpu.pipeline_mode<synchronous>, transform_indices = @transform_1, window_bounds = array<i64: 128, 128>}, {transform_indices = @transform_2, window_bounds = array<i64: 2000, 128>}]} {
    %get3A = arith.constant 0 : index
    %get3A_0 = arith.constant 0 : index
    %get3A_1 = vector.load %arg1[%get3A, %get3A_0] : memref<2000x128xf32, #tpu.memory_space<vmem>>, vector<2000x128xf32>
    %get3A_2 = arith.constant 0 : index
    %get3A_3 = arith.constant 0 : index
    %get3A_4 = vector.load %arg2[%get3A_2, %get3A_3] : memref<128x128xf32, #tpu.memory_space<vmem>>, vector<128x128xf32>
    %dot_general3A = arith.constant dense<0.000000e+00> : vector<2000x128xf32>
    %dot_general3A_5 = tpu.matmul %get3A_1, %get3A_4, %dot_general3A {dimension_numbers = #tpu.dot_dimension_numbers<[1], [0], [0], [1], [0, 0, 1, 1], [], []>, transpose_lhs_hint = false} : vector<2000x128xf32>, vector<128x128xf32>, vector<2000x128xf32> -> vector<2000x128xf32>
    %swap3A = arith.constant 0 : index
    %swap3A_6 = arith.constant 0 : index
    %swap3A_7 = vector.load %arg3[%swap3A, %swap3A_6] : memref<2000x128xf32, #tpu.memory_space<vmem>>, vector<2000x128xf32>
    tpu.vector_store %arg3[%swap3A, %swap3A_6], %dot_general3A_5 {strides = array<i32>} : memref<2000x128xf32, #tpu.memory_space<vmem>>, vector<2000x128xf32>,
    return
  }
  func.func @transform_0(%arg0: i32) -> (i32, i32) {
    %c0_i32 = arith.constant 0 : i32
    %c0_i32_0 = arith.constant 0 : i32
    return %arg0, %c0_i32 : i32, i32
  }
  func.func @transform_1(%arg0: i32) -> (i32, i32) {
    %c0_i32 = arith.constant 0 : i32
    %c0_i32_0 = arith.constant 0 : i32
    %c0_i32_1 = arith.constant 0 : i32
    return %c0_i32, %c0_i32_0 : i32, i32
  }
  func.func @transform_2(%arg0: i32) -> (i32, i32) {
    %c0_i32 = arith.constant 0 : i32
    %c0_i32_0 = arith.constant 0 : i32
    return %arg0, %c0_i32 : i32, i32
  }
}

module attributes {stable_mosaic.version = 14 : i64} {
  func.func @_scale_body(%arg0: i32, %arg1: memref<2000x128xf32, #tpu.memory_space<vmem>>, %arg2: memref<1x1x2000xf32, #tpu.memory_space<vmem>>, %arg3: memref<1x1x2000xf32, #tpu.memory_space<vmem>>, %arg4: memref<2000x128xf32, #tpu.memory_space<vmem>>) attributes {dimension_semantics = [#tpu.dimension_semantics<arbitrary>], iteration_bounds = array<i64: 5>, scalar_prefetch = 0 : i64, scratch_operands = 0 : i64, tpu.core_type = #tpu.core_type<tc>, window_params = [{transform_indices = @transform_0, window_bounds = array<i64: 2000, 128>}, {transform_indices = @transform_1, window_bounds = array<i64: 1, 1, 2000>}, {transform_indices = @transform_2, window_bounds = array<i64: 1, 1, 2000>}, {transform_indices = @transform_3, window_bounds = array<i64: 2000, 128>}]} {
    %get3A = arith.constant 0 : index
    %get3A_0 = arith.constant 0 : index
    %get3A_1 = arith.constant 0 : index
    %get3A_2 = vector.load %arg2[%get3A, %get3A_0, %get3A_1] : memref<1x1x2000xf32, #tpu.memory_space<vmem>>, vector<1x1x2000xf32>
    %get3A_3 = vector.shape_cast %get3A_2 : vector<1x1x2000xf32> to vector<2000xf32>
    %get3A_4 = arith.constant 0 : index
    %get3A_5 = arith.constant 0 : index
    %get3A_6 = arith.constant 0 : index
    %get3A_7 = vector.load %arg3[%get3A_4, %get3A_5, %get3A_6] : memref<1x1x2000xf32, #tpu.memory_space<vmem>>, vector<1x1x2000xf32>
    %get3A_8 = vector.shape_cast %get3A_7 : vector<1x1x2000xf32> to vector<2000xf32>
    %add3A = arith.addf %get3A_3, %get3A_8 : vector<2000xf32>
    %add3A_9 = arith.constant 1.000000e+00 : f32
    %add3A_10 = vector.broadcast %add3A_9 : f32 to vector<2000xf32>
    %add3A_11 = arith.addf %add3A, %add3A_10 : vector<2000xf32>
    %rsqrt3A = math.rsqrt %add3A_11 : vector<2000xf32>
    %get3A_12 = arith.constant 0 : index
    %get3A_13 = arith.constant 0 : index
    %get3A_14 = vector.load %arg1[%get3A_12, %get3A_13] : memref<2000x128xf32, #tpu.memory_space<vmem>>, vector<2000x128xf32>
    %broadcast_in_dim3A = vector.shape_cast %rsqrt3A : vector<2000xf32> to vector<2000x1xf32>
    %mul3A = vector.broadcast %broadcast_in_dim3A : vector<2000x1xf32> to vector<2000x128xf32>
    %mul3A_15 = arith.mulf %get3A_14, %mul3A : vector<2000x128xf32>
    %swap3A = arith.constant 0 : index
    %swap3A_16 = arith.constant 0 : index
    %swap3A_17 = vector.load %arg4[%swap3A, %swap3A_16] : memref<2000x128xf32, #tpu.memory_space<vmem>>, vector<2000x128xf32>
    tpu.vector_store %arg4[%swap3A, %swap3A_16], %mul3A_15 {strides = array<i32>} : memref<2000x128xf32, #tpu.memory_space<vmem>>, vector<2000x128xf32>,
    return
  }
  func.func @transform_0(%arg0: i32) -> (i32, i32) {
    %c0_i32 = arith.constant 0 : i32
    %c0_i32_0 = arith.constant 0 : i32
    return %arg0, %c0_i32 : i32, i32
  }
  func.func @transform_1(%arg0: i32) -> (i32, i32, i32) {
    %c0_i32 = arith.constant 0 : i32
    %c0_i32_0 = arith.constant 0 : i32
    %c0_i32_1 = arith.constant 0 : i32
    return %arg0, %c0_i32, %c0_i32_0 : i32, i32, i32
  }
  func.func @transform_2(%arg0: i32) -> (i32, i32, i32) {
    %c0_i32 = arith.constant 0 : i32
    %c0_i32_0 = arith.constant 0 : i32
    %c0_i32_1 = arith.constant 0 : i32
    return %arg0, %c0_i32, %c0_i32_0 : i32, i32, i32
  }
  func.func @transform_3(%arg0: i32) -> (i32, i32) {
    %c0_i32 = arith.constant 0 : i32
    %c0_i32_0 = arith.constant 0 : i32
    return %arg0, %c0_i32 : i32, i32
  }
}

module attributes {stable_mosaic.version = 14 : i64} {
  func.func @_mid_body(%arg0: i32, %arg1: memref<2x2000x128xf32, #tpu.memory_space<vmem>>, %arg2: memref<1x1x2000xf32, #tpu.memory_space<vmem>>, %arg3: memref<1x1x2000xf32, #tpu.memory_space<vmem>>, %arg4: memref<1x128xf32, #tpu.memory_space<vmem>>, %arg5: memref<128x128xf32, #tpu.memory_space<vmem>>, %arg6: memref<2000x128xf32, #tpu.memory_space<vmem>>) attributes {dimension_semantics = [#tpu.dimension_semantics<arbitrary>], iteration_bounds = array<i64: 5>, scalar_prefetch = 0 : i64, scratch_operands = 0 : i64, tpu.core_type = #tpu.core_type<tc>, window_params = [{transform_indices = @transform_0, window_bounds = array<i64: 2, 2000, 128>}, {transform_indices = @transform_1, window_bounds = array<i64: 1, 1, 2000>}, {transform_indices = @transform_2, window_bounds = array<i64: 1, 1, 2000>}, {pipeline_mode = #tpu.pipeline_mode<synchronous>, transform_indices = @transform_3, window_bounds = array<i64: 1, 128>}, {pipeline_mode = #tpu.pipeline_mode<synchronous>, transform_indices = @transform_4, window_bounds = array<i64: 128, 128>}, {transform_indices = @transform_5, window_bounds = array<i64: 2000, 128>}]} {
    %get3A = arith.constant 0 : index
    %get3A_0 = arith.constant 0 : index
    %get3A_1 = arith.constant 0 : index
    %get3A_2 = vector.load %arg2[%get3A, %get3A_0, %get3A_1] : memref<1x1x2000xf32, #tpu.memory_space<vmem>>, vector<1x1x2000xf32>
    %get3A_3 = vector.shape_cast %get3A_2 : vector<1x1x2000xf32> to vector<2000xf32>
    %get3A_4 = arith.constant 0 : index
    %get3A_5 = arith.constant 0 : index
    %get3A_6 = arith.constant 0 : index
    %get3A_7 = vector.load %arg3[%get3A_4, %get3A_5, %get3A_6] : memref<1x1x2000xf32, #tpu.memory_space<vmem>>, vector<1x1x2000xf32>
    %get3A_8 = vector.shape_cast %get3A_7 : vector<1x1x2000xf32> to vector<2000xf32>
    %add3A = arith.addf %get3A_3, %get3A_8 : vector<2000xf32>
    %add3A_9 = arith.constant 1.000000e+00 : f32
    %add3A_10 = vector.broadcast %add3A_9 : f32 to vector<2000xf32>
    %add3A_11 = arith.addf %add3A, %add3A_10 : vector<2000xf32>
    %rsqrt3A = math.rsqrt %add3A_11 : vector<2000xf32>
    %get3A_12 = arith.constant 0 : index
    %get3A_13 = arith.constant 0 : index
    %get3A_14 = arith.constant 0 : index
    %get3A_15 = vector.load %arg1[%get3A_12, %get3A_13, %get3A_14] : memref<2x2000x128xf32, #tpu.memory_space<vmem>>, vector<1x2000x128xf32>
    %get3A_16 = vector.shape_cast %get3A_15 : vector<1x2000x128xf32> to vector<2000x128xf32>
    %get3A_17 = arith.constant 1 : index
    %get3A_18 = arith.constant 0 : index
    %get3A_19 = arith.constant 0 : index
    %get3A_20 = vector.load %arg1[%get3A_17, %get3A_18, %get3A_19] : memref<2x2000x128xf32, #tpu.memory_space<vmem>>, vector<1x2000x128xf32>
    %get3A_21 = vector.shape_cast %get3A_20 : vector<1x2000x128xf32> to vector<2000x128xf32>
    %add3A_22 = arith.addf %get3A_16, %get3A_21 : vector<2000x128xf32>
    %broadcast_in_dim3A = vector.shape_cast %rsqrt3A : vector<2000xf32> to vector<2000x1xf32>
    %mul3A = vector.broadcast %broadcast_in_dim3A : vector<2000x1xf32> to vector<2000x128xf32>
    %mul3A_23 = arith.mulf %mul3A, %add3A_22 : vector<2000x128xf32>
    %get3A_24 = arith.constant 0 : index
    %get3A_25 = arith.constant 0 : index
    %get3A_26 = vector.load %arg4[%get3A_24, %get3A_25] : memref<1x128xf32, #tpu.memory_space<vmem>>, vector<1x128xf32>
    %add3A_27 = vector.broadcast %get3A_26 : vector<1x128xf32> to vector<2000x128xf32>
    %add3A_28 = arith.addf %mul3A_23, %add3A_27 : vector<2000x128xf32>
    %max3A = arith.constant 0.000000e+00 : f32
    %max3A_29 = vector.broadcast %max3A : f32 to vector<2000x128xf32>
    %max3A_30 = arith.maximumf %add3A_28, %max3A_29 : vector<2000x128xf32>
    %get3A_31 = arith.constant 0 : index
    %get3A_32 = arith.constant 0 : index
    %get3A_33 = vector.load %arg5[%get3A_31, %get3A_32] : memref<128x128xf32, #tpu.memory_space<vmem>>, vector<128x128xf32>
    %dot_general3A = arith.constant dense<0.000000e+00> : vector<2000x128xf32>
    %dot_general3A_34 = tpu.matmul %max3A_30, %get3A_33, %dot_general3A {dimension_numbers = #tpu.dot_dimension_numbers<[1], [0], [0], [1], [0, 0, 1, 1], [], []>, transpose_lhs_hint = false} : vector<2000x128xf32>, vector<128x128xf32>, vector<2000x128xf32> -> vector<2000x128xf32>
    %broadcast_in_dim3A_35 = vector.shape_cast %rsqrt3A : vector<2000xf32> to vector<2000x1xf32>
    %mul3A_36 = vector.broadcast %broadcast_in_dim3A_35 : vector<2000x1xf32> to vector<2000x128xf32>
    %mul3A_37 = arith.mulf %dot_general3A_34, %mul3A_36 : vector<2000x128xf32>
    %swap3A = arith.constant 0 : index
    %swap3A_38 = arith.constant 0 : index
    %swap3A_39 = vector.load %arg6[%swap3A, %swap3A_38] : memref<2000x128xf32, #tpu.memory_space<vmem>>, vector<2000x128xf32>
    tpu.vector_store %arg6[%swap3A, %swap3A_38], %mul3A_37 {strides = array<i32>} : memref<2000x128xf32, #tpu.memory_space<vmem>>, vector<2000x128xf32>,
    return
  }
  func.func @transform_0(%arg0: i32) -> (i32, i32, i32) {
    %c0_i32 = arith.constant 0 : i32
    %c0_i32_0 = arith.constant 0 : i32
    %c0_i32_1 = arith.constant 0 : i32
    return %c0_i32, %arg0, %c0_i32_0 : i32, i32, i32
  }
  func.func @transform_1(%arg0: i32) -> (i32, i32, i32) {
    %c0_i32 = arith.constant 0 : i32
    %c0_i32_0 = arith.constant 0 : i32
    %c0_i32_1 = arith.constant 0 : i32
    return %arg0, %c0_i32, %c0_i32_0 : i32, i32, i32
  }
  func.func @transform_2(%arg0: i32) -> (i32, i32, i32) {
    %c0_i32 = arith.constant 0 : i32
    %c0_i32_0 = arith.constant 0 : i32
    %c0_i32_1 = arith.constant 0 : i32
    return %arg0, %c0_i32, %c0_i32_0 : i32, i32, i32
  }
  func.func @transform_3(%arg0: i32) -> (i32, i32) {
    %c0_i32 = arith.constant 0 : i32
    %c0_i32_0 = arith.constant 0 : i32
    %c0_i32_1 = arith.constant 0 : i32
    return %c0_i32, %c0_i32_0 : i32, i32
  }
  func.func @transform_4(%arg0: i32) -> (i32, i32) {
    %c0_i32 = arith.constant 0 : i32
    %c0_i32_0 = arith.constant 0 : i32
    %c0_i32_1 = arith.constant 0 : i32
    return %c0_i32, %c0_i32_0 : i32, i32
  }
  func.func @transform_5(%arg0: i32) -> (i32, i32) {
    %c0_i32 = arith.constant 0 : i32
    %c0_i32_0 = arith.constant 0 : i32
    return %arg0, %c0_i32 : i32, i32
  }
}

module attributes {stable_mosaic.version = 14 : i64} {
  func.func @_final_body(%arg0: i32, %arg1: memref<2x2000x128xf32, #tpu.memory_space<vmem>>, %arg2: memref<1x1x2000xf32, #tpu.memory_space<vmem>>, %arg3: memref<1x1x2000xf32, #tpu.memory_space<vmem>>, %arg4: memref<1x128xf32, #tpu.memory_space<vmem>>, %arg5: memref<2000x128xf32, #tpu.memory_space<vmem>>) attributes {dimension_semantics = [#tpu.dimension_semantics<arbitrary>], iteration_bounds = array<i64: 5>, scalar_prefetch = 0 : i64, scratch_operands = 0 : i64, tpu.core_type = #tpu.core_type<tc>, window_params = [{transform_indices = @transform_0, window_bounds = array<i64: 2, 2000, 128>}, {transform_indices = @transform_1, window_bounds = array<i64: 1, 1, 2000>}, {transform_indices = @transform_2, window_bounds = array<i64: 1, 1, 2000>}, {pipeline_mode = #tpu.pipeline_mode<synchronous>, transform_indices = @transform_3, window_bounds = array<i64: 1, 128>}, {transform_indices = @transform_4, window_bounds = array<i64: 2000, 128>}]} {
    %get3A = arith.constant 0 : index
    %get3A_0 = arith.constant 0 : index
    %get3A_1 = arith.constant 0 : index
    %get3A_2 = vector.load %arg2[%get3A, %get3A_0, %get3A_1] : memref<1x1x2000xf32, #tpu.memory_space<vmem>>, vector<1x1x2000xf32>
    %get3A_3 = vector.shape_cast %get3A_2 : vector<1x1x2000xf32> to vector<2000xf32>
    %get3A_4 = arith.constant 0 : index
    %get3A_5 = arith.constant 0 : index
    %get3A_6 = arith.constant 0 : index
    %get3A_7 = vector.load %arg3[%get3A_4, %get3A_5, %get3A_6] : memref<1x1x2000xf32, #tpu.memory_space<vmem>>, vector<1x1x2000xf32>
    %get3A_8 = vector.shape_cast %get3A_7 : vector<1x1x2000xf32> to vector<2000xf32>
    %add3A = arith.addf %get3A_3, %get3A_8 : vector<2000xf32>
    %add3A_9 = arith.constant 1.000000e+00 : f32
    %add3A_10 = vector.broadcast %add3A_9 : f32 to vector<2000xf32>
    %add3A_11 = arith.addf %add3A, %add3A_10 : vector<2000xf32>
    %rsqrt3A = math.rsqrt %add3A_11 : vector<2000xf32>
    %get3A_12 = arith.constant 0 : index
    %get3A_13 = arith.constant 0 : index
    %get3A_14 = arith.constant 0 : index
    %get3A_15 = vector.load %arg1[%get3A_12, %get3A_13, %get3A_14] : memref<2x2000x128xf32, #tpu.memory_space<vmem>>, vector<1x2000x128xf32>
    %get3A_16 = vector.shape_cast %get3A_15 : vector<1x2000x128xf32> to vector<2000x128xf32>
    %get3A_17 = arith.constant 1 : index
    %get3A_18 = arith.constant 0 : index
    %get3A_19 = arith.constant 0 : index
    %get3A_20 = vector.load %arg1[%get3A_17, %get3A_18, %get3A_19] : memref<2x2000x128xf32, #tpu.memory_space<vmem>>, vector<1x2000x128xf32>
    %get3A_21 = vector.shape_cast %get3A_20 : vector<1x2000x128xf32> to vector<2000x128xf32>
    %add3A_22 = arith.addf %get3A_16, %get3A_21 : vector<2000x128xf32>
    %broadcast_in_dim3A = vector.shape_cast %rsqrt3A : vector<2000xf32> to vector<2000x1xf32>
    %mul3A = vector.broadcast %broadcast_in_dim3A : vector<2000x1xf32> to vector<2000x128xf32>
    %mul3A_23 = arith.mulf %mul3A, %add3A_22 : vector<2000x128xf32>
    %get3A_24 = arith.constant 0 : index
    %get3A_25 = arith.constant 0 : index
    %get3A_26 = vector.load %arg4[%get3A_24, %get3A_25] : memref<1x128xf32, #tpu.memory_space<vmem>>, vector<1x128xf32>
    %add3A_27 = vector.broadcast %get3A_26 : vector<1x128xf32> to vector<2000x128xf32>
    %add3A_28 = arith.addf %mul3A_23, %add3A_27 : vector<2000x128xf32>
    %swap3A = arith.constant 0 : index
    %swap3A_29 = arith.constant 0 : index
    %swap3A_30 = vector.load %arg5[%swap3A, %swap3A_29] : memref<2000x128xf32, #tpu.memory_space<vmem>>, vector<2000x128xf32>
    tpu.vector_store %arg5[%swap3A, %swap3A_29], %add3A_28 {strides = array<i32>} : memref<2000x128xf32, #tpu.memory_space<vmem>>, vector<2000x128xf32>,
    return
  }
  func.func @transform_0(%arg0: i32) -> (i32, i32, i32) {
    %c0_i32 = arith.constant 0 : i32
    %c0_i32_0 = arith.constant 0 : i32
    %c0_i32_1 = arith.constant 0 : i32
    return %c0_i32, %arg0, %c0_i32_0 : i32, i32, i32
  }
  func.func @transform_1(%arg0: i32) -> (i32, i32, i32) {
    %c0_i32 = arith.constant 0 : i32
    %c0_i32_0 = arith.constant 0 : i32
    %c0_i32_1 = arith.constant 0 : i32
    return %arg0, %c0_i32, %c0_i32_0 : i32, i32, i32
  }
  func.func @transform_2(%arg0: i32) -> (i32, i32, i32) {
    %c0_i32 = arith.constant 0 : i32
    %c0_i32_0 = arith.constant 0 : i32
    %c0_i32_1 = arith.constant 0 : i32
    return %arg0, %c0_i32, %c0_i32_0 : i32, i32, i32
  }
  func.func @transform_3(%arg0: i32) -> (i32, i32) {
    %c0_i32 = arith.constant 0 : i32
    %c0_i32_0 = arith.constant 0 : i32
    %c0_i32_1 = arith.constant 0 : i32
    return %c0_i32, %c0_i32_0 : i32, i32
  }
  func.func @transform_4(%arg0: i32) -> (i32, i32) {
    %c0_i32 = arith.constant 0 : i32
    %c0_i32_0 = arith.constant 0 : i32
    return %arg0, %c0_i32 : i32, i32
  }
}

</mosaic_0001>

<sc_bundles>
// kernel: kernel.12.cloned.1.call-start
scs
__scs_entry_jumppad:
0x0: {  	(pc) =	sbr.rel $0x88, $3  }
0x1: {  	(tag) =	ssettag $0x0;
	lr =	simm.s32 $0x1  }
0x2: {  	[smem:$0x3F9B] =	sst lr;
	_ =	strace $0xD0000000  }
0x3: {  	_ = 	snop  }
0x4: {  	_ = 	snop  }
0x5: {  	_ = 	snop  }
0x6: {  	_ = 	snop  }
0x7: {  	_ = 	snop  }
__scs_overlays_trampoline_lowered:
0x8: {  	[smem:$0x3FAA] =	sst s0  }
0x9: {  	[smem:$0x3FAB] =	sst s1  }
0xa: {  	[smem:$0x3FAC] =	sst s2  }
0xb: {  	[smem:$0x3FAD] =	sst s3  }
0xc: {  	[smem:$0x3FAE] =	sst s4  }
0xd: {  	[smem:$0x3FAF] =	sst s5  }
0xe: {  	[smem:$0x3FB0] =	sst s6  }
0xf: {  	[smem:$0x3FB1] =	sst s7  }
0x10: {  	[smem:$0x3FB2] =	sst s8  }
0x11: {  	[smem:$0x3FB3] =	sst s9;
	s0 =	simm.s32 @!p0 $0x0  }
0x12: {  	s1 =	sld [smem:$0x3F99];
	s0 =	simm.s32 @p0 $0x1  }
0x13: {  	[smem:$0x3FB4] =	sst s0;
	s0 =	simm.s32 @!p1 $0x0  }
0x14: {  	s2 =	sld [smem:$0x3F98];
	s0 =	simm.s32 @p1 $0x1  }
0x15: {  	[smem:$0x3FB5] =	sst s0;
	s0 =	simm.s32 @!p2 $0x0  }
0x16: {  	s3 =	sld [smem:$0x3FDB];
	s0 =	simm.s32 @p2 $0x1  }
0x17: {  	s4 =	simm.s32 $0x1BF5;
	[smem:$0x3FB7] =	sst s0  }
0x18: {  	s0 =	sld [smem:$0x3F9A];
	_ =	swait.ge [sflag:s4], $0x0  }
0x19: {  	s7 =	sld [smem:$0x3F9B]  }
0x1a: {  	s8 =	sadd.s32 $0xFFFFE003, lr  }
0x1b: {  	s9 =	sadd.s32 $0xFFFFFEF7, lr;
	s5 =	simm.s32 $0xFFFFFFFF;
	p2 =	slt.u32 s8, $0xFFFFF086  }
0x1c: {  	p1 =	slt.u32 s9, $0xF7A;
	s5 =	simm.s32 @!p2 $0x0  }
0x1d: {  	s5 =	simm.s32 @p1 $0x1;
	p0 =	seq.s32 s7, s2  }
0x1e: {  	s7 =	smul.u32 @!p0 $0xF7A, s2;
	p2 =	seq.s32 @!p0 s5, $0x0  }
0x1f: {  	s9 =	smul.u32 $0xF7A, s1;
	s8 =	simm.s32 @!p0 $0x1BF5;
	p2 =	por !p2, p0  }
0x20: {  	[sflag:s8] =	ssyncset.s32 @!p0 $0xFFFFF086;
	s6 =	sadd.s32 @!p0 s3, s7;
	s7 =	simm.s32 @!p0 $0x108  }
0x21: {  	s3 =	sadd.s32 s3, s9;
	s6 =	sadd.s32 @!p0 $0x88, s6;
	s7 =	simm.s32 @p2 $0x1082  }
0x22: {  	[simem:s7], [sflag:s8] =	dma.local @!p0 [hbm:s6], $0xF7A  }
0x23: {  	s9 =	sor.u32 $0xD0000000, s2;
	s6 =	simm.s32 $0x108;
	_ =	swait.ge @!p0 [sflag:s8], $0x0  }
0x24: {  	s3 =	sadd.s32 $0x88, s3;
	s6 =	simm.s32 @!p1 $0x1082;
	[sflag:s4] =	ssyncset.s32 $0xFFFFF086  }
0x25: {  	[simem:s6], [sflag:s4] =	dma.local [hbm:s3], $0xF7A  }
0x26: {  	[smem:$0x3F9B] =	sst s1;
	(tag) =	ssettag s2;
	_ =	strace s9  }
0x27: {  	s1 =	sld [smem:$0x3FAB]  }
0x28: {  	s2 =	sld [smem:$0x3FAC]  }
0x29: {  	s4 =	sld [smem:$0x3FAE]  }
0x2a: {  	p0 =	seq.s32 s5, $0x0;
	s5 =	sld [smem:$0x3FAF]  }
0x2b: {  	s6 =	sld [smem:$0x3FB0]  }
0x2c: {  	s7 =	sld [smem:$0x3FB1]  }
0x2d: {  	s3 =	simm.s32 $0x108;
	s8 =	sld [smem:$0x3FB2]  }
0x2e: {  	s3 =	simm.s32 @!p0 $0x1082;
	s9 =	sld [smem:$0x3FB3]  }
0x2f: {  	lr =	sadd.s32 s0, s3;
	s0 =	sld [smem:$0x3FAA]  }
0x30: {  	s3 =	sld [smem:$0x3FAD]  }
0x31: {  	[smem:$0x3FB6] =	sst s10  }
0x32: {  	s10 =	sld [smem:$0x3FB4];
	_ =	sdelay $0x3  }
0x33: {  	p0 =	seq.s32 s10, $0x1;
	s10 =	sld [smem:$0x3FB6];
	_ =	sdelay $0x3  }
0x34: {  	[smem:$0x3FB6] =	sst s10  }
0x35: {  	s10 =	sld [smem:$0x3FB5];
	_ =	sdelay $0x3  }
0x36: {  	p1 =	seq.s32 s10, $0x1;
	s10 =	sld [smem:$0x3FB6];
	_ =	sdelay $0x3  }
0x37: {  	[smem:$0x3FB6] =	sst s10  }
0x38: {  	s10 =	sld [smem:$0x3FB7]  }
0x39: {  	_ = 	snop;
	(pc) =	sbr.ind lr, $3  }
0x3a: {  	_ = 	snop  }
0x3b: {  	_ = 	snop  }
0x3c: {  	p2 =	seq.s32 s10, $0x1;
	s10 =	sld [smem:$0x3FB6]  }
0x3d: {  	_ =	shalt  }
0x3e: {  	_ =	shalt  }
0x3f: {  	_ =	shalt  }
0x40: {  	_ =	shalt  }
0x41: {  	_ =	shalt  }
0x42: {  	_ =	shalt  }
0x43: {  	_ =	shalt  }
0x44: {  	_ =	shalt  }
0x45: {  	_ =	shalt  }
0x46: {  	_ =	shalt  }
0x47: {  	_ =	shalt  }
0x48: {  	_ =	shalt  }
0x49: {  	_ =	shalt  }
0x4a: {  	_ =	shalt  }
0x4b: {  	_ =	shalt  }
0x4c: {  	_ =	shalt  }
0x4d: {  	_ =	shalt  }
0x4e: {  	_ =	shalt  }
0x4f: {  	_ =	shalt  }
0x50: {  	_ =	shalt  }
0x51: {  	_ =	shalt  }
0x52: {  	_ =	shalt  }
0x53: {  	_ =	shalt  }
0x54: {  	_ =	shalt  }
0x55: {  	_ =	shalt  }
0x56: {  	_ =	shalt  }
0x57: {  	_ =	shalt  }
0x58: {  	_ =	shalt  }
0x59: {  	_ =	shalt  }
0x5a: {  	_ =	shalt  }
0x5b: {  	_ =	shalt  }
0x5c: {  	_ =	shalt  }
0x5d: {  	_ =	shalt  }
0x5e: {  	_ =	shalt  }
0x5f: {  	_ =	shalt  }
0x60: {  	_ =	shalt  }
0x61: {  	_ =	shalt  }
0x62: {  	_ =	shalt  }
0x63: {  	_ =	shalt  }
0x64: {  	_ =	shalt  }
0x65: {  	_ =	shalt  }
0x66: {  	_ =	shalt  }
0x67: {  	_ =	shalt  }
0x68: {  	_ =	shalt  }
0x69: {  	_ =	shalt  }
0x6a: {  	_ =	shalt  }
0x6b: {  	_ =	shalt  }
0x6c: {  	_ =	shalt  }
0x6d: {  	_ =	shalt  }
0x6e: {  	_ =	shalt  }
0x6f: {  	_ =	shalt  }
0x70: {  	_ =	shalt  }
0x71: {  	_ =	shalt  }
0x72: {  	_ =	shalt  }
0x73: {  	_ =	shalt  }
0x74: {  	_ =	shalt  }
0x75: {  	_ =	shalt  }
0x76: {  	_ =	shalt  }
0x77: {  	_ =	shalt  }
0x78: {  	_ =	shalt  }
0x79: {  	_ =	shalt  }
0x7a: {  	_ =	shalt  }
0x7b: {  	_ =	shalt  }
0x7c: {  	_ =	shalt  }
0x7d: {  	_ =	shalt  }
0x7e: {  	_ =	shalt  }
0x7f: {  	_ =	shalt  }
0x80: {  	_ =	shalt  }
0x81: {  	_ =	shalt  }
0x82: {  	_ =	shalt  }
0x83: {  	_ =	shalt  }
0x84: {  	_ =	shalt  }
0x85: {  	_ =	shalt  }
0x86: {  	_ =	shalt  }
0x87: {  	_ =	shalt  }
.Lfunc_end0:
.L_simem_size_0:
called_computation.1_lowered:
.L_overlay_start_0:
0x88: {  	s2 =	sld [smem:$0x3FD9]  }
0x89: {  	s3 =	sld [smem:$0x3FFE];
	_ =	sdelay $0x1  }
0x8a: {  	s1 =	srdreg.scid  }
0x8b: {  	s0 =	sand.u32 $0x1, s1  }
0x8c: {  	s17 =	sshll.u32 s0, $0xA;
	s2 =	sadd.s32 s3, s2  }
0x8d: {  	s2 =	sadd.s32 s2, s17  }
0x8e: {  	[smem:$0x3FC2] =	sst s2  }
0x8f: {  	_ = 	snop  }
0x90: {  	s2 =	sld [smem:$0x3FD0];
	(tm) =	ssettm $0x1  }
0x91: {  	s18 =	sld [smem:$0x3FFB];
	_ =	sdelay $0x3  }
0x92: {  	_ =	strace s18  }
0x93: {  	s3 =	sld [smem:$0x3FFC];
	_ =	sdelay $0x3  }
0x94: {  	_ =	strace s3  }
0x95: {  	s3 =	sld [smem:$0x3FFD];
	_ =	sdelay $0x3  }
0x96: {  	_ =	strace s3  }
0x97: {  	_ =	strace $0x8FFFFFFF  }
0x98: {  	s19 =	sld [smem:$0x3FDB];
	_ =	sdelay $0x1  }
0x99: {  	s4 =	simm.s32 $_scs_section_size  }
0x9a: {  	s5 =	simm.s32 $_size__tile_overlayer_lowered;
	s6 =	simm.s32 $_tile_overlayer_lowered  }
0x9b: {  	s22 =	simm.s32 $0x1BFF;
	s21 =	sshll.u32 s6, $0x1;
	s3 =	sadd.s32 s4, s19  }
0x9c: {  	s7 =	simm.s32 $0x0;
	s20 =	sshll.u32 s5, $0x1;
	s5 =	sadd.s32 s21, s3  }
0x9d: {  	[timem:s7], [sflag:s22] =	dma.local [hbm:s5], s20  }
0x9e: {  	_ =	swait.ge [sflag:s22], s20  }
0x9f: {  	s4 =	ssub.s32 $0x0, s20;
	[sflag:s22] =	ssyncset.done $0x0  }
0xa0: {  	[sflag:s22] =	ssyncadd.s32 s4;
	_ =	sdelay $0x1  }
0xa1: {  	s23 =	simm.s32 $0x1B8B  }
0xa2: {  	_ =	swait.ge [sflag:s23], $0x1  }
0xa3: {  	[sflag:s23] =	ssyncset.done $0x0  }
0xa4: {  	s25 =	simm.s32 $0x1B8E;
	s24 =	sld [smem:$0x3FFE];
	[sflag:s23] =	ssyncadd.s32 $0xFFFFFFFF  }
0xa5: {  	s26 =	simm.s32 $execute0_lowered;
	[smem:$0x3FD2] =	sst s25  }
0xa6: {  	s5 =	sshll.u32 s26, $0x1;
	_ =	strace $0x80000049;
	[dreg:$0x1] =	wrdreg $0xFFFFFFFF  }
0xa7: {  	s28 =	simm.s32 $_size_execute0_lowered;
	s3 =	sadd.s32 s3, s5;
	[dreg:$0x0] =	wrdreg $0x0  }
0xa8: {  	s5 =	sshll.u32 s28, $0x1;
	[dreg:$0x2] =	wrdreg s3  }
0xa9: {  	[dreg:$0x3] =	wrdreg s5  }
0xaa: {  	[dreg:$0x4] =	wrdreg $0xC0  }
0xab: {  	_ =	task [dreg:s7], $0x5FFFF  }
0xac: {  	[dreg:$0x1] =	wrdreg $0xFFFFFFFF  }
0xad: {  	[dreg:$0x0] =	wrdreg $0x60  }
0xae: {  	[dreg:$0x2] =	wrdreg s2  }
0xaf: {  	[dreg:$0x3] =	wrdreg s24  }
0xb0: {  	[dreg:$0x4] =	wrdreg $0x82000  }
0xb1: {  	[dreg:$0x5] =	wrdreg $0x9  }
0xb2: {  	_ =	task.clear_ibuf [dreg:s7], $0x6FFFF;
	_ =	strace $0x90000049  }
0xb3: {  	s29 =	simm.s32 $0x9;
	_ =	strace $0x8000004B  }
0xb4: {  	_ =	swait.ge [sflag:s29], $0x1  }
0xb5: {  	[sflag:s29] =	ssyncadd.s32 $0xFFFFFFFF  }
0xb6: {  	_ =	strace $0x9000004B  }
0xb7: {  	_ =	sfence  }
0xb8: {  	s30 =	sld [smem:$0x0];
	_ =	sdelay $0x2  }
0xb9: {  	s31 =	sshll.u32 s1, $0xD;
	s1 =	sshrl.u32 s1, $0x2  }
0xba: {  	s3 =	sand.u32 $0x4000, s31;
	s1 =	sadd.s32 s1, s30  }
0xbb: {  	s0 =	sor.u32 s3, s0;
	s1 =	sshll.u32 s1, $0x11  }
0xbc: {  	s0 =	sor.u32 s1, s0  }
0xbd: {  	s0 =	sadd.s32 $0x8F2B, s0  }
0xbe: {  	[sflag:s0] =	ssyncadd.remote.s32 $0x1  }
0xbf: {  	_ =	sfence.sel $0xFFFF  }
0xc0: {  	[dreg:$0x0] =	wrdreg $0xFFFFFFFF;
	(pc) =	sbr.abs _section_cstart, $3  }
0xc1: {  	[dreg:$0x1] =	wrdreg $0xFFFFFFFF  }
0xc2: {  	_ =	task.clear_ibuf [dreg:s7], $0x2FFFF;
	_ =	strace $0x9FFFFFFF  }
0xc3: {  	(tm) =	ssettm $0x7FFFFFFF  }
tec
execute0_lowered:
.L_overlay_start_1:
0x0: {  	(tag) =	ssettag $0x1  }
0x1: {  	s1 =	rddreg [dreg:$0x0]  }
0x2: {  	s0 =	rddreg [dreg:$0x1]  }
0x3: {  	s3 =	rddreg [dreg:$0x2]  }
0x4: {  	s4 =	simm.s32 $0x0;
	s2 =	stileid.u32;
	s5 =	srdreg.scid  }
0x5: {  	s28 =	simm.s32 $0x1;
	s29 =	simm.s32 $0x4200;
	s30 =	simm.s32 $0x3  }
0x6: {  	s31 =	simm.s32 $0x180;
	[smem:$0x7FF] =	sst s4;
	s6 =	smul.u32 $0x2700, s2  }
0x7: {  	s7 =	sadd.s32 $0xB800, s0;
	s21 =	sadd.s32 $0x1800, s0;
	s22 =	sand.u32 $0x1, s5  }
0x8: {  	s9 =	smul.u32 $0x4E000, s2;
	s15 =	sadd.s32 $0x3CA00, s0;
	s11 =	sshll.u32 s2, $0x1  }
0x9: {  	s16 =	smul.u32 $0x13800, s2;
	p0 =	seq.s32 s2, $0xF;
	_ =	strace $0x8000004A  }
0xa: {  	s5 =	ssub.s32 $0x2, s22;
	s18 =	sor.u32 s22, s11;
	s20 =	smul.u32 $0x138800, s22  }
0xb: {  	s24 =	smul.u32 $0x2800, s22;
	p2 =	sne.s32 @p0 s22, $0x0;
	p4 =	sne.s32 @!p0 s22, $0x0  }
0xc: {  	s22 =	simm.s32 $0x4;
	s8 =	sadd.s32 s6, s0;
	s10 =	sshrl.u32 s5, $0x1  }
0xd: {  	s9 =	sshrl.u32 s9, $0x2;
	s19 =	smul.u32 $0x2800, s18;
	s6 =	sadd.s32 s1, s6  }
0xe: {  	s0 =	sadd.s32 $0x3A100, s0;
	s18 =	smul.u32 $0x5000, s2;
	p1 =	por !p2, !p0  }
0xf: {  	p2 =	por p2, !p0;
	p3 =	por !p4, p0;
	p4 =	por p4, p0  }
0x10: {  	s17 =	ssub.s32 s5, s10;
	s5 =	sadd.s32 s9, s3;
	[dreg:$0x5] =	wrdreg s6  }
0x11: {  	s8 =	sadd.s32 $0x15800, s8;
	[dreg:$0x6] =	wrdreg s0;
	s10 =	sadd.s32 $0x24900, s1  }
0x12: {  	s16 =	sadd.s32 s16, s20;
	s6 =	sshrl.u32 s20, $0x3;
	[dreg:$0x4] =	wrdreg s8  }
0x13: {  	s8 =	sadd.s32 $0x124800, s3;
	s23 =	sshrl.u32 s19, $0x3;
	s16 =	sshrl.u32 s16, $0x3  }
0x14: {  	s6 =	sadd.s32 s15, s6;
	s0 =	sadd.s32 s24, s18;
	s17 =	smax.u32 s17, $0x1  }
0x15: {  	s24 =	simm.s32 $0x200;
	s11 =	sadd.s32 s7, s23;
	s13 =	sadd.s32 s21, s23  }
0x16: {  	s15 =	sadd.s32 s15, s16;
	s16 =	sadd.s32 $0x24900, s6;
	s25 =	sor.u32 $0x180, s0  }
0x17: {  	s19 =	sor.u32 $0x100, s0;
	s0 =	sor.u32 $0x80, s0;
	s23 =	simm.s32 $0x80  }
0x18: {  	s12 =	sadd.s32 $0x10, s11;
	s14 =	sadd.s32 $0x4F0, s13;
	s6 =	sshrl.u32 s25, $0x3  }
0x19: {  	s26 =	sshrl.u32 s19, $0x3;
	s0 =	sshrl.u32 s0, $0x3;
	s25 =	simm.s32 $0x100  }
0x1a: {  	s18 =	sadd.s32 s6, s7;
	s19 =	sadd.s32 s26, s21;
	s20 =	sadd.s32 s26, s7  }
0x1b: {  	s21 =	sadd.s32 s0, s21;
	s26 =	simm.s32 $0x2;
	s0 =	simm.s32 $0x0  }
.LBB2_1:
0x1c: {  	s6 =	sshrl.u32 @!p1 s8, $0x3;
	s7 =	simm.s32 @!p1 $0x1FC4;
	s9 =	rddreg [dreg:$0x6]  }
0x1d: {  	[spmem:s6], [sflag:s7] =	dma.local @!p1 [hbm:s9], $0x2800  }
0x1e: {  	s6 =	simm.s32 @!p1 $0x4  }
0x1f: {  	_ =	swait.ge @!p1 [sflag:s6], $0x2800  }
0x20: {  	[sflag:s6] =	ssyncset.done @!p1 $0x0  }
0x21: {  	s7 =	simm.s32 @!p2 $0x1FC4;
	[sflag:s6] =	ssyncadd.s32 @!p1 $0xFFFFD800;
	s6 =	sshrl.u32 @!p2 s8, $0x3  }
0x22: {  	[spmem:s6], [sflag:s7] =	dma.local @!p2 [hbm:s10], $0x2800  }
0x23: {  	s6 =	simm.s32 @!p2 $0x4  }
0x24: {  	_ =	swait.ge @!p2 [sflag:s6], $0x2800  }
0x25: {  	s7 =	sshll.u32 @!p3 s2, $0x6;
	[sflag:s6] =	ssyncset.done @!p2 $0x0;
	s9 =	rddreg [dreg:$0x4]  }
0x26: {  	[sflag:s6] =	ssyncadd.s32 @!p2 $0xFFFFD800;
	s6 =	sor.u32 @!p3 $0x1C04, s7;
	s7 =	sshrl.u32 @!p3 s5, $0x3  }
0x27: {  	[spmem:s7], [sflag:s6] =	dma.local @!p3 [hbm:s9], $0x2700  }
0x28: {  	s6 =	simm.s32 @!p3 $0x4  }
0x29: {  	_ =	swait.ge @!p3 [sflag:s6], $0x2700  }
0x2a: {  	s7 =	sshll.u32 @!p4 s2, $0x6;
	[sflag:s6] =	ssyncset.done @!p3 $0x0;
	s9 =	rddreg [dreg:$0x5]  }
0x2b: {  	[sflag:s6] =	ssyncadd.s32 @!p3 $0xFFFFD900;
	s6 =	sor.u32 @!p4 $0x1C04, s7;
	s7 =	sshrl.u32 @!p4 s5, $0x3  }
0x2c: {  	[spmem:s7], [sflag:s6] =	dma.local @!p4 [hbm:s9], $0x2700  }
0x2d: {  	s6 =	simm.s32 @!p4 $0x4  }
0x2e: {  	_ =	swait.ge @!p4 [sflag:s6], $0x2700  }
0x2f: {  	[sflag:s6] =	ssyncset.done @!p4 $0x0  }
0x30: {  	[sflag:s6] =	ssyncadd.s32 @!p4 $0xFFFFD900  }
0x31: {  	[bflag:$0x0] =	sbarrier.arrive $0xFFFF  }
0x32: {  	[tilespmem:s4], [sflag:$0x4] =	stream.linear.gather [hbm4b:s11+s4], $0x80, $0x38;
	[tilespmem:$0x1BAC0] =	vst v63  }
0x33: {  	_ =	swait.ge [sflag:s22], $0x80  }
0x34: {  	[sflag:s22] =	ssyncset.done $0x0  }
0x35: {  	[sflag:s22] =	ssyncadd.s32 $0xFFFFFF80  }
0x36: {  	[tilespmem:s24], [sflag:$0x1] =	stream.indirect.gather [hbm4b:s1+s23], $0x80, s4, s23, $0xb8;
	[tilespmem:$0x1BAC0] =	vst v63  }
0x37: {  	_ = 	snop  }
0x38: {  	[tilespmem:s23], [sflag:$0x2] =	stream.linear.gather [hbm4b:s12+s4], $0x80, $0x38;
	[tilespmem:$0x1BAC0] =	vst v63  }
0x39: {  	_ = 	snop  }
0x3a: {  	[tilespmem:s25], [sflag:$0x3] =	stream.linear.gather [hbm4b:s13+s4], $0x80, $0x38;
	[tilespmem:$0x1BAC0] =	vst v63  }
0x3b: {  	_ =	swait.ge [sflag:s26], $0x80  }
0x3c: {  	[sflag:s26] =	ssyncset.done $0x0  }
0x3d: {  	[sflag:s26] =	ssyncadd.s32 $0xFFFFFF80  }
0x3e: {  	_ =	swait.ge [sflag:s28], $0x4000  }
0x3f: {  	[sflag:s28] =	ssyncset.done $0x0  }
0x40: {  	[sflag:s28] =	ssyncadd.s32 $0xFFFFC000  }
0x41: {  	[tilespmem:s29], [sflag:$0x1] =	stream.indirect.gather [hbm4b:s1+s23], $0x80, s23, s23, $0xb8;
	[tilespmem:$0x1BAC0] =	vst v63  }
0x42: {  	_ =	swait.ge [sflag:s30], $0x80  }
0x43: {  	[sflag:s30] =	ssyncset.done $0x0  }
0x44: {  	s7 =	sadd.s32 $0x0, s20;
	[sflag:s30] =	ssyncadd.s32 $0xFFFFFF80  }
0x45: {  	[tilespmem:s4], [sflag:$0x2] =	stream.linear.gather [hbm4b:s7+s4], $0x80, $0x38;
	[tilespmem:$0x1BAC0] =	vst v63  }
0x46: {  	s9 =	sadd.s32 $0x0, s21  }
0x47: {  	[tilespmem:s31], [sflag:$0x3] =	stream.linear.gather [hbm4b:s9+s4], $0x80, $0x38;
	[tilespmem:$0x1BAC0] =	vst v63  }
0x48: {  	_ = 	snop  }
0x49: {  	[spmem:s3] =	stream.indirect.scatter.add.f32 [tilespmem:s24], [sflag:$0x4], $0x80, s25, s23, $0xb8;
	[tilespmem:$0x1BAC0] =	vst v63  }
0x4a: {  	_ =	swait.ge [sflag:s22], $0x4000  }
0x4b: {  	[sflag:s22] =	ssyncset.done $0x0  }
0x4c: {  	[sflag:s22] =	ssyncadd.s32 $0xFFFFC000  }
0x4d: {  	_ =	swait.ge [sflag:s26], $0x80  }
0x4e: {  	[sflag:s26] =	ssyncset.done $0x0  }
0x4f: {  	[sflag:s26] =	ssyncadd.s32 $0xFFFFFF80  }
0x50: {  	_ =	swait.ge [sflag:s28], $0x4000  }
0x51: {  	[sflag:s28] =	ssyncset.done $0x0  }
0x52: {  	[sflag:s28] =	ssyncadd.s32 $0xFFFFC000  }
0x53: {  	[tilespmem:s24], [sflag:$0x1] =	stream.indirect.gather [hbm4b:s1+s23], $0x80, s4, s23, $0xb8;
	[tilespmem:$0x1BAC0] =	vst v63  }
0x54: {  	_ =	swait.ge [sflag:s30], $0x80  }
0x55: {  	[sflag:s30] =	ssyncset.done $0x0  }
0x56: {  	s7 =	sadd.s32 $0x0, s18;
	[sflag:s30] =	ssyncadd.s32 $0xFFFFFF80  }
0x57: {  	[tilespmem:s23], [sflag:$0x2] =	stream.linear.gather [hbm4b:s7+s4], $0x80, $0x38;
	[tilespmem:$0x1BAC0] =	vst v63  }
0x58: {  	s9 =	sadd.s32 $0x0, s19  }
0x59: {  	[tilespmem:s25], [sflag:$0x3] =	stream.linear.gather [hbm4b:s9+s4], $0x80, $0x38;
	[tilespmem:$0x1BAC0] =	vst v63  }
0x5a: {  	_ = 	snop  }
0x5b: {  	[spmem:s3] =	stream.indirect.scatter.add.f32 [tilespmem:s29], [sflag:$0x4], $0x80, s31, s23, $0xb8;
	[tilespmem:$0x1BAC0] =	vst v63  }
0x5c: {  	_ =	swait.ge [sflag:s22], $0x4000  }
0x5d: {  	s6 =	simm.s32 $0x20;
	[sflag:s22] =	ssyncset.done $0x0  }
.LBB2_2:
0x5e: {  	p5 =	sne.s32 s6, $0x4C0  }
0x5f: {  	[sflag:s22] =	ssyncadd.s32 $0xFFFFC000;
	s7 =	smov.u32 s6;
	s6 =	sadd.s32 $0x20, s6  }
0x60: {  	_ = 	snop  }
0x61: {  	_ =	swait.ge [sflag:s26], $0x80  }
0x62: {  	[sflag:s26] =	ssyncset.done $0x0  }
0x63: {  	[sflag:s26] =	ssyncadd.s32 $0xFFFFFF80  }
0x64: {  	_ =	swait.ge [sflag:s28], $0x4000  }
0x65: {  	[sflag:s28] =	ssyncset.done $0x0  }
0x66: {  	[sflag:s28] =	ssyncadd.s32 $0xFFFFC000  }
0x67: {  	[tilespmem:s29], [sflag:$0x1] =	stream.indirect.gather [hbm4b:s1+s23], $0x80, s23, s23, $0xb8;
	[tilespmem:$0x1BAC0] =	vst v63  }
0x68: {  	_ =	swait.ge [sflag:s30], $0x80  }
0x69: {  	[sflag:s30] =	ssyncset.done $0x0  }
0x6a: {  	s9 =	sadd.s32 s7, s20;
	[sflag:s30] =	ssyncadd.s32 $0xFFFFFF80  }
0x6b: {  	[tilespmem:s4], [sflag:$0x2] =	stream.linear.gather [hbm4b:s9+s4], $0x80, $0x38;
	[tilespmem:$0x1BAC0] =	vst v63  }
0x6c: {  	s9 =	sadd.s32 s7, s21  }
0x6d: {  	[tilespmem:s31], [sflag:$0x3] =	stream.linear.gather [hbm4b:s9+s4], $0x80, $0x38;
	[tilespmem:$0x1BAC0] =	vst v63  }
0x6e: {  	_ = 	snop  }
0x6f: {  	[spmem:s3] =	stream.indirect.scatter.add.f32 [tilespmem:s24], [sflag:$0x4], $0x80, s25, s23, $0xb8;
	[tilespmem:$0x1BAC0] =	vst v63  }
0x70: {  	_ =	swait.ge [sflag:s22], $0x4000  }
0x71: {  	[sflag:s22] =	ssyncset.done $0x0  }
0x72: {  	[sflag:s22] =	ssyncadd.s32 $0xFFFFC000  }
0x73: {  	_ =	swait.ge [sflag:s26], $0x80  }
0x74: {  	[sflag:s26] =	ssyncset.done $0x0  }
0x75: {  	[sflag:s26] =	ssyncadd.s32 $0xFFFFFF80  }
0x76: {  	_ =	swait.ge [sflag:s28], $0x4000  }
0x77: {  	[sflag:s28] =	ssyncset.done $0x0  }
0x78: {  	[sflag:s28] =	ssyncadd.s32 $0xFFFFC000  }
0x79: {  	[tilespmem:s24], [sflag:$0x1] =	stream.indirect.gather [hbm4b:s1+s23], $0x80, s4, s23, $0xb8;
	[tilespmem:$0x1BAC0] =	vst v63  }
0x7a: {  	_ =	swait.ge [sflag:s30], $0x80  }
0x7b: {  	[sflag:s30] =	ssyncset.done $0x0  }
0x7c: {  	s9 =	sadd.s32 s7, s18;
	[sflag:s30] =	ssyncadd.s32 $0xFFFFFF80  }
0x7d: {  	[tilespmem:s23], [sflag:$0x2] =	stream.linear.gather [hbm4b:s9+s4], $0x80, $0x38;
	[tilespmem:$0x1BAC0] =	vst v63  }
0x7e: {  	s7 =	sadd.s32 s7, s19  }
0x7f: {  	[tilespmem:s25], [sflag:$0x3] =	stream.linear.gather [hbm4b:s7+s4], $0x80, $0x38;
	[tilespmem:$0x1BAC0] =	vst v63  }
.Ltmp0:
0x80: {  	_ = 	snop;
	(pc) =	sbr.rel @p5 .LBB2_2-.Ltmp0, $4  }
0x81: {  	_ = 	snop  }
0x82: {  	[spmem:s3] =	stream.indirect.scatter.add.f32 [tilespmem:s29], [sflag:$0x4], $0x80, s31, s23, $0xb8;
	[tilespmem:$0x1BAC0] =	vst v63  }
0x83: {  	_ =	swait.ge [sflag:s22], $0x4000  }
0x84: {  	[sflag:s22] =	ssyncset.done $0x0  }
0x85: {  	[sflag:s22] =	ssyncadd.s32 $0xFFFFC000  }
0x86: {  	_ =	swait.ge [sflag:s26], $0x80  }
0x87: {  	[sflag:s26] =	ssyncset.done $0x0  }
0x88: {  	[sflag:s26] =	ssyncadd.s32 $0xFFFFFF80  }
0x89: {  	_ =	swait.ge [sflag:s28], $0x4000  }
0x8a: {  	[sflag:s28] =	ssyncset.done $0x0  }
0x8b: {  	[sflag:s28] =	ssyncadd.s32 $0xFFFFC000  }
0x8c: {  	[tilespmem:s29], [sflag:$0x1] =	stream.indirect.gather [hbm4b:s1+s23], $0x80, s23, s23, $0xb8;
	[tilespmem:$0x1BAC0] =	vst v63  }
0x8d: {  	_ =	swait.ge [sflag:s30], $0x80  }
0x8e: {  	[sflag:s30] =	ssyncset.done $0x0  }
0x8f: {  	[sflag:s30] =	ssyncadd.s32 $0xFFFFFF80  }
0x90: {  	[tilespmem:s31], [sflag:$0x3] =	stream.linear.gather [hbm4b:s14+s4], $0x80, $0x38;
	[tilespmem:$0x1BAC0] =	vst v63  }
0x91: {  	_ = 	snop  }
0x92: {  	[spmem:s3] =	stream.indirect.scatter.add.f32 [tilespmem:s24], [sflag:$0x4], $0x80, s25, s23, $0xb8;
	[tilespmem:$0x1BAC0] =	vst v63  }
0x93: {  	_ =	swait.ge [sflag:s22], $0x4000  }
0x94: {  	[sflag:s22] =	ssyncset.done $0x0  }
0x95: {  	[sflag:s22] =	ssyncadd.s32 $0xFFFFC000  }
0x96: {  	_ =	swait.ge [sflag:s28], $0x4000  }
0x97: {  	[sflag:s28] =	ssyncset.done $0x0  }
0x98: {  	[sflag:s28] =	ssyncadd.s32 $0xFFFFC000  }
0x99: {  	_ =	swait.ge [sflag:s30], $0x80  }
0x9a: {  	[sflag:s30] =	ssyncset.done $0x0  }
0x9b: {  	[sflag:s30] =	ssyncadd.s32 $0xFFFFFF80  }
0x9c: {  	[spmem:s3] =	stream.indirect.scatter.add.f32 [tilespmem:s29], [sflag:$0x4], $0x80, s31, s23, $0xb8;
	[tilespmem:$0x1BAC0] =	vst v63  }
0x9d: {  	_ =	swait.ge [sflag:s22], $0x4000  }
0x9e: {  	[sflag:s22] =	ssyncset.done $0x0  }
0x9f: {  	[sflag:s22] =	ssyncadd.s32 $0xFFFFC000  }
0xa0: {  	s6 =	sshrl.u32 @p0 s8, $0x3;
	s7 =	simm.s32 @p0 $0x1FC4;
	[bflag:$0x0] =	sbarrier.arrive $0xFFFF  }
0xa1: {  	[hbm:s16], [sflag:s7] =	dma.local @p0 [spmem:s6], $0x2800  }
0xa2: {  	s6 =	simm.s32 @p0 $0x4  }
0xa3: {  	s0 =	sadd.s32 $0x1, s0;
	_ =	swait.ge @p0 [sflag:s6], $0x2800  }
0xa4: {  	p5 =	sne.s32 s0, s17;
	s7 =	sshll.u32 @!p0 s2, $0x6;
	[sflag:s6] =	ssyncset.done @p0 $0x0  }
0xa5: {  	[sflag:s6] =	ssyncadd.s32 @p0 $0xFFFFD800;
	s6 =	sor.u32 @!p0 $0x1C04, s7;
	s7 =	sshrl.u32 @!p0 s5, $0x3  }
0xa6: {  	[hbm:s15], [sflag:s6] =	dma.local @!p0 [spmem:s7], $0x2700  }
.Ltmp1:
0xa7: {  	_ = 	snop;
	(pc) =	sbr.rel @p5 .LBB2_1-.Ltmp1, $4  }
0xa8: {  	s6 =	simm.s32 @!p0 $0x4  }
0xa9: {  	_ =	swait.ge @!p0 [sflag:s6], $0x2700  }
0xaa: {  	[sflag:s6] =	ssyncset.done @!p0 $0x0  }
0xab: {  	[sflag:s6] =	ssyncadd.s32 @!p0 $0xFFFFD900  }
0xac: {  	_ =	sfence.sel $0x180000  }
0xad: {  	[bflag:$0x0] =	sbarrier.arrive $0xFFFF  }
0xae: {  	_ =	strace $0x9000004A  }
0xaf: {  	[bflag:$0x2] =	sbarrier.arrive $0xFFFF  }
0xb0: {  	p0 =	sne.s32 s2, $0x0;
	s0 =	rddreg [dreg:$0x3]  }
0xb1: {  	s0 =	sadd.s32 @!p0 $0x100000, s0  }
0xb2: {  	[sflag:s0] =	ssyncadd.tile.s32 @!p0 $0x1;
	_ =	shalt  }
.Lfunc_end2:
_tile_overlayer_lowered:
.L_overlay_start_2:
0xb3: {  	(tag) =	ssettag $0x2  }
0xb4: {  	s0 =	rddreg [dreg:$0x0];
	s2 =	stileid.u32  }
0xb5: {  	s1 =	rddreg [dreg:$0x1];
	p0 =	sne.s32 s2, $0x0  }
0xb6: {  	s3 =	rddreg [dreg:$0x2];
	[bflag:$0x3] =	sbarrier.arrive $0xFFFF;
	s2 =	simm.s32 @!p0 $0x1C04  }
0xb7: {  	[timem:s3], [sflag:s2] =	dma.local @!p0 [hbm:s0], s1  }
0xb8: {  	s0 =	simm.s32 @!p0 $0x4  }
0xb9: {  	_ =	swait.ge @!p0 [sflag:s0], s1  }
0xba: {  	s1 =	ssub.s32 @!p0 $0x0, s1;
	[sflag:s0] =	ssyncset.done @!p0 $0x0  }
0xbb: {  	[sflag:s0] =	ssyncadd.s32 @!p0 s1  }
0xbc: {  	[bflag:$0x3] =	sbarrier.arrive $0xFFFF  }
0xbd: {  	_ =	shalt  }

// kernel: kernel.15.cloned.1.call-start
scs
__scs_entry_jumppad:
0x0: {  	(pc) =	sbr.rel $0x88, $3  }
0x1: {  	(tag) =	ssettag $0x0;
	lr =	simm.s32 $0x1  }
0x2: {  	[smem:$0x3F9B] =	sst lr;
	_ =	strace $0xD0000000  }
0x3: {  	_ = 	snop  }
0x4: {  	_ = 	snop  }
0x5: {  	_ = 	snop  }
0x6: {  	_ = 	snop  }
0x7: {  	_ = 	snop  }
__scs_overlays_trampoline_lowered:
0x8: {  	[smem:$0x3FAA] =	sst s0  }
0x9: {  	[smem:$0x3FAB] =	sst s1  }
0xa: {  	[smem:$0x3FAC] =	sst s2  }
0xb: {  	[smem:$0x3FAD] =	sst s3  }
0xc: {  	[smem:$0x3FAE] =	sst s4  }
0xd: {  	[smem:$0x3FAF] =	sst s5  }
0xe: {  	[smem:$0x3FB0] =	sst s6  }
0xf: {  	[smem:$0x3FB1] =	sst s7  }
0x10: {  	[smem:$0x3FB2] =	sst s8  }
0x11: {  	[smem:$0x3FB3] =	sst s9;
	s0 =	simm.s32 @!p0 $0x0  }
0x12: {  	s1 =	sld [smem:$0x3F99];
	s0 =	simm.s32 @p0 $0x1  }
0x13: {  	[smem:$0x3FB4] =	sst s0;
	s0 =	simm.s32 @!p1 $0x0  }
0x14: {  	s2 =	sld [smem:$0x3F98];
	s0 =	simm.s32 @p1 $0x1  }
0x15: {  	[smem:$0x3FB5] =	sst s0;
	s0 =	simm.s32 @!p2 $0x0  }
0x16: {  	s3 =	sld [smem:$0x3FDB];
	s0 =	simm.s32 @p2 $0x1  }
0x17: {  	s4 =	simm.s32 $0x1BF5;
	[smem:$0x3FB7] =	sst s0  }
0x18: {  	s0 =	sld [smem:$0x3F9A];
	_ =	swait.ge [sflag:s4], $0x0  }
0x19: {  	s7 =	sld [smem:$0x3F9B]  }
0x1a: {  	s8 =	sadd.s32 $0xFFFFE003, lr  }
0x1b: {  	s9 =	sadd.s32 $0xFFFFFEF7, lr;
	s5 =	simm.s32 $0xFFFFFFFF;
	p2 =	slt.u32 s8, $0xFFFFF086  }
0x1c: {  	p1 =	slt.u32 s9, $0xF7A;
	s5 =	simm.s32 @!p2 $0x0  }
0x1d: {  	s5 =	simm.s32 @p1 $0x1;
	p0 =	seq.s32 s7, s2  }
0x1e: {  	s7 =	smul.u32 @!p0 $0xF7A, s2;
	p2 =	seq.s32 @!p0 s5, $0x0  }
0x1f: {  	s9 =	smul.u32 $0xF7A, s1;
	s8 =	simm.s32 @!p0 $0x1BF5;
	p2 =	por !p2, p0  }
0x20: {  	[sflag:s8] =	ssyncset.s32 @!p0 $0xFFFFF086;
	s6 =	sadd.s32 @!p0 s3, s7;
	s7 =	simm.s32 @!p0 $0x108  }
0x21: {  	s3 =	sadd.s32 s3, s9;
	s6 =	sadd.s32 @!p0 $0x88, s6;
	s7 =	simm.s32 @p2 $0x1082  }
0x22: {  	[simem:s7], [sflag:s8] =	dma.local @!p0 [hbm:s6], $0xF7A  }
0x23: {  	s9 =	sor.u32 $0xD0000000, s2;
	s6 =	simm.s32 $0x108;
	_ =	swait.ge @!p0 [sflag:s8], $0x0  }
0x24: {  	s3 =	sadd.s32 $0x88, s3;
	s6 =	simm.s32 @!p1 $0x1082;
	[sflag:s4] =	ssyncset.s32 $0xFFFFF086  }
0x25: {  	[simem:s6], [sflag:s4] =	dma.local [hbm:s3], $0xF7A  }
0x26: {  	[smem:$0x3F9B] =	sst s1;
	(tag) =	ssettag s2;
	_ =	strace s9  }
0x27: {  	s1 =	sld [smem:$0x3FAB]  }
0x28: {  	s2 =	sld [smem:$0x3FAC]  }
0x29: {  	s4 =	sld [smem:$0x3FAE]  }
0x2a: {  	p0 =	seq.s32 s5, $0x0;
	s5 =	sld [smem:$0x3FAF]  }
0x2b: {  	s6 =	sld [smem:$0x3FB0]  }
0x2c: {  	s7 =	sld [smem:$0x3FB1]  }
0x2d: {  	s3 =	simm.s32 $0x108;
	s8 =	sld [smem:$0x3FB2]  }
0x2e: {  	s3 =	simm.s32 @!p0 $0x1082;
	s9 =	sld [smem:$0x3FB3]  }
0x2f: {  	lr =	sadd.s32 s0, s3;
	s0 =	sld [smem:$0x3FAA]  }
0x30: {  	s3 =	sld [smem:$0x3FAD]  }
0x31: {  	[smem:$0x3FB6] =	sst s10  }
0x32: {  	s10 =	sld [smem:$0x3FB4];
	_ =	sdelay $0x3  }
0x33: {  	p0 =	seq.s32 s10, $0x1;
	s10 =	sld [smem:$0x3FB6];
	_ =	sdelay $0x3  }
0x34: {  	[smem:$0x3FB6] =	sst s10  }
0x35: {  	s10 =	sld [smem:$0x3FB5];
	_ =	sdelay $0x3  }
0x36: {  	p1 =	seq.s32 s10, $0x1;
	s10 =	sld [smem:$0x3FB6];
	_ =	sdelay $0x3  }
0x37: {  	[smem:$0x3FB6] =	sst s10  }
0x38: {  	s10 =	sld [smem:$0x3FB7]  }
0x39: {  	_ = 	snop;
	(pc) =	sbr.ind lr, $3  }
0x3a: {  	_ = 	snop  }
0x3b: {  	_ = 	snop  }
0x3c: {  	p2 =	seq.s32 s10, $0x1;
	s10 =	sld [smem:$0x3FB6]  }
0x3d: {  	_ =	shalt  }
0x3e: {  	_ =	shalt  }
0x3f: {  	_ =	shalt  }
0x40: {  	_ =	shalt  }
0x41: {  	_ =	shalt  }
0x42: {  	_ =	shalt  }
0x43: {  	_ =	shalt  }
0x44: {  	_ =	shalt  }
0x45: {  	_ =	shalt  }
0x46: {  	_ =	shalt  }
0x47: {  	_ =	shalt  }
0x48: {  	_ =	shalt  }
0x49: {  	_ =	shalt  }
0x4a: {  	_ =	shalt  }
0x4b: {  	_ =	shalt  }
0x4c: {  	_ =	shalt  }
0x4d: {  	_ =	shalt  }
0x4e: {  	_ =	shalt  }
0x4f: {  	_ =	shalt  }
0x50: {  	_ =	shalt  }
0x51: {  	_ =	shalt  }
0x52: {  	_ =	shalt  }
0x53: {  	_ =	shalt  }
0x54: {  	_ =	shalt  }
0x55: {  	_ =	shalt  }
0x56: {  	_ =	shalt  }
0x57: {  	_ =	shalt  }
0x58: {  	_ =	shalt  }
0x59: {  	_ =	shalt  }
0x5a: {  	_ =	shalt  }
0x5b: {  	_ =	shalt  }
0x5c: {  	_ =	shalt  }
0x5d: {  	_ =	shalt  }
0x5e: {  	_ =	shalt  }
0x5f: {  	_ =	shalt  }
0x60: {  	_ =	shalt  }
0x61: {  	_ =	shalt  }
0x62: {  	_ =	shalt  }
0x63: {  	_ =	shalt  }
0x64: {  	_ =	shalt  }
0x65: {  	_ =	shalt  }
0x66: {  	_ =	shalt  }
0x67: {  	_ =	shalt  }
0x68: {  	_ =	shalt  }
0x69: {  	_ =	shalt  }
0x6a: {  	_ =	shalt  }
0x6b: {  	_ =	shalt  }
0x6c: {  	_ =	shalt  }
0x6d: {  	_ =	shalt  }
0x6e: {  	_ =	shalt  }
0x6f: {  	_ =	shalt  }
0x70: {  	_ =	shalt  }
0x71: {  	_ =	shalt  }
0x72: {  	_ =	shalt  }
0x73: {  	_ =	shalt  }
0x74: {  	_ =	shalt  }
0x75: {  	_ =	shalt  }
0x76: {  	_ =	shalt  }
0x77: {  	_ =	shalt  }
0x78: {  	_ =	shalt  }
0x79: {  	_ =	shalt  }
0x7a: {  	_ =	shalt  }
0x7b: {  	_ =	shalt  }
0x7c: {  	_ =	shalt  }
0x7d: {  	_ =	shalt  }
0x7e: {  	_ =	shalt  }
0x7f: {  	_ =	shalt  }
0x80: {  	_ =	shalt  }
0x81: {  	_ =	shalt  }
0x82: {  	_ =	shalt  }
0x83: {  	_ =	shalt  }
0x84: {  	_ =	shalt  }
0x85: {  	_ =	shalt  }
0x86: {  	_ =	shalt  }
0x87: {  	_ =	shalt  }
.Lfunc_end0:
.L_simem_size_0:
called_computation.2_lowered:
.L_overlay_start_0:
0x88: {  	s2 =	sld [smem:$0x3FD9]  }
0x89: {  	s3 =	sld [smem:$0x3FFE];
	_ =	sdelay $0x1  }
0x8a: {  	s1 =	srdreg.scid  }
0x8b: {  	s0 =	sand.u32 $0x1, s1  }
0x8c: {  	s17 =	sshll.u32 s0, $0xA;
	s2 =	sadd.s32 s3, s2  }
0x8d: {  	s2 =	sadd.s32 s2, s17  }
0x8e: {  	[smem:$0x3FC2] =	sst s2  }
0x8f: {  	_ = 	snop  }
0x90: {  	s2 =	sld [smem:$0x3FD0];
	(tm) =	ssettm $0x1  }
0x91: {  	s18 =	sld [smem:$0x3FFB];
	_ =	sdelay $0x3  }
0x92: {  	_ =	strace s18  }
0x93: {  	s3 =	sld [smem:$0x3FFC];
	_ =	sdelay $0x3  }
0x94: {  	_ =	strace s3  }
0x95: {  	s3 =	sld [smem:$0x3FFD];
	_ =	sdelay $0x3  }
0x96: {  	_ =	strace s3  }
0x97: {  	_ =	strace $0x8FFFFFFF  }
0x98: {  	s19 =	sld [smem:$0x3FDB];
	_ =	sdelay $0x1  }
0x99: {  	s4 =	simm.s32 $_scs_section_size  }
0x9a: {  	s5 =	simm.s32 $_size__tile_overlayer_lowered;
	s6 =	simm.s32 $_tile_overlayer_lowered  }
0x9b: {  	s22 =	simm.s32 $0x1BFF;
	s21 =	sshll.u32 s6, $0x1;
	s3 =	sadd.s32 s4, s19  }
0x9c: {  	s7 =	simm.s32 $0x0;
	s20 =	sshll.u32 s5, $0x1;
	s5 =	sadd.s32 s21, s3  }
0x9d: {  	[timem:s7], [sflag:s22] =	dma.local [hbm:s5], s20  }
0x9e: {  	_ =	swait.ge [sflag:s22], s20  }
0x9f: {  	s4 =	ssub.s32 $0x0, s20;
	[sflag:s22] =	ssyncset.done $0x0  }
0xa0: {  	[sflag:s22] =	ssyncadd.s32 s4;
	_ =	sdelay $0x1  }
0xa1: {  	s23 =	simm.s32 $0x1B8B  }
0xa2: {  	_ =	swait.ge [sflag:s23], $0x1  }
0xa3: {  	[sflag:s23] =	ssyncset.done $0x0  }
0xa4: {  	s25 =	simm.s32 $0x1B8E;
	s24 =	sld [smem:$0x3FFE];
	[sflag:s23] =	ssyncadd.s32 $0xFFFFFFFF  }
0xa5: {  	s26 =	simm.s32 $execute0_lowered;
	[smem:$0x3FD2] =	sst s25  }
0xa6: {  	s5 =	sshll.u32 s26, $0x1;
	_ =	strace $0x8000004C;
	[dreg:$0x1] =	wrdreg $0xFFFFFFFF  }
0xa7: {  	s28 =	simm.s32 $_size_execute0_lowered;
	s3 =	sadd.s32 s3, s5;
	[dreg:$0x0] =	wrdreg $0x0  }
0xa8: {  	s5 =	sshll.u32 s28, $0x1;
	[dreg:$0x2] =	wrdreg s3  }
0xa9: {  	[dreg:$0x3] =	wrdreg s5  }
0xaa: {  	[dreg:$0x4] =	wrdreg $0xC0  }
0xab: {  	_ =	task [dreg:s7], $0x5FFFF  }
0xac: {  	[dreg:$0x1] =	wrdreg $0xFFFFFFFF  }
0xad: {  	[dreg:$0x0] =	wrdreg $0x60  }
0xae: {  	[dreg:$0x2] =	wrdreg s2  }
0xaf: {  	[dreg:$0x3] =	wrdreg s24  }
0xb0: {  	[dreg:$0x4] =	wrdreg $0x82000  }
0xb1: {  	[dreg:$0x5] =	wrdreg $0x9  }
0xb2: {  	_ =	task.clear_ibuf [dreg:s7], $0x6FFFF;
	_ =	strace $0x9000004C  }
0xb3: {  	s29 =	simm.s32 $0x9;
	_ =	strace $0x8000004E  }
0xb4: {  	_ =	swait.ge [sflag:s29], $0x1  }
0xb5: {  	[sflag:s29] =	ssyncadd.s32 $0xFFFFFFFF  }
0xb6: {  	_ =	strace $0x9000004E  }
0xb7: {  	_ =	sfence  }
0xb8: {  	s30 =	sld [smem:$0x0];
	_ =	sdelay $0x2  }
0xb9: {  	s31 =	sshll.u32 s1, $0xD;
	s1 =	sshrl.u32 s1, $0x2  }
0xba: {  	s3 =	sand.u32 $0x4000, s31;
	s1 =	sadd.s32 s1, s30  }
0xbb: {  	s0 =	sor.u32 s3, s0;
	s1 =	sshll.u32 s1, $0x11  }
0xbc: {  	s0 =	sor.u32 s1, s0  }
0xbd: {  	s0 =	sadd.s32 $0x8F2B, s0  }
0xbe: {  	[sflag:s0] =	ssyncadd.remote.s32 $0x1  }
0xbf: {  	_ =	sfence.sel $0xFFFF  }
0xc0: {  	[dreg:$0x0] =	wrdreg $0xFFFFFFFF;
	(pc) =	sbr.abs _section_cstart, $3  }
0xc1: {  	[dreg:$0x1] =	wrdreg $0xFFFFFFFF  }
0xc2: {  	_ =	task.clear_ibuf [dreg:s7], $0x2FFFF;
	_ =	strace $0x9FFFFFFF  }
0xc3: {  	(tm) =	ssettm $0x7FFFFFFF  }
tec
execute0_lowered:
.L_overlay_start_1:
0x0: {  	(tag) =	ssettag $0x1  }
0x1: {  	s1 =	rddreg [dreg:$0x0]  }
0x2: {  	s0 =	rddreg [dreg:$0x1]  }
0x3: {  	s3 =	rddreg [dreg:$0x2]  }
0x4: {  	s4 =	simm.s32 $0x0;
	s2 =	stileid.u32;
	s5 =	srdreg.scid  }
0x5: {  	s28 =	simm.s32 $0x1;
	s29 =	simm.s32 $0x4200;
	s30 =	simm.s32 $0x3  }
0x6: {  	s31 =	simm.s32 $0x180;
	[smem:$0x7FF] =	sst s4;
	s6 =	smul.u32 $0x2700, s2  }
0x7: {  	s7 =	sadd.s32 $0xB800, s0;
	s21 =	sadd.s32 $0x1800, s0;
	s22 =	sand.u32 $0x1, s5  }
0x8: {  	s9 =	smul.u32 $0x4E000, s2;
	s15 =	sadd.s32 $0x3CA00, s0;
	s11 =	sshll.u32 s2, $0x1  }
0x9: {  	s16 =	smul.u32 $0x13800, s2;
	p0 =	seq.s32 s2, $0xF;
	_ =	strace $0x8000004D  }
0xa: {  	s5 =	ssub.s32 $0x2, s22;
	s18 =	sor.u32 s22, s11;
	s20 =	smul.u32 $0x138800, s22  }
0xb: {  	s24 =	smul.u32 $0x2800, s22;
	p2 =	sne.s32 @p0 s22, $0x0;
	p4 =	sne.s32 @!p0 s22, $0x0  }
0xc: {  	s22 =	simm.s32 $0x4;
	s8 =	sadd.s32 s6, s0;
	s10 =	sshrl.u32 s5, $0x1  }
0xd: {  	s9 =	sshrl.u32 s9, $0x2;
	s19 =	smul.u32 $0x2800, s18;
	s6 =	sadd.s32 s1, s6  }
0xe: {  	s0 =	sadd.s32 $0x3A100, s0;
	s18 =	smul.u32 $0x5000, s2;
	p1 =	por !p2, !p0  }
0xf: {  	p2 =	por p2, !p0;
	p3 =	por !p4, p0;
	p4 =	por p4, p0  }
0x10: {  	s17 =	ssub.s32 s5, s10;
	s5 =	sadd.s32 s9, s3;
	[dreg:$0x5] =	wrdreg s6  }
0x11: {  	s8 =	sadd.s32 $0x15800, s8;
	[dreg:$0x6] =	wrdreg s0;
	s10 =	sadd.s32 $0x24900, s1  }
0x12: {  	s16 =	sadd.s32 s16, s20;
	s6 =	sshrl.u32 s20, $0x3;
	[dreg:$0x4] =	wrdreg s8  }
0x13: {  	s8 =	sadd.s32 $0x124800, s3;
	s23 =	sshrl.u32 s19, $0x3;
	s16 =	sshrl.u32 s16, $0x3  }
0x14: {  	s6 =	sadd.s32 s15, s6;
	s0 =	sadd.s32 s24, s18;
	s17 =	smax.u32 s17, $0x1  }
0x15: {  	s24 =	simm.s32 $0x200;
	s11 =	sadd.s32 s7, s23;
	s13 =	sadd.s32 s21, s23  }
0x16: {  	s15 =	sadd.s32 s15, s16;
	s16 =	sadd.s32 $0x24900, s6;
	s25 =	sor.u32 $0x180, s0  }
0x17: {  	s19 =	sor.u32 $0x100, s0;
	s0 =	sor.u32 $0x80, s0;
	s23 =	simm.s32 $0x80  }
0x18: {  	s12 =	sadd.s32 $0x10, s11;
	s14 =	sadd.s32 $0x4F0, s13;
	s6 =	sshrl.u32 s25, $0x3  }
0x19: {  	s26 =	sshrl.u32 s19, $0x3;
	s0 =	sshrl.u32 s0, $0x3;
	s25 =	simm.s32 $0x100  }
0x1a: {  	s18 =	sadd.s32 s6, s7;
	s19 =	sadd.s32 s26, s21;
	s20 =	sadd.s32 s26, s7  }
0x1b: {  	s21 =	sadd.s32 s0, s21;
	s26 =	simm.s32 $0x2;
	s0 =	simm.s32 $0x0  }
.LBB2_1:
0x1c: {  	s6 =	sshrl.u32 @!p1 s8, $0x3;
	s7 =	simm.s32 @!p1 $0x1FC4;
	s9 =	rddreg [dreg:$0x6]  }
0x1d: {  	[spmem:s6], [sflag:s7] =	dma.local @!p1 [hbm:s9], $0x2800  }
0x1e: {  	s6 =	simm.s32 @!p1 $0x4  }
0x1f: {  	_ =	swait.ge @!p1 [sflag:s6], $0x2800  }
0x20: {  	[sflag:s6] =	ssyncset.done @!p1 $0x0  }
0x21: {  	s7 =	simm.s32 @!p2 $0x1FC4;
	[sflag:s6] =	ssyncadd.s32 @!p1 $0xFFFFD800;
	s6 =	sshrl.u32 @!p2 s8, $0x3  }
0x22: {  	[spmem:s6], [sflag:s7] =	dma.local @!p2 [hbm:s10], $0x2800  }
0x23: {  	s6 =	simm.s32 @!p2 $0x4  }
0x24: {  	_ =	swait.ge @!p2 [sflag:s6], $0x2800  }
0x25: {  	s7 =	sshll.u32 @!p3 s2, $0x6;
	[sflag:s6] =	ssyncset.done @!p2 $0x0;
	s9 =	rddreg [dreg:$0x4]  }
0x26: {  	[sflag:s6] =	ssyncadd.s32 @!p2 $0xFFFFD800;
	s6 =	sor.u32 @!p3 $0x1C04, s7;
	s7 =	sshrl.u32 @!p3 s5, $0x3  }
0x27: {  	[spmem:s7], [sflag:s6] =	dma.local @!p3 [hbm:s9], $0x2700  }
0x28: {  	s6 =	simm.s32 @!p3 $0x4  }
0x29: {  	_ =	swait.ge @!p3 [sflag:s6], $0x2700  }
0x2a: {  	s7 =	sshll.u32 @!p4 s2, $0x6;
	[sflag:s6] =	ssyncset.done @!p3 $0x0;
	s9 =	rddreg [dreg:$0x5]  }
0x2b: {  	[sflag:s6] =	ssyncadd.s32 @!p3 $0xFFFFD900;
	s6 =	sor.u32 @!p4 $0x1C04, s7;
	s7 =	sshrl.u32 @!p4 s5, $0x3  }
0x2c: {  	[spmem:s7], [sflag:s6] =	dma.local @!p4 [hbm:s9], $0x2700  }
0x2d: {  	s6 =	simm.s32 @!p4 $0x4  }
0x2e: {  	_ =	swait.ge @!p4 [sflag:s6], $0x2700  }
0x2f: {  	[sflag:s6] =	ssyncset.done @!p4 $0x0  }
0x30: {  	[sflag:s6] =	ssyncadd.s32 @!p4 $0xFFFFD900  }
0x31: {  	[bflag:$0x0] =	sbarrier.arrive $0xFFFF  }
0x32: {  	[tilespmem:s4], [sflag:$0x4] =	stream.linear.gather [hbm4b:s11+s4], $0x80, $0x38;
	[tilespmem:$0x1BAC0] =	vst v63  }
0x33: {  	_ =	swait.ge [sflag:s22], $0x80  }
0x34: {  	[sflag:s22] =	ssyncset.done $0x0  }
0x35: {  	[sflag:s22] =	ssyncadd.s32 $0xFFFFFF80  }
0x36: {  	[tilespmem:s24], [sflag:$0x1] =	stream.indirect.gather [hbm4b:s1+s23], $0x80, s4, s23, $0xb8;
	[tilespmem:$0x1BAC0] =	vst v63  }
0x37: {  	_ = 	snop  }
0x38: {  	[tilespmem:s23], [sflag:$0x2] =	stream.linear.gather [hbm4b:s12+s4], $0x80, $0x38;
	[tilespmem:$0x1BAC0] =	vst v63  }
0x39: {  	_ = 	snop  }
0x3a: {  	[tilespmem:s25], [sflag:$0x3] =	stream.linear.gather [hbm4b:s13+s4], $0x80, $0x38;
	[tilespmem:$0x1BAC0] =	vst v63  }
0x3b: {  	_ =	swait.ge [sflag:s26], $0x80  }
0x3c: {  	[sflag:s26] =	ssyncset.done $0x0  }
0x3d: {  	[sflag:s26] =	ssyncadd.s32 $0xFFFFFF80  }
0x3e: {  	_ =	swait.ge [sflag:s28], $0x4000  }
0x3f: {  	[sflag:s28] =	ssyncset.done $0x0  }
0x40: {  	[sflag:s28] =	ssyncadd.s32 $0xFFFFC000  }
0x41: {  	[tilespmem:s29], [sflag:$0x1] =	stream.indirect.gather [hbm4b:s1+s23], $0x80, s23, s23, $0xb8;
	[tilespmem:$0x1BAC0] =	vst v63  }
0x42: {  	_ =	swait.ge [sflag:s30], $0x80  }
0x43: {  	[sflag:s30] =	ssyncset.done $0x0  }
0x44: {  	s7 =	sadd.s32 $0x0, s20;
	[sflag:s30] =	ssyncadd.s32 $0xFFFFFF80  }
0x45: {  	[tilespmem:s4], [sflag:$0x2] =	stream.linear.gather [hbm4b:s7+s4], $0x80, $0x38;
	[tilespmem:$0x1BAC0] =	vst v63  }
0x46: {  	s9 =	sadd.s32 $0x0, s21  }
0x47: {  	[tilespmem:s31], [sflag:$0x3] =	stream.linear.gather [hbm4b:s9+s4], $0x80, $0x38;
	[tilespmem:$0x1BAC0] =	vst v63  }
0x48: {  	_ = 	snop  }
0x49: {  	[spmem:s3] =	stream.indirect.scatter.add.f32 [tilespmem:s24], [sflag:$0x4], $0x80, s25, s23, $0xb8;
	[tilespmem:$0x1BAC0] =	vst v63  }
0x4a: {  	_ =	swait.ge [sflag:s22], $0x4000  }
0x4b: {  	[sflag:s22] =	ssyncset.done $0x0  }
0x4c: {  	[sflag:s22] =	ssyncadd.s32 $0xFFFFC000  }
0x4d: {  	_ =	swait.ge [sflag:s26], $0x80  }
0x4e: {  	[sflag:s26] =	ssyncset.done $0x0  }
0x4f: {  	[sflag:s26] =	ssyncadd.s32 $0xFFFFFF80  }
0x50: {  	_ =	swait.ge [sflag:s28], $0x4000  }
0x51: {  	[sflag:s28] =	ssyncset.done $0x0  }
0x52: {  	[sflag:s28] =	ssyncadd.s32 $0xFFFFC000  }
0x53: {  	[tilespmem:s24], [sflag:$0x1] =	stream.indirect.gather [hbm4b:s1+s23], $0x80, s4, s23, $0xb8;
	[tilespmem:$0x1BAC0] =	vst v63  }
0x54: {  	_ =	swait.ge [sflag:s30], $0x80  }
0x55: {  	[sflag:s30] =	ssyncset.done $0x0  }
0x56: {  	s7 =	sadd.s32 $0x0, s18;
	[sflag:s30] =	ssyncadd.s32 $0xFFFFFF80  }
0x57: {  	[tilespmem:s23], [sflag:$0x2] =	stream.linear.gather [hbm4b:s7+s4], $0x80, $0x38;
	[tilespmem:$0x1BAC0] =	vst v63  }
0x58: {  	s9 =	sadd.s32 $0x0, s19  }
0x59: {  	[tilespmem:s25], [sflag:$0x3] =	stream.linear.gather [hbm4b:s9+s4], $0x80, $0x38;
	[tilespmem:$0x1BAC0] =	vst v63  }
0x5a: {  	_ = 	snop  }
0x5b: {  	[spmem:s3] =	stream.indirect.scatter.add.f32 [tilespmem:s29], [sflag:$0x4], $0x80, s31, s23, $0xb8;
	[tilespmem:$0x1BAC0] =	vst v63  }
0x5c: {  	_ =	swait.ge [sflag:s22], $0x4000  }
0x5d: {  	s6 =	simm.s32 $0x20;
	[sflag:s22] =	ssyncset.done $0x0  }
.LBB2_2:
0x5e: {  	p5 =	sne.s32 s6, $0x4C0  }
0x5f: {  	[sflag:s22] =	ssyncadd.s32 $0xFFFFC000;
	s7 =	smov.u32 s6;
	s6 =	sadd.s32 $0x20, s6  }
0x60: {  	_ = 	snop  }
0x61: {  	_ =	swait.ge [sflag:s26], $0x80  }
0x62: {  	[sflag:s26] =	ssyncset.done $0x0  }
0x63: {  	[sflag:s26] =	ssyncadd.s32 $0xFFFFFF80  }
0x64: {  	_ =	swait.ge [sflag:s28], $0x4000  }
0x65: {  	[sflag:s28] =	ssyncset.done $0x0  }
0x66: {  	[sflag:s28] =	ssyncadd.s32 $0xFFFFC000  }
0x67: {  	[tilespmem:s29], [sflag:$0x1] =	stream.indirect.gather [hbm4b:s1+s23], $0x80, s23, s23, $0xb8;
	[tilespmem:$0x1BAC0] =	vst v63  }
0x68: {  	_ =	swait.ge [sflag:s30], $0x80  }
0x69: {  	[sflag:s30] =	ssyncset.done $0x0  }
0x6a: {  	s9 =	sadd.s32 s7, s20;
	[sflag:s30] =	ssyncadd.s32 $0xFFFFFF80  }
0x6b: {  	[tilespmem:s4], [sflag:$0x2] =	stream.linear.gather [hbm4b:s9+s4], $0x80, $0x38;
	[tilespmem:$0x1BAC0] =	vst v63  }
0x6c: {  	s9 =	sadd.s32 s7, s21  }
0x6d: {  	[tilespmem:s31], [sflag:$0x3] =	stream.linear.gather [hbm4b:s9+s4], $0x80, $0x38;
	[tilespmem:$0x1BAC0] =	vst v63  }
0x6e: {  	_ = 	snop  }
0x6f: {  	[spmem:s3] =	stream.indirect.scatter.add.f32 [tilespmem:s24], [sflag:$0x4], $0x80, s25, s23, $0xb8;
	[tilespmem:$0x1BAC0] =	vst v63  }
0x70: {  	_ =	swait.ge [sflag:s22], $0x4000  }
0x71: {  	[sflag:s22] =	ssyncset.done $0x0  }
0x72: {  	[sflag:s22] =	ssyncadd.s32 $0xFFFFC000  }
0x73: {  	_ =	swait.ge [sflag:s26], $0x80  }
0x74: {  	[sflag:s26] =	ssyncset.done $0x0  }
0x75: {  	[sflag:s26] =	ssyncadd.s32 $0xFFFFFF80  }
0x76: {  	_ =	swait.ge [sflag:s28], $0x4000  }
0x77: {  	[sflag:s28] =	ssyncset.done $0x0  }
0x78: {  	[sflag:s28] =	ssyncadd.s32 $0xFFFFC000  }
0x79: {  	[tilespmem:s24], [sflag:$0x1] =	stream.indirect.gather [hbm4b:s1+s23], $0x80, s4, s23, $0xb8;
	[tilespmem:$0x1BAC0] =	vst v63  }
0x7a: {  	_ =	swait.ge [sflag:s30], $0x80  }
0x7b: {  	[sflag:s30] =	ssyncset.done $0x0  }
0x7c: {  	s9 =	sadd.s32 s7, s18;
	[sflag:s30] =	ssyncadd.s32 $0xFFFFFF80  }
0x7d: {  	[tilespmem:s23], [sflag:$0x2] =	stream.linear.gather [hbm4b:s9+s4], $0x80, $0x38;
	[tilespmem:$0x1BAC0] =	vst v63  }
0x7e: {  	s7 =	sadd.s32 s7, s19  }
0x7f: {  	[tilespmem:s25], [sflag:$0x3] =	stream.linear.gather [hbm4b:s7+s4], $0x80, $0x38;
	[tilespmem:$0x1BAC0] =	vst v63  }
.Ltmp0:
0x80: {  	_ = 	snop;
	(pc) =	sbr.rel @p5 .LBB2_2-.Ltmp0, $4  }
0x81: {  	_ = 	snop  }
0x82: {  	[spmem:s3] =	stream.indirect.scatter.add.f32 [tilespmem:s29], [sflag:$0x4], $0x80, s31, s23, $0xb8;
	[tilespmem:$0x1BAC0] =	vst v63  }
0x83: {  	_ =	swait.ge [sflag:s22], $0x4000  }
0x84: {  	[sflag:s22] =	ssyncset.done $0x0  }
0x85: {  	[sflag:s22] =	ssyncadd.s32 $0xFFFFC000  }
0x86: {  	_ =	swait.ge [sflag:s26], $0x80  }
0x87: {  	[sflag:s26] =	ssyncset.done $0x0  }
0x88: {  	[sflag:s26] =	ssyncadd.s32 $0xFFFFFF80  }
0x89: {  	_ =	swait.ge [sflag:s28], $0x4000  }
0x8a: {  	[sflag:s28] =	ssyncset.done $0x0  }
0x8b: {  	[sflag:s28] =	ssyncadd.s32 $0xFFFFC000  }
0x8c: {  	[tilespmem:s29], [sflag:$0x1] =	stream.indirect.gather [hbm4b:s1+s23], $0x80, s23, s23, $0xb8;
	[tilespmem:$0x1BAC0] =	vst v63  }
0x8d: {  	_ =	swait.ge [sflag:s30], $0x80  }
0x8e: {  	[sflag:s30] =	ssyncset.done $0x0  }
0x8f: {  	[sflag:s30] =	ssyncadd.s32 $0xFFFFFF80  }
0x90: {  	[tilespmem:s31], [sflag:$0x3] =	stream.linear.gather [hbm4b:s14+s4], $0x80, $0x38;
	[tilespmem:$0x1BAC0] =	vst v63  }
0x91: {  	_ = 	snop  }
0x92: {  	[spmem:s3] =	stream.indirect.scatter.add.f32 [tilespmem:s24], [sflag:$0x4], $0x80, s25, s23, $0xb8;
	[tilespmem:$0x1BAC0] =	vst v63  }
0x93: {  	_ =	swait.ge [sflag:s22], $0x4000  }
0x94: {  	[sflag:s22] =	ssyncset.done $0x0  }
0x95: {  	[sflag:s22] =	ssyncadd.s32 $0xFFFFC000  }
0x96: {  	_ =	swait.ge [sflag:s28], $0x4000  }
0x97: {  	[sflag:s28] =	ssyncset.done $0x0  }
0x98: {  	[sflag:s28] =	ssyncadd.s32 $0xFFFFC000  }
0x99: {  	_ =	swait.ge [sflag:s30], $0x80  }
0x9a: {  	[sflag:s30] =	ssyncset.done $0x0  }
0x9b: {  	[sflag:s30] =	ssyncadd.s32 $0xFFFFFF80  }
0x9c: {  	[spmem:s3] =	stream.indirect.scatter.add.f32 [tilespmem:s29], [sflag:$0x4], $0x80, s31, s23, $0xb8;
	[tilespmem:$0x1BAC0] =	vst v63  }
0x9d: {  	_ =	swait.ge [sflag:s22], $0x4000  }
0x9e: {  	[sflag:s22] =	ssyncset.done $0x0  }
0x9f: {  	[sflag:s22] =	ssyncadd.s32 $0xFFFFC000  }
0xa0: {  	s6 =	sshrl.u32 @p0 s8, $0x3;
	s7 =	simm.s32 @p0 $0x1FC4;
	[bflag:$0x0] =	sbarrier.arrive $0xFFFF  }
0xa1: {  	[hbm:s16], [sflag:s7] =	dma.local @p0 [spmem:s6], $0x2800  }
0xa2: {  	s6 =	simm.s32 @p0 $0x4  }
0xa3: {  	s0 =	sadd.s32 $0x1, s0;
	_ =	swait.ge @p0 [sflag:s6], $0x2800  }
0xa4: {  	p5 =	sne.s32 s0, s17;
	s7 =	sshll.u32 @!p0 s2, $0x6;
	[sflag:s6] =	ssyncset.done @p0 $0x0  }
0xa5: {  	[sflag:s6] =	ssyncadd.s32 @p0 $0xFFFFD800;
	s6 =	sor.u32 @!p0 $0x1C04, s7;
	s7 =	sshrl.u32 @!p0 s5, $0x3  }
0xa6: {  	[hbm:s15], [sflag:s6] =	dma.local @!p0 [spmem:s7], $0x2700  }
.Ltmp1:
0xa7: {  	_ = 	snop;
	(pc) =	sbr.rel @p5 .LBB2_1-.Ltmp1, $4  }
0xa8: {  	s6 =	simm.s32 @!p0 $0x4  }
0xa9: {  	_ =	swait.ge @!p0 [sflag:s6], $0x2700  }
0xaa: {  	[sflag:s6] =	ssyncset.done @!p0 $0x0  }
0xab: {  	[sflag:s6] =	ssyncadd.s32 @!p0 $0xFFFFD900  }
0xac: {  	_ =	sfence.sel $0x180000  }
0xad: {  	[bflag:$0x0] =	sbarrier.arrive $0xFFFF  }
0xae: {  	_ =	strace $0x9000004D  }
0xaf: {  	[bflag:$0x2] =	sbarrier.arrive $0xFFFF  }
0xb0: {  	p0 =	sne.s32 s2, $0x0;
	s0 =	rddreg [dreg:$0x3]  }
0xb1: {  	s0 =	sadd.s32 @!p0 $0x100000, s0  }
0xb2: {  	[sflag:s0] =	ssyncadd.tile.s32 @!p0 $0x1;
	_ =	shalt  }
.Lfunc_end2:
_tile_overlayer_lowered:
.L_overlay_start_2:
0xb3: {  	(tag) =	ssettag $0x2  }
0xb4: {  	s0 =	rddreg [dreg:$0x0];
	s2 =	stileid.u32  }
0xb5: {  	s1 =	rddreg [dreg:$0x1];
	p0 =	sne.s32 s2, $0x0  }
0xb6: {  	s3 =	rddreg [dreg:$0x2];
	[bflag:$0x3] =	sbarrier.arrive $0xFFFF;
	s2 =	simm.s32 @!p0 $0x1C04  }
0xb7: {  	[timem:s3], [sflag:s2] =	dma.local @!p0 [hbm:s0], s1  }
0xb8: {  	s0 =	simm.s32 @!p0 $0x4  }
0xb9: {  	_ =	swait.ge @!p0 [sflag:s0], s1  }
0xba: {  	s1 =	ssub.s32 @!p0 $0x0, s1;
	[sflag:s0] =	ssyncset.done @!p0 $0x0  }
0xbb: {  	[sflag:s0] =	ssyncadd.s32 @!p0 s1  }
0xbc: {  	[bflag:$0x3] =	sbarrier.arrive $0xFFFF  }
0xbd: {  	_ =	shalt  }

// kernel: kernel.9.cloned.1.call-start
scs
__scs_entry_jumppad:
0x0: {  	(pc) =	sbr.rel $0x88, $3  }
0x1: {  	(tag) =	ssettag $0x0;
	lr =	simm.s32 $0x1  }
0x2: {  	[smem:$0x3F9B] =	sst lr;
	_ =	strace $0xD0000000  }
0x3: {  	_ = 	snop  }
0x4: {  	_ = 	snop  }
0x5: {  	_ = 	snop  }
0x6: {  	_ = 	snop  }
0x7: {  	_ = 	snop  }
__scs_overlays_trampoline_lowered:
0x8: {  	[smem:$0x3FAA] =	sst s0  }
0x9: {  	[smem:$0x3FAB] =	sst s1  }
0xa: {  	[smem:$0x3FAC] =	sst s2  }
0xb: {  	[smem:$0x3FAD] =	sst s3  }
0xc: {  	[smem:$0x3FAE] =	sst s4  }
0xd: {  	[smem:$0x3FAF] =	sst s5  }
0xe: {  	[smem:$0x3FB0] =	sst s6  }
0xf: {  	[smem:$0x3FB1] =	sst s7  }
0x10: {  	[smem:$0x3FB2] =	sst s8  }
0x11: {  	[smem:$0x3FB3] =	sst s9;
	s0 =	simm.s32 @!p0 $0x0  }
0x12: {  	s1 =	sld [smem:$0x3F99];
	s0 =	simm.s32 @p0 $0x1  }
0x13: {  	[smem:$0x3FB4] =	sst s0;
	s0 =	simm.s32 @!p1 $0x0  }
0x14: {  	s2 =	sld [smem:$0x3F98];
	s0 =	simm.s32 @p1 $0x1  }
0x15: {  	[smem:$0x3FB5] =	sst s0;
	s0 =	simm.s32 @!p2 $0x0  }
0x16: {  	s3 =	sld [smem:$0x3FDB];
	s0 =	simm.s32 @p2 $0x1  }
0x17: {  	s4 =	simm.s32 $0x1BF5;
	[smem:$0x3FB7] =	sst s0  }
0x18: {  	s0 =	sld [smem:$0x3F9A];
	_ =	swait.ge [sflag:s4], $0x0  }
0x19: {  	s7 =	sld [smem:$0x3F9B]  }
0x1a: {  	s8 =	sadd.s32 $0xFFFFE003, lr  }
0x1b: {  	s9 =	sadd.s32 $0xFFFFFEF7, lr;
	s5 =	simm.s32 $0xFFFFFFFF;
	p2 =	slt.u32 s8, $0xFFFFF086  }
0x1c: {  	p1 =	slt.u32 s9, $0xF7A;
	s5 =	simm.s32 @!p2 $0x0  }
0x1d: {  	s5 =	simm.s32 @p1 $0x1;
	p0 =	seq.s32 s7, s2  }
0x1e: {  	s7 =	smul.u32 @!p0 $0xF7A, s2;
	p2 =	seq.s32 @!p0 s5, $0x0  }
0x1f: {  	s9 =	smul.u32 $0xF7A, s1;
	s8 =	simm.s32 @!p0 $0x1BF5;
	p2 =	por !p2, p0  }
0x20: {  	[sflag:s8] =	ssyncset.s32 @!p0 $0xFFFFF086;
	s6 =	sadd.s32 @!p0 s3, s7;
	s7 =	simm.s32 @!p0 $0x108  }
0x21: {  	s3 =	sadd.s32 s3, s9;
	s6 =	sadd.s32 @!p0 $0x88, s6;
	s7 =	simm.s32 @p2 $0x1082  }
0x22: {  	[simem:s7], [sflag:s8] =	dma.local @!p0 [hbm:s6], $0xF7A  }
0x23: {  	s9 =	sor.u32 $0xD0000000, s2;
	s6 =	simm.s32 $0x108;
	_ =	swait.ge @!p0 [sflag:s8], $0x0  }
0x24: {  	s3 =	sadd.s32 $0x88, s3;
	s6 =	simm.s32 @!p1 $0x1082;
	[sflag:s4] =	ssyncset.s32 $0xFFFFF086  }
0x25: {  	[simem:s6], [sflag:s4] =	dma.local [hbm:s3], $0xF7A  }
0x26: {  	[smem:$0x3F9B] =	sst s1;
	(tag) =	ssettag s2;
	_ =	strace s9  }
0x27: {  	s1 =	sld [smem:$0x3FAB]  }
0x28: {  	s2 =	sld [smem:$0x3FAC]  }
0x29: {  	s4 =	sld [smem:$0x3FAE]  }
0x2a: {  	p0 =	seq.s32 s5, $0x0;
	s5 =	sld [smem:$0x3FAF]  }
0x2b: {  	s6 =	sld [smem:$0x3FB0]  }
0x2c: {  	s7 =	sld [smem:$0x3FB1]  }
0x2d: {  	s3 =	simm.s32 $0x108;
	s8 =	sld [smem:$0x3FB2]  }
0x2e: {  	s3 =	simm.s32 @!p0 $0x1082;
	s9 =	sld [smem:$0x3FB3]  }
0x2f: {  	lr =	sadd.s32 s0, s3;
	s0 =	sld [smem:$0x3FAA]  }
0x30: {  	s3 =	sld [smem:$0x3FAD]  }
0x31: {  	[smem:$0x3FB6] =	sst s10  }
0x32: {  	s10 =	sld [smem:$0x3FB4];
	_ =	sdelay $0x3  }
0x33: {  	p0 =	seq.s32 s10, $0x1;
	s10 =	sld [smem:$0x3FB6];
	_ =	sdelay $0x3  }
0x34: {  	[smem:$0x3FB6] =	sst s10  }
0x35: {  	s10 =	sld [smem:$0x3FB5];
	_ =	sdelay $0x3  }
0x36: {  	p1 =	seq.s32 s10, $0x1;
	s10 =	sld [smem:$0x3FB6];
	_ =	sdelay $0x3  }
0x37: {  	[smem:$0x3FB6] =	sst s10  }
0x38: {  	s10 =	sld [smem:$0x3FB7]  }
0x39: {  	_ = 	snop;
	(pc) =	sbr.ind lr, $3  }
0x3a: {  	_ = 	snop  }
0x3b: {  	_ = 	snop  }
0x3c: {  	p2 =	seq.s32 s10, $0x1;
	s10 =	sld [smem:$0x3FB6]  }
0x3d: {  	_ =	shalt  }
0x3e: {  	_ =	shalt  }
0x3f: {  	_ =	shalt  }
0x40: {  	_ =	shalt  }
0x41: {  	_ =	shalt  }
0x42: {  	_ =	shalt  }
0x43: {  	_ =	shalt  }
0x44: {  	_ =	shalt  }
0x45: {  	_ =	shalt  }
0x46: {  	_ =	shalt  }
0x47: {  	_ =	shalt  }
0x48: {  	_ =	shalt  }
0x49: {  	_ =	shalt  }
0x4a: {  	_ =	shalt  }
0x4b: {  	_ =	shalt  }
0x4c: {  	_ =	shalt  }
0x4d: {  	_ =	shalt  }
0x4e: {  	_ =	shalt  }
0x4f: {  	_ =	shalt  }
0x50: {  	_ =	shalt  }
0x51: {  	_ =	shalt  }
0x52: {  	_ =	shalt  }
0x53: {  	_ =	shalt  }
0x54: {  	_ =	shalt  }
0x55: {  	_ =	shalt  }
0x56: {  	_ =	shalt  }
0x57: {  	_ =	shalt  }
0x58: {  	_ =	shalt  }
0x59: {  	_ =	shalt  }
0x5a: {  	_ =	shalt  }
0x5b: {  	_ =	shalt  }
0x5c: {  	_ =	shalt  }
0x5d: {  	_ =	shalt  }
0x5e: {  	_ =	shalt  }
0x5f: {  	_ =	shalt  }
0x60: {  	_ =	shalt  }
0x61: {  	_ =	shalt  }
0x62: {  	_ =	shalt  }
0x63: {  	_ =	shalt  }
0x64: {  	_ =	shalt  }
0x65: {  	_ =	shalt  }
0x66: {  	_ =	shalt  }
0x67: {  	_ =	shalt  }
0x68: {  	_ =	shalt  }
0x69: {  	_ =	shalt  }
0x6a: {  	_ =	shalt  }
0x6b: {  	_ =	shalt  }
0x6c: {  	_ =	shalt  }
0x6d: {  	_ =	shalt  }
0x6e: {  	_ =	shalt  }
0x6f: {  	_ =	shalt  }
0x70: {  	_ =	shalt  }
0x71: {  	_ =	shalt  }
0x72: {  	_ =	shalt  }
0x73: {  	_ =	shalt  }
0x74: {  	_ =	shalt  }
0x75: {  	_ =	shalt  }
0x76: {  	_ =	shalt  }
0x77: {  	_ =	shalt  }
0x78: {  	_ =	shalt  }
0x79: {  	_ =	shalt  }
0x7a: {  	_ =	shalt  }
0x7b: {  	_ =	shalt  }
0x7c: {  	_ =	shalt  }
0x7d: {  	_ =	shalt  }
0x7e: {  	_ =	shalt  }
0x7f: {  	_ =	shalt  }
0x80: {  	_ =	shalt  }
0x81: {  	_ =	shalt  }
0x82: {  	_ =	shalt  }
0x83: {  	_ =	shalt  }
0x84: {  	_ =	shalt  }
0x85: {  	_ =	shalt  }
0x86: {  	_ =	shalt  }
0x87: {  	_ =	shalt  }
.Lfunc_end0:
.L_simem_size_0:
called_computation_lowered:
.L_overlay_start_0:
0x88: {  	s2 =	sld [smem:$0x3FD9]  }
0x89: {  	s3 =	sld [smem:$0x3FFE];
	_ =	sdelay $0x1  }
0x8a: {  	s1 =	srdreg.scid  }
0x8b: {  	s0 =	sand.u32 $0x1, s1  }
0x8c: {  	s17 =	sshll.u32 s0, $0xA;
	s2 =	sadd.s32 s3, s2  }
0x8d: {  	s2 =	sadd.s32 s2, s17  }
0x8e: {  	[smem:$0x3FC2] =	sst s2  }
0x8f: {  	_ = 	snop  }
0x90: {  	s2 =	sld [smem:$0x3FD0];
	(tm) =	ssettm $0x1  }
0x91: {  	s18 =	sld [smem:$0x3FFB];
	_ =	sdelay $0x3  }
0x92: {  	_ =	strace s18  }
0x93: {  	s3 =	sld [smem:$0x3FFC];
	_ =	sdelay $0x3  }
0x94: {  	_ =	strace s3  }
0x95: {  	s3 =	sld [smem:$0x3FFD];
	_ =	sdelay $0x3  }
0x96: {  	_ =	strace s3  }
0x97: {  	_ =	strace $0x8FFFFFFF  }
0x98: {  	s19 =	sld [smem:$0x3FDB];
	_ =	sdelay $0x1  }
0x99: {  	s4 =	simm.s32 $_scs_section_size  }
0x9a: {  	s5 =	simm.s32 $_size__tile_overlayer_lowered;
	s6 =	simm.s32 $_tile_overlayer_lowered  }
0x9b: {  	s22 =	simm.s32 $0x1BFF;
	s21 =	sshll.u32 s6, $0x1;
	s3 =	sadd.s32 s4, s19  }
0x9c: {  	s7 =	simm.s32 $0x0;
	s20 =	sshll.u32 s5, $0x1;
	s5 =	sadd.s32 s21, s3  }
0x9d: {  	[timem:s7], [sflag:s22] =	dma.local [hbm:s5], s20  }
0x9e: {  	_ =	swait.ge [sflag:s22], s20  }
0x9f: {  	s4 =	ssub.s32 $0x0, s20;
	[sflag:s22] =	ssyncset.done $0x0  }
0xa0: {  	[sflag:s22] =	ssyncadd.s32 s4;
	_ =	sdelay $0x1  }
0xa1: {  	s23 =	simm.s32 $0x1B8B  }
0xa2: {  	_ =	swait.ge [sflag:s23], $0x1  }
0xa3: {  	[sflag:s23] =	ssyncset.done $0x0  }
0xa4: {  	s25 =	simm.s32 $0x1B8E;
	s24 =	sld [smem:$0x3FFE];
	[sflag:s23] =	ssyncadd.s32 $0xFFFFFFFF  }
0xa5: {  	s26 =	simm.s32 $execute0_lowered;
	[smem:$0x3FD2] =	sst s25  }
0xa6: {  	s5 =	sshll.u32 s26, $0x1;
	_ =	strace $0x80000046;
	[dreg:$0x1] =	wrdreg $0xFFFFFFFF  }
0xa7: {  	s28 =	simm.s32 $_size_execute0_lowered;
	s3 =	sadd.s32 s3, s5;
	[dreg:$0x0] =	wrdreg $0x0  }
0xa8: {  	s5 =	sshll.u32 s28, $0x1;
	[dreg:$0x2] =	wrdreg s3  }
0xa9: {  	[dreg:$0x3] =	wrdreg s5  }
0xaa: {  	[dreg:$0x4] =	wrdreg $0xC0  }
0xab: {  	_ =	task [dreg:s7], $0x5FFFF  }
0xac: {  	[dreg:$0x1] =	wrdreg $0xFFFFFFFF  }
0xad: {  	[dreg:$0x0] =	wrdreg $0x60  }
0xae: {  	[dreg:$0x2] =	wrdreg s24  }
0xaf: {  	[dreg:$0x3] =	wrdreg s2  }
0xb0: {  	[dreg:$0x4] =	wrdreg $0x4000  }
0xb1: {  	[dreg:$0x5] =	wrdreg $0x9  }
0xb2: {  	_ =	task.clear_ibuf [dreg:s7], $0x6FFFF;
	_ =	strace $0x90000046  }
0xb3: {  	s29 =	simm.s32 $0x9;
	_ =	strace $0x80000048  }
0xb4: {  	_ =	swait.ge [sflag:s29], $0x1  }
0xb5: {  	[sflag:s29] =	ssyncadd.s32 $0xFFFFFFFF  }
0xb6: {  	_ =	strace $0x90000048  }
0xb7: {  	_ =	sfence  }
0xb8: {  	s30 =	sld [smem:$0x0];
	_ =	sdelay $0x2  }
0xb9: {  	s31 =	sshll.u32 s1, $0xD;
	s1 =	sshrl.u32 s1, $0x2  }
0xba: {  	s3 =	sand.u32 $0x4000, s31;
	s1 =	sadd.s32 s1, s30  }
0xbb: {  	s0 =	sor.u32 s3, s0;
	s1 =	sshll.u32 s1, $0x11  }
0xbc: {  	s0 =	sor.u32 s1, s0  }
0xbd: {  	s0 =	sadd.s32 $0x8F2B, s0  }
0xbe: {  	[sflag:s0] =	ssyncadd.remote.s32 $0x1  }
0xbf: {  	_ =	sfence.sel $0xFFFF  }
0xc0: {  	[dreg:$0x0] =	wrdreg $0xFFFFFFFF;
	(pc) =	sbr.abs _section_cstart, $3  }
0xc1: {  	[dreg:$0x1] =	wrdreg $0xFFFFFFFF  }
0xc2: {  	_ =	task.clear_ibuf [dreg:s7], $0x2FFFF;
	_ =	strace $0x9FFFFFFF  }
0xc3: {  	(tm) =	ssettm $0x7FFFFFFF  }
tec
execute0_lowered:
.L_overlay_start_1:
0x0: {  	(tag) =	ssettag $0x1  }
0x1: {  	s4 =	rddreg [dreg:$0x0]  }
0x2: {  	s10 =	rddreg [dreg:$0x1]  }
0x3: {  	s2 =	rddreg [dreg:$0x2]  }
0x4: {  	s0 =	rddreg [dreg:$0x3]  }
0x5: {  	s3 =	simm.s32 $0x0;
	s5 =	srdreg.scid;
	s1 =	stileid.u32  }
0x6: {  	s17 =	simm.s32 $0x2;
	s18 =	simm.s32 $0x0;
	s6 =	smul.u32 $0x9C0, s1  }
0x7: {  	[smem:$0x7FF] =	sst s3;
	s7 =	sand.u32 $0x1, s5;
	s9 =	smul.u32 $0x270, s1  }
0x8: {  	s25 =	sshll.u32 s1, $0x1;
	s13 =	sadd.s32 $0x1800, s4;
	s14 =	smul.u32 $0x5000, s1  }
0x9: {  	p0 =	seq.s32 s1, $0xF;
	_ =	strace $0x80000047;
	s12 =	smul.u32 $0x2710, s7  }
0xa: {  	s5 =	sor.u32 s7, s25;
	s26 =	ssub.s32 $0x2, s7;
	s16 =	smul.u32 $0x2800, s7  }
0xb: {  	s8 =	smul.u32 $0x2800, s5;
	s28 =	sshrl.u32 s26, $0x1;
	s6 =	sshrl.u32 s6, $0x2  }
0xc: {  	s5 =	sadd.s32 $0x2490, s2;
	s11 =	ssub.s32 s26, s28;
	s4 =	sadd.s32 s6, s2  }
0xd: {  	s15 =	sadd.s32 s9, s12;
	s12 =	sshrl.u32 s12, $0x3;
	s14 =	sadd.s32 s16, s14  }
0xe: {  	s16 =	simm.s32 $0x100;
	s29 =	sshrl.u32 s8, $0x3;
	s8 =	sadd.s32 s9, s2  }
0xf: {  	s30 =	sshrl.u32 s15, $0x3;
	s31 =	sor.u32 $0x100, s14;
	s14 =	sor.u32 $0x80, s14  }
0x10: {  	s11 =	smax.u32 s11, $0x1;
	s15 =	simm.s32 $0x80;
	s6 =	sadd.s32 s13, s29  }
0x11: {  	s9 =	sadd.s32 s10, s30;
	s10 =	sadd.s32 s10, s12;
	s12 =	sshrl.u32 s31, $0x3  }
0x12: {  	s14 =	sshrl.u32 s14, $0x3;
	s7 =	sadd.s32 $0x4F0, s6;
	s10 =	sadd.s32 $0x492, s10  }
0x13: {  	v0 =	vimm.f32 $0.0e+00;
	v1 =	vimm.f32 $1.000000000e+00;
	s12 =	sadd.s32 s12, s13;
	s13 =	sadd.s32 s14, s13;
	s14 =	simm.s32 $0x1  }
.LBB2_1:
0x14: {  	[tilespmem:$0x180] =	vst v0  }
0x15: {  	[tilespmem:$0x190] =	vst v0  }
0x16: {  	[tilespmem:$0x1A0] =	vst v0  }
0x17: {  	[tilespmem:$0x1B0] =	vst v0  }
0x18: {  	[tilespmem:$0x1C0] =	vst v0  }
0x19: {  	[tilespmem:$0x1D0] =	vst v0  }
0x1a: {  	[tilespmem:$0x1E0] =	vst v0  }
0x1b: {  	[tilespmem:$0x1F0] =	vst v0  }
0x1c: {  	[tilespmem:$0x200] =	vst v0  }
0x1d: {  	[tilespmem:$0x210] =	vst v0  }
0x1e: {  	[tilespmem:$0x220] =	vst v0  }
0x1f: {  	[tilespmem:$0x230] =	vst v0  }
0x20: {  	[tilespmem:$0x240] =	vst v0  }
0x21: {  	[tilespmem:$0x250] =	vst v0  }
0x22: {  	[tilespmem:$0x260] =	vst v0  }
0x23: {  	[tilespmem:$0x270] =	vst v0  }
0x24: {  	[tilespmem:$0x280] =	vst v0  }
0x25: {  	[tilespmem:$0x290] =	vst v0  }
0x26: {  	[tilespmem:$0x2A0] =	vst v0  }
0x27: {  	[tilespmem:$0x2B0] =	vst v0  }
0x28: {  	[tilespmem:$0x2C0] =	vst v0  }
0x29: {  	[tilespmem:$0x2D0] =	vst v0  }
0x2a: {  	[tilespmem:$0x2E0] =	vst v0  }
0x2b: {  	[tilespmem:$0x2F0] =	vst v0  }
0x2c: {  	[tilespmem:$0x300] =	vst v0  }
0x2d: {  	[tilespmem:$0x310] =	vst v0  }
0x2e: {  	[tilespmem:$0x320] =	vst v0  }
0x2f: {  	[tilespmem:$0x330] =	vst v0  }
0x30: {  	[tilespmem:$0x340] =	vst v0  }
0x31: {  	[tilespmem:$0x350] =	vst v0  }
0x32: {  	[tilespmem:$0x360] =	vst v0  }
0x33: {  	[tilespmem:$0x370] =	vst v0  }
0x34: {  	[tilespmem:$0x380] =	vst v0  }
0x35: {  	[tilespmem:$0x390] =	vst v0  }
0x36: {  	[tilespmem:$0x3A0] =	vst v0  }
0x37: {  	[tilespmem:$0x3B0] =	vst v0  }
0x38: {  	[tilespmem:$0x3C0] =	vst v0  }
0x39: {  	[tilespmem:$0x3D0] =	vst v0  }
0x3a: {  	[tilespmem:$0x3E0] =	vst v0  }
0x3b: {  	[tilespmem:$0x3F0] =	vst v0  }
0x3c: {  	[tilespmem:$0x100] =	vst v1  }
0x3d: {  	[tilespmem:$0x110] =	vst v1  }
0x3e: {  	[tilespmem:$0x120] =	vst v1  }
0x3f: {  	[tilespmem:$0x130] =	vst v1  }
0x40: {  	[tilespmem:$0x140] =	vst v1  }
0x41: {  	[tilespmem:$0x150] =	vst v1  }
0x42: {  	[tilespmem:$0x160] =	vst v1  }
0x43: {  	[tilespmem:$0x170] =	vst v1;
	s19 =	simm.s32 @p0 $0x180  }
0x44: {  	[spmem:s5] =	stream.linear.scatter @p0 [tilespmem:s19], [sflag:$0x2], $0x280, $0x38;
	[tilespmem:$0x678] =	vst v63  }
0x45: {  	s19 =	simm.s32 @p0 $0x2  }
0x46: {  	_ =	swait.ge @p0 [sflag:s19], $0x280  }
0x47: {  	[sflag:s19] =	ssyncset.done @p0 $0x0  }
0x48: {  	[sflag:s19] =	ssyncadd.s32 @p0 $0xFFFFFD80;
	s19 =	simm.s32 @!p0 $0x180  }
0x49: {  	[spmem:s4] =	stream.linear.scatter @!p0 [tilespmem:s19], [sflag:$0x2], $0x270, $0x38;
	[tilespmem:$0x678] =	vst v63  }
0x4a: {  	s19 =	simm.s32 @!p0 $0x2  }
0x4b: {  	_ =	swait.ge @!p0 [sflag:s19], $0x270  }
0x4c: {  	[sflag:s19] =	ssyncset.done @!p0 $0x0  }
0x4d: {  	[sflag:s19] =	ssyncadd.s32 @!p0 $0xFFFFFD90  }
0x4e: {  	[bflag:$0x0] =	sbarrier.arrive $0xFFFF  }
0x4f: {  	[tilespmem:s3], [sflag:$0x1] =	stream.linear.gather [hbm4b:s6+s3], $0x80, $0x38;
	[tilespmem:$0x678] =	vst v63  }
0x50: {  	_ =	swait.ge [sflag:s14], $0x80  }
0x51: {  	[sflag:s14] =	ssyncset.done $0x0  }
0x52: {  	s30 =	sadd.s32 $0x0, s13;
	[sflag:s14] =	ssyncadd.s32 $0xFFFFFF80  }
0x53: {  	[tilespmem:s15], [sflag:$0x1] =	stream.linear.gather [hbm4b:s30+s3], $0x80, $0x38;
	[tilespmem:$0x678] =	vst v63  }
0x54: {  	_ = 	snop  }
0x55: {  	[spmem:s2] =	stream.indirect.scatter.add.f32 [tilespmem:s16], [sflag:$0x2], $0x1, s3, s15, $0xb8;
	[tilespmem:$0x678] =	vst v63  }
0x56: {  	_ =	swait.ge [sflag:s17], $0x80  }
0x57: {  	[sflag:s17] =	ssyncset.done $0x0  }
0x58: {  	[sflag:s17] =	ssyncadd.s32 $0xFFFFFF80  }
0x59: {  	_ =	swait.ge [sflag:s14], $0x80  }
0x5a: {  	[sflag:s14] =	ssyncset.done $0x0  }
0x5b: {  	s31 =	sadd.s32 $0x0, s12;
	[sflag:s14] =	ssyncadd.s32 $0xFFFFFF80  }
0x5c: {  	[tilespmem:s3], [sflag:$0x1] =	stream.linear.gather [hbm4b:s31+s3], $0x80, $0x38;
	[tilespmem:$0x678] =	vst v63  }
0x5d: {  	_ = 	snop  }
0x5e: {  	[spmem:s2] =	stream.indirect.scatter.add.f32 [tilespmem:s16], [sflag:$0x2], $0x1, s15, s15, $0xb8;
	[tilespmem:$0x678] =	vst v63  }
0x5f: {  	_ =	swait.ge [sflag:s17], $0x80  }
0x60: {  	s19 =	simm.s32 $0x20;
	[sflag:s17] =	ssyncset.done $0x0  }
.LBB2_2:
0x61: {  	p1 =	sne.s32 s19, $0x4C0  }
0x62: {  	[sflag:s17] =	ssyncadd.s32 $0xFFFFFF80;
	s20 =	smov.u32 s19;
	s19 =	sadd.s32 $0x20, s19  }
0x63: {  	_ = 	snop  }
0x64: {  	_ =	swait.ge [sflag:s14], $0x80  }
0x65: {  	[sflag:s14] =	ssyncset.done $0x0  }
0x66: {  	s21 =	sadd.s32 s20, s13;
	[sflag:s14] =	ssyncadd.s32 $0xFFFFFF80  }
0x67: {  	[tilespmem:s15], [sflag:$0x1] =	stream.linear.gather [hbm4b:s21+s3], $0x80, $0x38;
	[tilespmem:$0x678] =	vst v63  }
0x68: {  	_ = 	snop  }
0x69: {  	[spmem:s2] =	stream.indirect.scatter.add.f32 [tilespmem:s16], [sflag:$0x2], $0x1, s3, s15, $0xb8;
	[tilespmem:$0x678] =	vst v63  }
0x6a: {  	_ =	swait.ge [sflag:s17], $0x80  }
0x6b: {  	[sflag:s17] =	ssyncset.done $0x0  }
0x6c: {  	[sflag:s17] =	ssyncadd.s32 $0xFFFFFF80  }
0x6d: {  	_ =	swait.ge [sflag:s14], $0x80  }
0x6e: {  	[sflag:s14] =	ssyncset.done $0x0  }
0x6f: {  	s20 =	sadd.s32 s20, s12;
	[sflag:s14] =	ssyncadd.s32 $0xFFFFFF80  }
0x70: {  	[tilespmem:s3], [sflag:$0x1] =	stream.linear.gather [hbm4b:s20+s3], $0x80, $0x38;
	[tilespmem:$0x678] =	vst v63  }
.Ltmp0:
0x71: {  	_ = 	snop;
	(pc) =	sbr.rel @p1 .LBB2_2-.Ltmp0, $4  }
0x72: {  	_ = 	snop  }
0x73: {  	[spmem:s2] =	stream.indirect.scatter.add.f32 [tilespmem:s16], [sflag:$0x2], $0x1, s15, s15, $0xb8;
	[tilespmem:$0x678] =	vst v63  }
0x74: {  	_ =	swait.ge [sflag:s17], $0x80  }
0x75: {  	[sflag:s17] =	ssyncset.done $0x0  }
0x76: {  	[sflag:s17] =	ssyncadd.s32 $0xFFFFFF80  }
0x77: {  	_ =	swait.ge [sflag:s14], $0x80  }
0x78: {  	[sflag:s14] =	ssyncset.done $0x0  }
0x79: {  	[sflag:s14] =	ssyncadd.s32 $0xFFFFFF80  }
0x7a: {  	[tilespmem:s15], [sflag:$0x1] =	stream.linear.gather [hbm4b:s7+s3], $0x80, $0x38;
	[tilespmem:$0x678] =	vst v63  }
0x7b: {  	_ = 	snop  }
0x7c: {  	[spmem:s2] =	stream.indirect.scatter.add.f32 [tilespmem:s16], [sflag:$0x2], $0x1, s3, s15, $0xb8;
	[tilespmem:$0x678] =	vst v63  }
0x7d: {  	_ =	swait.ge [sflag:s17], $0x80  }
0x7e: {  	[sflag:s17] =	ssyncset.done $0x0  }
0x7f: {  	[sflag:s17] =	ssyncadd.s32 $0xFFFFFF80  }
0x80: {  	_ =	swait.ge [sflag:s14], $0x80  }
0x81: {  	[sflag:s14] =	ssyncset.done $0x0  }
0x82: {  	[sflag:s14] =	ssyncadd.s32 $0xFFFFFF80  }
0x83: {  	[spmem:s2] =	stream.indirect.scatter.add.f32 [tilespmem:s16], [sflag:$0x2], $0x1, s15, s15, $0xb8;
	[tilespmem:$0x678] =	vst v63  }
0x84: {  	_ =	swait.ge [sflag:s17], $0x80  }
0x85: {  	[sflag:s17] =	ssyncset.done $0x0  }
0x86: {  	[sflag:s17] =	ssyncadd.s32 $0xFFFFFF80  }
0x87: {  	s19 =	simm.s32 @p0 $0x180;
	s20 =	simm.s32 @p0 $0x2;
	[bflag:$0x0] =	sbarrier.arrive $0xFFFF  }
0x88: {  	[tilespmem:s19], [sflag:$0x2] =	stream.linear.gather @p0 [spmem:s5], $0x280, $0x38;
	[tilespmem:$0x678] =	vst v63  }
0x89: {  	_ =	swait.ge @p0 [sflag:s20], $0x280  }
0x8a: {  	[sflag:s20] =	ssyncset.done @p0 $0x0  }
0x8b: {  	s21 =	simm.s32 @p0 $0x0;
	[sflag:s20] =	ssyncadd.s32 @p0 $0xFFFFFD80  }
0x8c: {  	[hbm4b:s10+s21] =	stream.linear.scatter @p0 [tilespmem:s19], [sflag:$0x2], $0x280, $0x38;
	[tilespmem:$0x678] =	vst v63  }
0x8d: {  	_ =	swait.ge @p0 [sflag:s20], $0x280  }
0x8e: {  	[sflag:s20] =	ssyncset.done @p0 $0x0  }
0x8f: {  	s19 =	simm.s32 @!p0 $0x180;
	[sflag:s20] =	ssyncadd.s32 @p0 $0xFFFFFD80;
	s20 =	simm.s32 @!p0 $0x2  }
0x90: {  	[tilespmem:s19], [sflag:$0x2] =	stream.linear.gather @!p0 [spmem:s8], $0x270, $0x38;
	[tilespmem:$0x678] =	vst v63  }
0x91: {  	s18 =	sadd.s32 $0x1, s18;
	_ =	swait.ge @!p0 [sflag:s20], $0x270  }
0x92: {  	p1 =	sne.s32 s18, s11;
	[sflag:s20] =	ssyncset.done @!p0 $0x0  }
.Ltmp1:
0x93: {  	s21 =	simm.s32 @!p0 $0x0;
	[sflag:s20] =	ssyncadd.s32 @!p0 $0xFFFFFD90;
	(pc) =	sbr.rel @p1 .LBB2_1-.Ltmp1, $4  }
0x94: {  	[hbm4b:s9+s21] =	stream.linear.scatter @!p0 [tilespmem:s19], [sflag:$0x2], $0x270, $0x38;
	[tilespmem:$0x678] =	vst v63  }
0x95: {  	_ =	swait.ge @!p0 [sflag:s20], $0x270  }
0x96: {  	[sflag:s20] =	ssyncset.done @!p0 $0x0  }
0x97: {  	[sflag:s20] =	ssyncadd.s32 @!p0 $0xFFFFFD90  }
0x98: {  	_ =	sfence.sel $0x180000  }
0x99: {  	[bflag:$0x0] =	sbarrier.arrive $0xFFFF  }
0x9a: {  	p0 =	sne.s32 s1, $0x0;
	_ =	strace $0x90000047  }
0x9b: {  	s0 =	sadd.s32 @!p0 $0x100000, s0;
	[bflag:$0x2] =	sbarrier.arrive $0xFFFF  }
0x9c: {  	[sflag:s0] =	ssyncadd.tile.s32 @!p0 $0x1;
	_ =	shalt  }
.Lfunc_end2:
_tile_overlayer_lowered:
.L_overlay_start_2:
0x9d: {  	(tag) =	ssettag $0x2  }
0x9e: {  	s0 =	rddreg [dreg:$0x0];
	s2 =	stileid.u32  }
0x9f: {  	s1 =	rddreg [dreg:$0x1];
	p0 =	sne.s32 s2, $0x0  }
0xa0: {  	s3 =	rddreg [dreg:$0x2];
	[bflag:$0x3] =	sbarrier.arrive $0xFFFF;
	s2 =	simm.s32 @!p0 $0x1C02  }
0xa1: {  	[timem:s3], [sflag:s2] =	dma.local @!p0 [hbm:s0], s1  }
0xa2: {  	s0 =	simm.s32 @!p0 $0x2  }
0xa3: {  	_ =	swait.ge @!p0 [sflag:s0], s1  }
0xa4: {  	s1 =	ssub.s32 @!p0 $0x0, s1;
	[sflag:s0] =	ssyncset.done @!p0 $0x0  }
0xa5: {  	[sflag:s0] =	ssyncadd.s32 @!p0 s1  }
0xa6: {  	[bflag:$0x3] =	sbarrier.arrive $0xFFFF  }
0xa7: {  	_ =	shalt  }

</sc_bundles>
